<compile_context>
chip_gen: v7x
topology: tpu7x:2x2x1
jax: 0.10.2.dev20260603
libtpu: 0.0.44.dev20260713+nightly
codegen_flags: <defaults>
</compile_context>

<pallas_src>
import functools

import jax
import jax.numpy as jnp
from jax import lax
from jax.experimental import pallas as pl
from jax.experimental.pallas import tpu as pltpu
from jax.experimental.pallas import tpu_sc as plsc

B, L, D = 4, 4096, 1024
LANES = 16
NC, NS = 2, 16
NW = NC * NS
W_PER_B = NW // B
ROWS_PER_W = L // W_PER_B
CHUNK = LANES
NCHUNK = ROWS_PER_W // CHUNK
NBUF = 2


def _pe_add(x, offset_bcast, pe):
    mesh = plsc.VectorSubcoreMesh(core_axis_name="c", subcore_axis_name="s")

    buf = lambda: pltpu.VMEM((CHUNK, D), jnp.float32)
    sem = pltpu.SemaphoreType.DMA

    @functools.partial(
        pl.kernel,
        mesh=mesh,
        out_type=jax.ShapeDtypeStruct((B, L, D), jnp.float32),
        scratch_types=[pltpu.VMEM((LANES,), jnp.int32)]
        + [buf() for _ in range(3 * NBUF)]
        + [sem for _ in range(3 * NBUF)],
    )
    def k(x_hbm, off_hbm, pe_hbm, out_hbm, off_v,
          xb0, xb1, pb0, pb1, ob0, ob1,
          xs0, xs1, ps0, ps1, os0, os1):
        xbuf, pbuf, obuf = (xb0, xb1), (pb0, pb1), (ob0, ob1)
        xsem, psem, osem = (xs0, xs1), (ps0, ps1), (os0, os1)

        wid = lax.axis_index("s") * NC + lax.axis_index("c")
        b = wid // W_PER_B
        l_base = (wid % W_PER_B) * ROWS_PER_W

        pltpu.sync_copy(off_hbm.at[wid], off_v)
        offv = off_v[...]
        iot = lax.iota(jnp.int32, LANES)

        def start_in(s, l0):
            idxv = jnp.maximum(iot + (l0 + 1) - offv, 0)
            pltpu.make_async_copy(pe_hbm.at[idxv], pbuf[s], psem[s]).start()
            pltpu.make_async_copy(
                x_hbm.at[b, pl.ds(l0, CHUNK)], xbuf[s], xsem[s]).start()

        def wait_in(s):
            pltpu.make_async_copy(
                x_hbm.at[b, pl.ds(0, CHUNK)], xbuf[s], xsem[s]).wait()
            pltpu.make_async_copy(
                pe_hbm.at[pl.ds(0, CHUNK)], pbuf[s], psem[s]).wait()

        for s in range(NBUF):
            start_in(s, l_base + s * CHUNK)

        def group_body(g, carry):
            for s in range(NBUF):
                c = g * NBUF + s
                l0 = l_base + c * CHUNK
                wait_in(s)

                @pl.when(g > 0)
                def _():
                    pltpu.make_async_copy(
                        obuf[s], out_hbm.at[b, pl.ds(l0, CHUNK)],
                        osem[s]).wait()

                def row_body(r, rc):
                    for cc in range(D // LANES):
                        sl = pl.ds(cc * LANES, LANES)
                        obuf[s][r, sl] = xbuf[s][r, sl] + pbuf[s][r, sl]
                    return rc
                lax.fori_loop(0, CHUNK, row_body, 0)

                pltpu.make_async_copy(
                    obuf[s], out_hbm.at[b, pl.ds(l0, CHUNK)], osem[s]).start()

                @pl.when(c + NBUF < NCHUNK)
                def _():
                    start_in(s, l0 + NBUF * CHUNK)
            return carry

        lax.fori_loop(0, NCHUNK // NBUF, group_body, 0)

        for s in range(NBUF):
            c = NCHUNK - NBUF + s
            l0 = l_base + c * CHUNK
            pltpu.make_async_copy(
                obuf[s], out_hbm.at[b, pl.ds(l0, CHUNK)], osem[s]).wait()

    return k(x, offset_bcast, pe)


def kernel(x, offset, pe):
    off_bcast = jnp.broadcast_to(
        offset.reshape(B, 1, 1).astype(jnp.int32), (B, W_PER_B, LANES)
    ).reshape(NW, LANES)
    return _pe_add(x, off_bcast, pe)

# --- scband reference (transcript-rebuilt; emitter-appended) ---
"""Pipeline reference for scband-positional-encoding-81140522156432 (READ-ONLY COPY).

The authoritative reference and input builder live on the scoring server;
editing this copy changes nothing except your own understanding.
"""

import math
import jax, jax.numpy as jnp
import numpy as np

EMB_SIZE = 1024
MAX_LEN = 5000
B, L, D = 4, 4096, 1024


def _make_pe(max_len, emb_size):
    pe = np.zeros((max_len, emb_size), dtype=np.float32)
    position = np.arange(0, max_len, dtype=np.float32)[:, None]
    div_term = np.exp(np.arange(0, emb_size, 2, dtype=np.float32) * (-math.log(10000.0) / emb_size))
    pe[:, 0::2] = np.sin(position * div_term)
    pe[:, 1::2] = np.cos(position * div_term)
    pe = np.vstack((np.zeros((1, emb_size), dtype=np.float32), pe))
    return jnp.asarray(pe)


def setup_inputs(seed: int = 0) -> dict:
    key = jax.random.key(seed)
    k1, k2 = jax.random.split(key)
    x = jax.random.normal(k1, (B, L, D), dtype=jnp.float32)
    offset = jax.random.randint(k2, (B, 1), 0, 16, dtype=jnp.int32)
    pe = _make_pe(MAX_LEN, EMB_SIZE)
    return {"x": x, "offset": offset, "pe": pe}


def reference(x, offset, pe):
    # x: [B, L, D]; offset: [B, 1]; pe: [max_len+1, D]
    seq_len = x.shape[1]
    # shifts = relu(arange(1, L+1) - offset) computed in float then cast to int (matches torch type_as(x))
    shifts = jnp.maximum(
        jnp.arange(1, seq_len + 1, dtype=jnp.float32)[None, :] - offset.astype(jnp.float32),
        0.0,
    ).astype(jnp.int32)  # [B, L]
    pe_gathered = jnp.take(pe, shifts, axis=0)  # [B, L, D]
    return x + pe_gathered

if __name__ == "__main__":
    import jax
    _d = setup_inputs()
    print(jax.jit(kernel)(*tuple(_d.values())))

</pallas_src>

<mosaic_0001>
#map = affine_map<(d0, d1) -> (0, 0, 0)>
#map1 = affine_map<(d0, d1) -> (0, 0)>
module attributes {stable_mosaic.version = 14 : i64} {
  func.func @k(%arg0: i32, %arg1: i32, %arg2: memref<4x4096x1024xf32, #tpu.memory_space<hbm>>, %arg3: memref<32x16xi32, #tpu.memory_space<hbm>>, %arg4: memref<5001x1024xf32, #tpu.memory_space<hbm>>, %arg5: memref<4x4096x1024xf32, #tpu.memory_space<hbm>>, %arg6: memref<16xi32, #tpu.memory_space<vmem>>, %arg7: memref<16x1024xf32, #tpu.memory_space<vmem>>, %arg8: memref<16x1024xf32, #tpu.memory_space<vmem>>, %arg9: memref<16x1024xf32, #tpu.memory_space<vmem>>, %arg10: memref<16x1024xf32, #tpu.memory_space<vmem>>, %arg11: memref<16x1024xf32, #tpu.memory_space<vmem>>, %arg12: memref<16x1024xf32, #tpu.memory_space<vmem>>, %arg13: memref<!tpu.dma_semaphore, #tpu.memory_space<semaphore_mem>>, %arg14: memref<!tpu.dma_semaphore, #tpu.memory_space<semaphore_mem>>, %arg15: memref<!tpu.dma_semaphore, #tpu.memory_space<semaphore_mem>>, %arg16: memref<!tpu.dma_semaphore, #tpu.memory_space<semaphore_mem>>, %arg17: memref<!tpu.dma_semaphore, #tpu.memory_space<semaphore_mem>>, %arg18: memref<!tpu.dma_semaphore, #tpu.memory_space<semaphore_mem>>) attributes {dimension_semantics = [#tpu.dimension_semantics<core_parallel>, #tpu.dimension_semantics<subcore_parallel>], iteration_bounds = array<i64: 2, 16>, scalar_prefetch = 0 : i64, scratch_operands = 13 : i64, tpu.core_type = #tpu.core_type<sc_vector_subcore>, window_params = [{transform_indices = #map}, {transform_indices = #map1}, {transform_indices = #map1}, {transform_indices = #map}]} {
    %mul3A = arith.constant 2 : i32
    %mul3A_0 = arith.muli %arg1, %mul3A : i32
    %add3A = arith.addi %mul3A_0, %arg0 : i32
    %jit3A = arith.constant 8 : i32
    %div3A = arith.divsi %add3A, %jit3A : i32
    %sign3A = arith.constant 0 : i32
    %sign3A_1 = arith.cmpi sgt, %add3A, %sign3A : i32
    %sign3A_2 = arith.extui %sign3A_1 : i1 to i32
    %sign3A_3 = arith.constant 0 : i32
    %sign3A_4 = arith.cmpi slt, %add3A, %sign3A_3 : i32
    %sign3A_5 = arith.extui %sign3A_4 : i1 to i32
    %sign3A_6 = arith.subi %sign3A_2, %sign3A_5 : i32
    %sign3A_7 = arith.constant 0 : i32
    %sign3A_8 = arith.cmpi sgt, %jit3A, %sign3A_7 : i32
    %sign3A_9 = arith.extui %sign3A_8 : i1 to i32
    %sign3A_10 = arith.constant 0 : i32
    %sign3A_11 = arith.cmpi slt, %jit3A, %sign3A_10 : i32
    %sign3A_12 = arith.extui %sign3A_11 : i1 to i32
    %sign3A_13 = arith.subi %sign3A_9, %sign3A_12 : i32
    %ne3A = arith.cmpi ne, %sign3A_6, %sign3A_13 : i32
    %rem3A = arith.remsi %add3A, %jit3A : i32
    %ne3A_14 = arith.constant 0 : i32
    %ne3A_15 = arith.cmpi ne, %rem3A, %ne3A_14 : i32
    %and3A = arith.andi %ne3A, %ne3A_15 : i1
    %sub3A = arith.constant 1 : i32
    %sub3A_16 = arith.subi %div3A, %sub3A : i32
    %select_n3A = arith.select %and3A, %sub3A_16, %div3A : i32
    %jit3A_17 = arith.constant 8 : i32
    %eq3A = arith.constant 0 : i32
    %eq3A_18 = arith.cmpi eq, %jit3A_17, %eq3A : i32
    %jit3A_19 = arith.constant 1 : i32
    %select_n3A_20 = arith.select %eq3A_18, %jit3A_19, %jit3A_17 : i32
    %rem3A_21 = arith.remsi %add3A, %select_n3A_20 : i32
    %ne3A_22 = arith.constant 0 : i32
    %ne3A_23 = arith.cmpi ne, %rem3A_21, %ne3A_22 : i32
    %lt3A = arith.constant 0 : i32
    %lt3A_24 = arith.cmpi slt, %rem3A_21, %lt3A : i32
    %lt3A_25 = arith.constant 0 : i32
    %lt3A_26 = arith.cmpi slt, %select_n3A_20, %lt3A_25 : i32
    %ne3A_27 = arith.xori %lt3A_24, %lt3A_26 : i1
    %and3A_28 = arith.andi %ne3A_27, %ne3A_23 : i1
    %add3A_29 = arith.addi %rem3A_21, %select_n3A_20 : i32
    %select_n3A_30 = arith.select %and3A_28, %add3A_29, %rem3A_21 : i32
    %mul3A_31 = arith.constant 512 : i32
    %mul3A_32 = arith.muli %select_n3A_30, %mul3A_31 : i32
    "tpu.region"() ({
      %run_scoped3A = tpu.sem_alloc : memref<!tpu.dma_semaphore, #tpu.memory_space<semaphore_mem>>
      %dma_start3A_91 = arith.constant 0 : i32
      %dma_start3A_92 = tpu.memref_slice %arg3[%add3A, %dma_start3A_91] : memref<32x16xi32, #tpu.memory_space<hbm>> -> memref<1x16xi32, #tpu.memory_space<hbm>>
      %dma_start3A_93 = tpu.memref_squeeze %dma_start3A_92 : memref<1x16xi32, #tpu.memory_space<hbm>> -> memref<16xi32, #tpu.memory_space<hbm>>
      %dma_start3A_94 = arith.constant 0 : i32
      %dma_start3A_95 = tpu.memref_slice %arg3[%add3A, %dma_start3A_94] : memref<32x16xi32, #tpu.memory_space<hbm>> -> memref<1x16xi32, #tpu.memory_space<hbm>>
      %dma_start3A_96 = tpu.memref_squeeze %dma_start3A_95 : memref<1x16xi32, #tpu.memory_space<hbm>> -> memref<16xi32, #tpu.memory_space<hbm>>
      tpu.enqueue_dma source(%dma_start3A_96 : memref<16xi32, #tpu.memory_space<hbm>>) target(%arg6 : memref<16xi32, #tpu.memory_space<vmem>>) target_semaphore(%run_scoped3A : memref<!tpu.dma_semaphore, #tpu.memory_space<semaphore_mem>>)
      %dma_wait3A_97 = arith.constant 0 : i32
      %dma_wait3A_98 = tpu.memref_slice %arg3[%add3A, %dma_wait3A_97] : memref<32x16xi32, #tpu.memory_space<hbm>> -> memref<1x16xi32, #tpu.memory_space<hbm>>
      %dma_wait3A_99 = tpu.memref_squeeze %dma_wait3A_98 : memref<1x16xi32, #tpu.memory_space<hbm>> -> memref<16xi32, #tpu.memory_space<hbm>>
      %dma_wait3A_100 = arith.constant 0 : i32
      %dma_wait3A_101 = tpu.memref_slice %arg3[%add3A, %dma_wait3A_100] : memref<32x16xi32, #tpu.memory_space<hbm>> -> memref<1x16xi32, #tpu.memory_space<hbm>>
      %dma_wait3A_102 = tpu.memref_squeeze %dma_wait3A_101 : memref<1x16xi32, #tpu.memory_space<hbm>> -> memref<16xi32, #tpu.memory_space<hbm>>
      tpu.wait_dma2 semaphore(%run_scoped3A : memref<!tpu.dma_semaphore, #tpu.memory_space<semaphore_mem>>) src(%dma_wait3A_102 : memref<16xi32, #tpu.memory_space<hbm>>) dst(%arg6 : memref<16xi32, #tpu.memory_space<vmem>>)
      tpu.yield
    }) : () -> ()
    %get3A = arith.constant 0 : index
    %get3A_33 = tpu.vector_load %arg6[%get3A] {strides = array<i32>} : memref<16xi32, #tpu.memory_space<vmem>>, vector<16xi32>,
    %get3A_34 = vector.shape_cast %get3A_33 : vector<16xi32> to vector<16xi32>
    %iota3A = tpu.iota {dimensions = array<i32: 0>} : vector<16xi32>
    %add3A_35 = arith.constant 0 : i32
    %add3A_36 = arith.addi %mul3A_32, %add3A_35 : i32
    %add3A_37 = arith.constant 1 : i32
    %add3A_38 = arith.addi %add3A_36, %add3A_37 : i32
    %add3A_39 = vector.broadcast %add3A_38 : i32 to vector<16xi32>
    %add3A_40 = arith.addi %iota3A, %add3A_39 : vector<16xi32>
    %sub3A_41 = arith.subi %add3A_40, %get3A_34 : vector<16xi32>
    %max3A = arith.constant 0 : i32
    %max3A_42 = vector.broadcast %max3A : i32 to vector<16xi32>
    %max3A_43 = arith.maxsi %sub3A_41, %max3A_42 : vector<16xi32>
    %dma_start3A = arith.constant 0 : i32
    %dma_start3A_44 = arith.constant 0 : i32
    %dma_start3A_45 = tpu.memref_slice %arg4[%dma_start3A, %dma_start3A_44] : memref<5001x1024xf32, #tpu.memory_space<hbm>> -> memref<5001x1024xf32, #tpu.memory_space<hbm>>
    tpu.enqueue_indirect_dma source(%dma_start3A_45 : memref<5001x1024xf32, #tpu.memory_space<hbm>>) target(%arg9 : memref<16x1024xf32, #tpu.memory_space<vmem>>) offsets(%max3A_43 : vector<16xi32>) semaphore(%arg15 : memref<!tpu.dma_semaphore, #tpu.memory_space<semaphore_mem>>)
    %dma_start3A_46 = arith.constant 0 : i32
    %dma_start3A_47 = tpu.memref_slice %arg2[%select_n3A, %add3A_36, %dma_start3A_46] : memref<4x4096x1024xf32, #tpu.memory_space<hbm>> -> memref<1x16x1024xf32, #tpu.memory_space<hbm>>
    %dma_start3A_48 = tpu.memref_squeeze %dma_start3A_47 : memref<1x16x1024xf32, #tpu.memory_space<hbm>> -> memref<16x1024xf32, #tpu.memory_space<hbm>>
    %dma_start3A_49 = arith.constant 0 : i32
    %dma_start3A_50 = tpu.memref_slice %arg2[%select_n3A, %add3A_36, %dma_start3A_49] : memref<4x4096x1024xf32, #tpu.memory_space<hbm>> -> memref<1x16x1024xf32, #tpu.memory_space<hbm>>
    %dma_start3A_51 = tpu.memref_squeeze %dma_start3A_50 : memref<1x16x1024xf32, #tpu.memory_space<hbm>> -> memref<16x1024xf32, #tpu.memory_space<hbm>>
    tpu.enqueue_dma source(%dma_start3A_51 : memref<16x1024xf32, #tpu.memory_space<hbm>>) target(%arg7 : memref<16x1024xf32, #tpu.memory_space<vmem>>) target_semaphore(%arg13 : memref<!tpu.dma_semaphore, #tpu.memory_space<semaphore_mem>>)
    %add3A_52 = arith.constant 16 : i32
    %add3A_53 = arith.addi %mul3A_32, %add3A_52 : i32
    %add3A_54 = arith.constant 1 : i32
    %add3A_55 = arith.addi %add3A_53, %add3A_54 : i32
    %add3A_56 = vector.broadcast %add3A_55 : i32 to vector<16xi32>
    %add3A_57 = arith.addi %iota3A, %add3A_56 : vector<16xi32>
    %sub3A_58 = arith.subi %add3A_57, %get3A_34 : vector<16xi32>
    %max3A_59 = arith.constant 0 : i32
    %max3A_60 = vector.broadcast %max3A_59 : i32 to vector<16xi32>
    %max3A_61 = arith.maxsi %sub3A_58, %max3A_60 : vector<16xi32>
    %dma_start3A_62 = arith.constant 0 : i32
    %dma_start3A_63 = arith.constant 0 : i32
    %dma_start3A_64 = tpu.memref_slice %arg4[%dma_start3A_62, %dma_start3A_63] : memref<5001x1024xf32, #tpu.memory_space<hbm>> -> memref<5001x1024xf32, #tpu.memory_space<hbm>>
    tpu.enqueue_indirect_dma source(%dma_start3A_64 : memref<5001x1024xf32, #tpu.memory_space<hbm>>) target(%arg10 : memref<16x1024xf32, #tpu.memory_space<vmem>>) offsets(%max3A_61 : vector<16xi32>) semaphore(%arg16 : memref<!tpu.dma_semaphore, #tpu.memory_space<semaphore_mem>>)
    %dma_start3A_65 = arith.constant 0 : i32
    %dma_start3A_66 = tpu.memref_slice %arg2[%select_n3A, %add3A_53, %dma_start3A_65] : memref<4x4096x1024xf32, #tpu.memory_space<hbm>> -> memref<1x16x1024xf32, #tpu.memory_space<hbm>>
    %dma_start3A_67 = tpu.memref_squeeze %dma_start3A_66 : memref<1x16x1024xf32, #tpu.memory_space<hbm>> -> memref<16x1024xf32, #tpu.memory_space<hbm>>
    %dma_start3A_68 = arith.constant 0 : i32
    %dma_start3A_69 = tpu.memref_slice %arg2[%select_n3A, %add3A_53, %dma_start3A_68] : memref<4x4096x1024xf32, #tpu.memory_space<hbm>> -> memref<1x16x1024xf32, #tpu.memory_space<hbm>>
    %dma_start3A_70 = tpu.memref_squeeze %dma_start3A_69 : memref<1x16x1024xf32, #tpu.memory_space<hbm>> -> memref<16x1024xf32, #tpu.memory_space<hbm>>
    tpu.enqueue_dma source(%dma_start3A_70 : memref<16x1024xf32, #tpu.memory_space<hbm>>) target(%arg8 : memref<16x1024xf32, #tpu.memory_space<vmem>>) target_semaphore(%arg14 : memref<!tpu.dma_semaphore, #tpu.memory_space<semaphore_mem>>)
    %scan3A = arith.constant 0 : i32
    %scan3A_71 = arith.constant 0 : i32
    %scan3A_72 = arith.constant 16 : i32
    %scan3A_73 = arith.addi %scan3A_71, %scan3A_72 : i32
    %scan3A_74 = arith.constant 1 : i32
    scf.for %scan3A_91 = %scan3A_71 to %scan3A_73 step %scan3A_74  : i32 {
      %mul3A_92 = arith.constant 2 : i32
      %mul3A_93 = arith.muli %scan3A_91, %mul3A_92 : i32
      %add3A_94 = arith.constant 0 : i32
      %add3A_95 = arith.addi %mul3A_93, %add3A_94 : i32
      %mul3A_96 = arith.constant 16 : i32
      %mul3A_97 = arith.muli %add3A_95, %mul3A_96 : i32
      %add3A_98 = arith.addi %mul3A_32, %mul3A_97 : i32
      %dma_wait3A_99 = arith.constant 0 : i32
      %dma_wait3A_100 = arith.constant 0 : i32
      %dma_wait3A_101 = tpu.memref_slice %arg2[%select_n3A, %dma_wait3A_99, %dma_wait3A_100] : memref<4x4096x1024xf32, #tpu.memory_space<hbm>> -> memref<1x16x1024xf32, #tpu.memory_space<hbm>>
      %dma_wait3A_102 = tpu.memref_squeeze %dma_wait3A_101 : memref<1x16x1024xf32, #tpu.memory_space<hbm>> -> memref<16x1024xf32, #tpu.memory_space<hbm>>
      %dma_wait3A_103 = arith.constant 0 : i32
      %dma_wait3A_104 = arith.constant 0 : i32
      %dma_wait3A_105 = tpu.memref_slice %arg2[%select_n3A, %dma_wait3A_103, %dma_wait3A_104] : memref<4x4096x1024xf32, #tpu.memory_space<hbm>> -> memref<1x16x1024xf32, #tpu.memory_space<hbm>>
      %dma_wait3A_106 = tpu.memref_squeeze %dma_wait3A_105 : memref<1x16x1024xf32, #tpu.memory_space<hbm>> -> memref<16x1024xf32, #tpu.memory_space<hbm>>
      tpu.wait_dma2 semaphore(%arg13 : memref<!tpu.dma_semaphore, #tpu.memory_space<semaphore_mem>>) src(%dma_wait3A_106 : memref<16x1024xf32, #tpu.memory_space<hbm>>) dst(%arg7 : memref<16x1024xf32, #tpu.memory_space<vmem>>)
      %dma_wait3A_107 = arith.constant 0 : i32
      %dma_wait3A_108 = arith.constant 0 : i32
      %dma_wait3A_109 = tpu.memref_slice %arg4[%dma_wait3A_107, %dma_wait3A_108] : memref<5001x1024xf32, #tpu.memory_space<hbm>> -> memref<16x1024xf32, #tpu.memory_space<hbm>>
      %dma_wait3A_110 = arith.constant 0 : i32
      %dma_wait3A_111 = arith.constant 0 : i32
      %dma_wait3A_112 = tpu.memref_slice %arg4[%dma_wait3A_110, %dma_wait3A_111] : memref<5001x1024xf32, #tpu.memory_space<hbm>> -> memref<16x1024xf32, #tpu.memory_space<hbm>>
      tpu.wait_dma2 semaphore(%arg15 : memref<!tpu.dma_semaphore, #tpu.memory_space<semaphore_mem>>) src(%dma_wait3A_112 : memref<16x1024xf32, #tpu.memory_space<hbm>>) dst(%arg9 : memref<16x1024xf32, #tpu.memory_space<vmem>>)
      %gt3A = arith.constant 0 : i32
      %gt3A_113 = arith.cmpi sgt, %scan3A_91, %gt3A : i32
      %convert_element_type3A = arith.extui %gt3A_113 : i1 to i32
      %cond3A = arith.constant 0 : i32
      %cond3A_114 = arith.cmpi ne, %convert_element_type3A, %cond3A : i32
      scf.if %cond3A_114 {
        %dma_wait3A_179 = arith.constant 0 : i32
        %dma_wait3A_180 = tpu.memref_slice %arg5[%select_n3A, %add3A_98, %dma_wait3A_179] : memref<4x4096x1024xf32, #tpu.memory_space<hbm>> -> memref<1x16x1024xf32, #tpu.memory_space<hbm>>
        %dma_wait3A_181 = tpu.memref_squeeze %dma_wait3A_180 : memref<1x16x1024xf32, #tpu.memory_space<hbm>> -> memref<16x1024xf32, #tpu.memory_space<hbm>>
        %dma_wait3A_182 = arith.constant 0 : i32
        %dma_wait3A_183 = tpu.memref_slice %arg5[%select_n3A, %add3A_98, %dma_wait3A_182] : memref<4x4096x1024xf32, #tpu.memory_space<hbm>> -> memref<1x16x1024xf32, #tpu.memory_space<hbm>>
        %dma_wait3A_184 = tpu.memref_squeeze %dma_wait3A_183 : memref<1x16x1024xf32, #tpu.memory_space<hbm>> -> memref<16x1024xf32, #tpu.memory_space<hbm>>
        tpu.wait_dma2 semaphore(%arg17 : memref<!tpu.dma_semaphore, #tpu.memory_space<semaphore_mem>>) src(%arg11 : memref<16x1024xf32, #tpu.memory_space<vmem>>) dst(%dma_wait3A_184 : memref<16x1024xf32, #tpu.memory_space<hbm>>)
      } else {
      }
      %scan3A_115 = arith.constant 0 : i32
      %scan3A_116 = arith.constant 0 : i32
      %scan3A_117 = arith.constant 16 : i32
      %scan3A_118 = arith.addi %scan3A_116, %scan3A_117 : i32
      %scan3A_119 = arith.constant 1 : i32
      scf.for %scan3A_179 = %scan3A_116 to %scan3A_118 step %scan3A_119  : i32 {
        %get3A_180 = arith.index_cast %scan3A_179 : i32 to index
        %get3A_181 = arith.constant 0 : index
        %get3A_182 = tpu.vector_load %arg7[%get3A_180, %get3A_181] {strides = array<i32>} : memref<16x1024xf32, #tpu.memory_space<vmem>>, vector<1x16xf32>,
        %get3A_183 = vector.shape_cast %get3A_182 : vector<1x16xf32> to vector<16xf32>
        %get3A_184 = arith.index_cast %scan3A_179 : i32 to index
        %get3A_185 = arith.constant 0 : index
        %get3A_186 = tpu.vector_load %arg9[%get3A_184, %get3A_185] {strides = array<i32>} : memref<16x1024xf32, #tpu.memory_space<vmem>>, vector<1x16xf32>,
        %get3A_187 = vector.shape_cast %get3A_186 : vector<1x16xf32> to vector<16xf32>
        %add3A_188 = arith.addf %get3A_183, %get3A_187 : vector<16xf32>
        %swap3A = arith.index_cast %scan3A_179 : i32 to index
        %swap3A_189 = arith.constant 0 : index
        %swap3A_190 = tpu.vector_load %arg11[%swap3A, %swap3A_189] {strides = array<i32>} : memref<16x1024xf32, #tpu.memory_space<vmem>>, vector<1x16xf32>,
        %swap3A_191 = vector.shape_cast %swap3A_190 : vector<1x16xf32> to vector<16xf32>
        %swap3A_192 = vector.shape_cast %add3A_188 : vector<16xf32> to vector<1x16xf32>
        tpu.vector_store %arg11[%swap3A, %swap3A_189], %swap3A_192 {strides = array<i32>} : memref<16x1024xf32, #tpu.memory_space<vmem>>, vector<1x16xf32>,
        %get3A_193 = arith.index_cast %scan3A_179 : i32 to index
        %get3A_194 = arith.constant 16 : index
        %get3A_195 = tpu.vector_load %arg7[%get3A_193, %get3A_194] {strides = array<i32>} : memref<16x1024xf32, #tpu.memory_space<vmem>>, vector<1x16xf32>,
        %get3A_196 = vector.shape_cast %get3A_195 : vector<1x16xf32> to vector<16xf32>
        %get3A_197 = arith.index_cast %scan3A_179 : i32 to index
        %get3A_198 = arith.constant 16 : index
        %get3A_199 = tpu.vector_load %arg9[%get3A_197, %get3A_198] {strides = array<i32>} : memref<16x1024xf32, #tpu.memory_space<vmem>>, vector<1x16xf32>,
        %get3A_200 = vector.shape_cast %get3A_199 : vector<1x16xf32> to vector<16xf32>
        %add3A_201 = arith.addf %get3A_196, %get3A_200 : vector<16xf32>
        %swap3A_202 = arith.index_cast %scan3A_179 : i32 to index
        %swap3A_203 = arith.constant 16 : index
        %swap3A_204 = tpu.vector_load %arg11[%swap3A_202, %swap3A_203] {strides = array<i32>} : memref<16x1024xf32, #tpu.memory_space<vmem>>, vector<1x16xf32>,
        %swap3A_205 = vector.shape_cast %swap3A_204 : vector<1x16xf32> to vector<16xf32>
        %swap3A_206 = vector.shape_cast %add3A_201 : vector<16xf32> to vector<1x16xf32>
        tpu.vector_store %arg11[%swap3A_202, %swap3A_203], %swap3A_206 {strides = array<i32>} : memref<16x1024xf32, #tpu.memory_space<vmem>>, vector<1x16xf32>,
        %get3A_207 = arith.index_cast %scan3A_179 : i32 to index
        %get3A_208 = arith.constant 32 : index
        %get3A_209 = tpu.vector_load %arg7[%get3A_207, %get3A_208] {strides = array<i32>} : memref<16x1024xf32, #tpu.memory_space<vmem>>, vector<1x16xf32>,
        %get3A_210 = vector.shape_cast %get3A_209 : vector<1x16xf32> to vector<16xf32>
        %get3A_211 = arith.index_cast %scan3A_179 : i32 to index
        %get3A_212 = arith.constant 32 : index
        %get3A_213 = tpu.vector_load %arg9[%get3A_211, %get3A_212] {strides = array<i32>} : memref<16x1024xf32, #tpu.memory_space<vmem>>, vector<1x16xf32>,
        %get3A_214 = vector.shape_cast %get3A_213 : vector<1x16xf32> to vector<16xf32>
        %add3A_215 = arith.addf %get3A_210, %get3A_214 : vector<16xf32>
        %swap3A_216 = arith.index_cast %scan3A_179 : i32 to index
        %swap3A_217 = arith.constant 32 : index
        %swap3A_218 = tpu.vector_load %arg11[%swap3A_216, %swap3A_217] {strides = array<i32>} : memref<16x1024xf32, #tpu.memory_space<vmem>>, vector<1x16xf32>,
        %swap3A_219 = vector.shape_cast %swap3A_218 : vector<1x16xf32> to vector<16xf32>
        %swap3A_220 = vector.shape_cast %add3A_215 : vector<16xf32> to vector<1x16xf32>
        tpu.vector_store %arg11[%swap3A_216, %swap3A_217], %swap3A_220 {strides = array<i32>} : memref<16x1024xf32, #tpu.memory_space<vmem>>, vector<1x16xf32>,
        %get3A_221 = arith.index_cast %scan3A_179 : i32 to index
        %get3A_222 = arith.constant 48 : index
        %get3A_223 = tpu.vector_load %arg7[%get3A_221, %get3A_222] {strides = array<i32>} : memref<16x1024xf32, #tpu.memory_space<vmem>>, vector<1x16xf32>,
        %get3A_224 = vector.shape_cast %get3A_223 : vector<1x16xf32> to vector<16xf32>
        %get3A_225 = arith.index_cast %scan3A_179 : i32 to index
        %get3A_226 = arith.constant 48 : index
        %get3A_227 = tpu.vector_load %arg9[%get3A_225, %get3A_226] {strides = array<i32>} : memref<16x1024xf32, #tpu.memory_space<vmem>>, vector<1x16xf32>,
        %get3A_228 = vector.shape_cast %get3A_227 : vector<1x16xf32> to vector<16xf32>
        %add3A_229 = arith.addf %get3A_224, %get3A_228 : vector<16xf32>
        %swap3A_230 = arith.index_cast %scan3A_179 : i32 to index
        %swap3A_231 = arith.constant 48 : index
        %swap3A_232 = tpu.vector_load %arg11[%swap3A_230, %swap3A_231] {strides = array<i32>} : memref<16x1024xf32, #tpu.memory_space<vmem>>, vector<1x16xf32>,
        %swap3A_233 = vector.shape_cast %swap3A_232 : vector<1x16xf32> to vector<16xf32>
        %swap3A_234 = vector.shape_cast %add3A_229 : vector<16xf32> to vector<1x16xf32>
        tpu.vector_store %arg11[%swap3A_230, %swap3A_231], %swap3A_234 {strides = array<i32>} : memref<16x1024xf32, #tpu.memory_space<vmem>>, vector<1x16xf32>,
        %get3A_235 = arith.index_cast %scan3A_179 : i32 to index
        %get3A_236 = arith.constant 64 : index
        %get3A_237 = tpu.vector_load %arg7[%get3A_235, %get3A_236] {strides = array<i32>} : memref<16x1024xf32, #tpu.memory_space<vmem>>, vector<1x16xf32>,
        %get3A_238 = vector.shape_cast %get3A_237 : vector<1x16xf32> to vector<16xf32>
        %get3A_239 = arith.index_cast %scan3A_179 : i32 to index
        %get3A_240 = arith.constant 64 : index
        %get3A_241 = tpu.vector_load %arg9[%get3A_239, %get3A_240] {strides = array<i32>} : memref<16x1024xf32, #tpu.memory_space<vmem>>, vector<1x16xf32>,
        %get3A_242 = vector.shape_cast %get3A_241 : vector<1x16xf32> to vector<16xf32>
        %add3A_243 = arith.addf %get3A_238, %get3A_242 : vector<16xf32>
        %swap3A_244 = arith.index_cast %scan3A_179 : i32 to index
        %swap3A_245 = arith.constant 64 : index
        %swap3A_246 = tpu.vector_load %arg11[%swap3A_244, %swap3A_245] {strides = array<i32>} : memref<16x1024xf32, #tpu.memory_space<vmem>>, vector<1x16xf32>,
        %swap3A_247 = vector.shape_cast %swap3A_246 : vector<1x16xf32> to vector<16xf32>
        %swap3A_248 = vector.shape_cast %add3A_243 : vector<16xf32> to vector<1x16xf32>
        tpu.vector_store %arg11[%swap3A_244, %swap3A_245], %swap3A_248 {strides = array<i32>} : memref<16x1024xf32, #tpu.memory_space<vmem>>, vector<1x16xf32>,
        %get3A_249 = arith.index_cast %scan3A_179 : i32 to index
        %get3A_250 = arith.constant 80 : index
        %get3A_251 = tpu.vector_load %arg7[%get3A_249, %get3A_250] {strides = array<i32>} : memref<16x1024xf32, #tpu.memory_space<vmem>>, vector<1x16xf32>,
        %get3A_252 = vector.shape_cast %get3A_251 : vector<1x16xf32> to vector<16xf32>
        %get3A_253 = arith.index_cast %scan3A_179 : i32 to index
        %get3A_254 = arith.constant 80 : index
        %get3A_255 = tpu.vector_load %arg9[%get3A_253, %get3A_254] {strides = array<i32>} : memref<16x1024xf32, #tpu.memory_space<vmem>>, vector<1x16xf32>,
        %get3A_256 = vector.shape_cast %get3A_255 : vector<1x16xf32> to vector<16xf32>
        %add3A_257 = arith.addf %get3A_252, %get3A_256 : vector<16xf32>
        %swap3A_258 = arith.index_cast %scan3A_179 : i32 to index
        %swap3A_259 = arith.constant 80 : index
        %swap3A_260 = tpu.vector_load %arg11[%swap3A_258, %swap3A_259] {strides = array<i32>} : memref<16x1024xf32, #tpu.memory_space<vmem>>, vector<1x16xf32>,
        %swap3A_261 = vector.shape_cast %swap3A_260 : vector<1x16xf32> to vector<16xf32>
        %swap3A_262 = vector.shape_cast %add3A_257 : vector<16xf32> to vector<1x16xf32>
        tpu.vector_store %arg11[%swap3A_258, %swap3A_259], %swap3A_262 {strides = array<i32>} : memref<16x1024xf32, #tpu.memory_space<vmem>>, vector<1x16xf32>,
        %get3A_263 = arith.index_cast %scan3A_179 : i32 to index
        %get3A_264 = arith.constant 96 : index
        %get3A_265 = tpu.vector_load %arg7[%get3A_263, %get3A_264] {strides = array<i32>} : memref<16x1024xf32, #tpu.memory_space<vmem>>, vector<1x16xf32>,
        %get3A_266 = vector.shape_cast %get3A_265 : vector<1x16xf32> to vector<16xf32>
        %get3A_267 = arith.index_cast %scan3A_179 : i32 to index
        %get3A_268 = arith.constant 96 : index
        %get3A_269 = tpu.vector_load %arg9[%get3A_267, %get3A_268] {strides = array<i32>} : memref<16x1024xf32, #tpu.memory_space<vmem>>, vector<1x16xf32>,
        %get3A_270 = vector.shape_cast %get3A_269 : vector<1x16xf32> to vector<16xf32>
        %add3A_271 = arith.addf %get3A_266, %get3A_270 : vector<16xf32>
        %swap3A_272 = arith.index_cast %scan3A_179 : i32 to index
        %swap3A_273 = arith.constant 96 : index
        %swap3A_274 = tpu.vector_load %arg11[%swap3A_272, %swap3A_273] {strides = array<i32>} : memref<16x1024xf32, #tpu.memory_space<vmem>>, vector<1x16xf32>,
        %swap3A_275 = vector.shape_cast %swap3A_274 : vector<1x16xf32> to vector<16xf32>
        %swap3A_276 = vector.shape_cast %add3A_271 : vector<16xf32> to vector<1x16xf32>
        tpu.vector_store %arg11[%swap3A_272, %swap3A_273], %swap3A_276 {strides = array<i32>} : memref<16x1024xf32, #tpu.memory_space<vmem>>, vector<1x16xf32>,
        %get3A_277 = arith.index_cast %scan3A_179 : i32 to index
        %get3A_278 = arith.constant 112 : index
        %get3A_279 = tpu.vector_load %arg7[%get3A_277, %get3A_278] {strides = array<i32>} : memref<16x1024xf32, #tpu.memory_space<vmem>>, vector<1x16xf32>,
        %get3A_280 = vector.shape_cast %get3A_279 : vector<1x16xf32> to vector<16xf32>
        %get3A_281 = arith.index_cast %scan3A_179 : i32 to index
        %get3A_282 = arith.constant 112 : index
        %get3A_283 = tpu.vector_load %arg9[%get3A_281, %get3A_282] {strides = array<i32>} : memref<16x1024xf32, #tpu.memory_space<vmem>>, vector<1x16xf32>,
        %get3A_284 = vector.shape_cast %get3A_283 : vector<1x16xf32> to vector<16xf32>
        %add3A_285 = arith.addf %get3A_280, %get3A_284 : vector<16xf32>
        %swap3A_286 = arith.index_cast %scan3A_179 : i32 to index
        %swap3A_287 = arith.constant 112 : index
        %swap3A_288 = tpu.vector_load %arg11[%swap3A_286, %swap3A_287] {strides = array<i32>} : memref<16x1024xf32, #tpu.memory_space<vmem>>, vector<1x16xf32>,
        %swap3A_289 = vector.shape_cast %swap3A_288 : vector<1x16xf32> to vector<16xf32>
        %swap3A_290 = vector.shape_cast %add3A_285 : vector<16xf32> to vector<1x16xf32>
        tpu.vector_store %arg11[%swap3A_286, %swap3A_287], %swap3A_290 {strides = array<i32>} : memref<16x1024xf32, #tpu.memory_space<vmem>>, vector<1x16xf32>,
        %get3A_291 = arith.index_cast %scan3A_179 : i32 to index
        %get3A_292 = arith.constant 128 : index
        %get3A_293 = tpu.vector_load %arg7[%get3A_291, %get3A_292] {strides = array<i32>} : memref<16x1024xf32, #tpu.memory_space<vmem>>, vector<1x16xf32>,
        %get3A_294 = vector.shape_cast %get3A_293 : vector<1x16xf32> to vector<16xf32>
        %get3A_295 = arith.index_cast %scan3A_179 : i32 to index
        %get3A_296 = arith.constant 128 : index
        %get3A_297 = tpu.vector_load %arg9[%get3A_295, %get3A_296] {strides = array<i32>} : memref<16x1024xf32, #tpu.memory_space<vmem>>, vector<1x16xf32>,
        %get3A_298 = vector.shape_cast %get3A_297 : vector<1x16xf32> to vector<16xf32>
        %add3A_299 = arith.addf %get3A_294, %get3A_298 : vector<16xf32>
        %swap3A_300 = arith.index_cast %scan3A_179 : i32 to index
        %swap3A_301 = arith.constant 128 : index
        %swap3A_302 = tpu.vector_load %arg11[%swap3A_300, %swap3A_301] {strides = array<i32>} : memref<16x1024xf32, #tpu.memory_space<vmem>>, vector<1x16xf32>,
        %swap3A_303 = vector.shape_cast %swap3A_302 : vector<1x16xf32> to vector<16xf32>
        %swap3A_304 = vector.shape_cast %add3A_299 : vector<16xf32> to vector<1x16xf32>
        tpu.vector_store %arg11[%swap3A_300, %swap3A_301], %swap3A_304 {strides = array<i32>} : memref<16x1024xf32, #tpu.memory_space<vmem>>, vector<1x16xf32>,
        %get3A_305 = arith.index_cast %scan3A_179 : i32 to index
        %get3A_306 = arith.constant 144 : index
        %get3A_307 = tpu.vector_load %arg7[%get3A_305, %get3A_306] {strides = array<i32>} : memref<16x1024xf32, #tpu.memory_space<vmem>>, vector<1x16xf32>,
        %get3A_308 = vector.shape_cast %get3A_307 : vector<1x16xf32> to vector<16xf32>
        %get3A_309 = arith.index_cast %scan3A_179 : i32 to index
        %get3A_310 = arith.constant 144 : index
        %get3A_311 = tpu.vector_load %arg9[%get3A_309, %get3A_310] {strides = array<i32>} : memref<16x1024xf32, #tpu.memory_space<vmem>>, vector<1x16xf32>,
        %get3A_312 = vector.shape_cast %get3A_311 : vector<1x16xf32> to vector<16xf32>
        %add3A_313 = arith.addf %get3A_308, %get3A_312 : vector<16xf32>
        %swap3A_314 = arith.index_cast %scan3A_179 : i32 to index
        %swap3A_315 = arith.constant 144 : index
        %swap3A_316 = tpu.vector_load %arg11[%swap3A_314, %swap3A_315] {strides = array<i32>} : memref<16x1024xf32, #tpu.memory_space<vmem>>, vector<1x16xf32>,
        %swap3A_317 = vector.shape_cast %swap3A_316 : vector<1x16xf32> to vector<16xf32>
        %swap3A_318 = vector.shape_cast %add3A_313 : vector<16xf32> to vector<1x16xf32>
        tpu.vector_store %arg11[%swap3A_314, %swap3A_315], %swap3A_318 {strides = array<i32>} : memref<16x1024xf32, #tpu.memory_space<vmem>>, vector<1x16xf32>,
        %get3A_319 = arith.index_cast %scan3A_179 : i32 to index
        %get3A_320 = arith.constant 160 : index
        %get3A_321 = tpu.vector_load %arg7[%get3A_319, %get3A_320] {strides = array<i32>} : memref<16x1024xf32, #tpu.memory_space<vmem>>, vector<1x16xf32>,
        %get3A_322 = vector.shape_cast %get3A_321 : vector<1x16xf32> to vector<16xf32>
        %get3A_323 = arith.index_cast %scan3A_179 : i32 to index
        %get3A_324 = arith.constant 160 : index
        %get3A_325 = tpu.vector_load %arg9[%get3A_323, %get3A_324] {strides = array<i32>} : memref<16x1024xf32, #tpu.memory_space<vmem>>, vector<1x16xf32>,
        %get3A_326 = vector.shape_cast %get3A_325 : vector<1x16xf32> to vector<16xf32>
        %add3A_327 = arith.addf %get3A_322, %get3A_326 : vector<16xf32>
        %swap3A_328 = arith.index_cast %scan3A_179 : i32 to index
        %swap3A_329 = arith.constant 160 : index
        %swap3A_330 = tpu.vector_load %arg11[%swap3A_328, %swap3A_329] {strides = array<i32>} : memref<16x1024xf32, #tpu.memory_space<vmem>>, vector<1x16xf32>,
        %swap3A_331 = vector.shape_cast %swap3A_330 : vector<1x16xf32> to vector<16xf32>
        %swap3A_332 = vector.shape_cast %add3A_327 : vector<16xf32> to vector<1x16xf32>
        tpu.vector_store %arg11[%swap3A_328, %swap3A_329], %swap3A_332 {strides = array<i32>} : memref<16x1024xf32, #tpu.memory_space<vmem>>, vector<1x16xf32>,
        %get3A_333 = arith.index_cast %scan3A_179 : i32 to index
        %get3A_334 = arith.constant 176 : index
        %get3A_335 = tpu.vector_load %arg7[%get3A_333, %get3A_334] {strides = array<i32>} : memref<16x1024xf32, #tpu.memory_space<vmem>>, vector<1x16xf32>,
        %get3A_336 = vector.shape_cast %get3A_335 : vector<1x16xf32> to vector<16xf32>
        %get3A_337 = arith.index_cast %scan3A_179 : i32 to index
        %get3A_338 = arith.constant 176 : index
        %get3A_339 = tpu.vector_load %arg9[%get3A_337, %get3A_338] {strides = array<i32>} : memref<16x1024xf32, #tpu.memory_space<vmem>>, vector<1x16xf32>,
        %get3A_340 = vector.shape_cast %get3A_339 : vector<1x16xf32> to vector<16xf32>
        %add3A_341 = arith.addf %get3A_336, %get3A_340 : vector<16xf32>
        %swap3A_342 = arith.index_cast %scan3A_179 : i32 to index
        %swap3A_343 = arith.constant 176 : index
        %swap3A_344 = tpu.vector_load %arg11[%swap3A_342, %swap3A_343] {strides = array<i32>} : memref<16x1024xf32, #tpu.memory_space<vmem>>, vector<1x16xf32>,
        %swap3A_345 = vector.shape_cast %swap3A_344 : vector<1x16xf32> to vector<16xf32>
        %swap3A_346 = vector.shape_cast %add3A_341 : vector<16xf32> to vector<1x16xf32>
        tpu.vector_store %arg11[%swap3A_342, %swap3A_343], %swap3A_346 {strides = array<i32>} : memref<16x1024xf32, #tpu.memory_space<vmem>>, vector<1x16xf32>,
        %get3A_347 = arith.index_cast %scan3A_179 : i32 to index
        %get3A_348 = arith.constant 192 : index
        %get3A_349 = tpu.vector_load %arg7[%get3A_347, %get3A_348] {strides = array<i32>} : memref<16x1024xf32, #tpu.memory_space<vmem>>, vector<1x16xf32>,
        %get3A_350 = vector.shape_cast %get3A_349 : vector<1x16xf32> to vector<16xf32>
        %get3A_351 = arith.index_cast %scan3A_179 : i32 to index
        %get3A_352 = arith.constant 192 : index
        %get3A_353 = tpu.vector_load %arg9[%get3A_351, %get3A_352] {strides = array<i32>} : memref<16x1024xf32, #tpu.memory_space<vmem>>, vector<1x16xf32>,
        %get3A_354 = vector.shape_cast %get3A_353 : vector<1x16xf32> to vector<16xf32>
        %add3A_355 = arith.addf %get3A_350, %get3A_354 : vector<16xf32>
        %swap3A_356 = arith.index_cast %scan3A_179 : i32 to index
        %swap3A_357 = arith.constant 192 : index
        %swap3A_358 = tpu.vector_load %arg11[%swap3A_356, %swap3A_357] {strides = array<i32>} : memref<16x1024xf32, #tpu.memory_space<vmem>>, vector<1x16xf32>,
        %swap3A_359 = vector.shape_cast %swap3A_358 : vector<1x16xf32> to vector<16xf32>
        %swap3A_360 = vector.shape_cast %add3A_355 : vector<16xf32> to vector<1x16xf32>
        tpu.vector_store %arg11[%swap3A_356, %swap3A_357], %swap3A_360 {strides = array<i32>} : memref<16x1024xf32, #tpu.memory_space<vmem>>, vector<1x16xf32>,
        %get3A_361 = arith.index_cast %scan3A_179 : i32 to index
        %get3A_362 = arith.constant 208 : index
        %get3A_363 = tpu.vector_load %arg7[%get3A_361, %get3A_362] {strides = array<i32>} : memref<16x1024xf32, #tpu.memory_space<vmem>>, vector<1x16xf32>,
        %get3A_364 = vector.shape_cast %get3A_363 : vector<1x16xf32> to vector<16xf32>
        %get3A_365 = arith.index_cast %scan3A_179 : i32 to index
        %get3A_366 = arith.constant 208 : index
        %get3A_367 = tpu.vector_load %arg9[%get3A_365, %get3A_366] {strides = array<i32>} : memref<16x1024xf32, #tpu.memory_space<vmem>>, vector<1x16xf32>,
        %get3A_368 = vector.shape_cast %get3A_367 : vector<1x16xf32> to vector<16xf32>
        %add3A_369 = arith.addf %get3A_364, %get3A_368 : vector<16xf32>
        %swap3A_370 = arith.index_cast %scan3A_179 : i32 to index
        %swap3A_371 = arith.constant 208 : index
        %swap3A_372 = tpu.vector_load %arg11[%swap3A_370, %swap3A_371] {strides = array<i32>} : memref<16x1024xf32, #tpu.memory_space<vmem>>, vector<1x16xf32>,
        %swap3A_373 = vector.shape_cast %swap3A_372 : vector<1x16xf32> to vector<16xf32>
        %swap3A_374 = vector.shape_cast %add3A_369 : vector<16xf32> to vector<1x16xf32>
        tpu.vector_store %arg11[%swap3A_370, %swap3A_371], %swap3A_374 {strides = array<i32>} : memref<16x1024xf32, #tpu.memory_space<vmem>>, vector<1x16xf32>,
        %get3A_375 = arith.index_cast %scan3A_179 : i32 to index
        %get3A_376 = arith.constant 224 : index
        %get3A_377 = tpu.vector_load %arg7[%get3A_375, %get3A_376] {strides = array<i32>} : memref<16x1024xf32, #tpu.memory_space<vmem>>, vector<1x16xf32>,
        %get3A_378 = vector.shape_cast %get3A_377 : vector<1x16xf32> to vector<16xf32>
        %get3A_379 = arith.index_cast %scan3A_179 : i32 to index
        %get3A_380 = arith.constant 224 : index
        %get3A_381 = tpu.vector_load %arg9[%get3A_379, %get3A_380] {strides = array<i32>} : memref<16x1024xf32, #tpu.memory_space<vmem>>, vector<1x16xf32>,
        %get3A_382 = vector.shape_cast %get3A_381 : vector<1x16xf32> to vector<16xf32>
        %add3A_383 = arith.addf %get3A_378, %get3A_382 : vector<16xf32>
        %swap3A_384 = arith.index_cast %scan3A_179 : i32 to index
        %swap3A_385 = arith.constant 224 : index
        %swap3A_386 = tpu.vector_load %arg11[%swap3A_384, %swap3A_385] {strides = array<i32>} : memref<16x1024xf32, #tpu.memory_space<vmem>>, vector<1x16xf32>,
        %swap3A_387 = vector.shape_cast %swap3A_386 : vector<1x16xf32> to vector<16xf32>
        %swap3A_388 = vector.shape_cast %add3A_383 : vector<16xf32> to vector<1x16xf32>
        tpu.vector_store %arg11[%swap3A_384, %swap3A_385], %swap3A_388 {strides = array<i32>} : memref<16x1024xf32, #tpu.memory_space<vmem>>, vector<1x16xf32>,
        %get3A_389 = arith.index_cast %scan3A_179 : i32 to index
        %get3A_390 = arith.constant 240 : index
        %get3A_391 = tpu.vector_load %arg7[%get3A_389, %get3A_390] {strides = array<i32>} : memref<16x1024xf32, #tpu.memory_space<vmem>>, vector<1x16xf32>,
        %get3A_392 = vector.shape_cast %get3A_391 : vector<1x16xf32> to vector<16xf32>
        %get3A_393 = arith.index_cast %scan3A_179 : i32 to index
        %get3A_394 = arith.constant 240 : index
        %get3A_395 = tpu.vector_load %arg9[%get3A_393, %get3A_394] {strides = array<i32>} : memref<16x1024xf32, #tpu.memory_space<vmem>>, vector<1x16xf32>,
        %get3A_396 = vector.shape_cast %get3A_395 : vector<1x16xf32> to vector<16xf32>
        %add3A_397 = arith.addf %get3A_392, %get3A_396 : vector<16xf32>
        %swap3A_398 = arith.index_cast %scan3A_179 : i32 to index
        %swap3A_399 = arith.constant 240 : index
        %swap3A_400 = tpu.vector_load %arg11[%swap3A_398, %swap3A_399] {strides = array<i32>} : memref<16x1024xf32, #tpu.memory_space<vmem>>, vector<1x16xf32>,
        %swap3A_401 = vector.shape_cast %swap3A_400 : vector<1x16xf32> to vector<16xf32>
        %swap3A_402 = vector.shape_cast %add3A_397 : vector<16xf32> to vector<1x16xf32>
        tpu.vector_store %arg11[%swap3A_398, %swap3A_399], %swap3A_402 {strides = array<i32>} : memref<16x1024xf32, #tpu.memory_space<vmem>>, vector<1x16xf32>,
        %get3A_403 = arith.index_cast %scan3A_179 : i32 to index
        %get3A_404 = arith.constant 256 : index
        %get3A_405 = tpu.vector_load %arg7[%get3A_403, %get3A_404] {strides = array<i32>} : memref<16x1024xf32, #tpu.memory_space<vmem>>, vector<1x16xf32>,
        %get3A_406 = vector.shape_cast %get3A_405 : vector<1x16xf32> to vector<16xf32>
        %get3A_407 = arith.index_cast %scan3A_179 : i32 to index
        %get3A_408 = arith.constant 256 : index
        %get3A_409 = tpu.vector_load %arg9[%get3A_407, %get3A_408] {strides = array<i32>} : memref<16x1024xf32, #tpu.memory_space<vmem>>, vector<1x16xf32>,
        %get3A_410 = vector.shape_cast %get3A_409 : vector<1x16xf32> to vector<16xf32>
        %add3A_411 = arith.addf %get3A_406, %get3A_410 : vector<16xf32>
        %swap3A_412 = arith.index_cast %scan3A_179 : i32 to index
        %swap3A_413 = arith.constant 256 : index
        %swap3A_414 = tpu.vector_load %arg11[%swap3A_412, %swap3A_413] {strides = array<i32>} : memref<16x1024xf32, #tpu.memory_space<vmem>>, vector<1x16xf32>,
        %swap3A_415 = vector.shape_cast %swap3A_414 : vector<1x16xf32> to vector<16xf32>
        %swap3A_416 = vector.shape_cast %add3A_411 : vector<16xf32> to vector<1x16xf32>
        tpu.vector_store %arg11[%swap3A_412, %swap3A_413], %swap3A_416 {strides = array<i32>} : memref<16x1024xf32, #tpu.memory_space<vmem>>, vector<1x16xf32>,
        %get3A_417 = arith.index_cast %scan3A_179 : i32 to index
        %get3A_418 = arith.constant 272 : index
        %get3A_419 = tpu.vector_load %arg7[%get3A_417, %get3A_418] {strides = array<i32>} : memref<16x1024xf32, #tpu.memory_space<vmem>>, vector<1x16xf32>,
        %get3A_420 = vector.shape_cast %get3A_419 : vector<1x16xf32> to vector<16xf32>
        %get3A_421 = arith.index_cast %scan3A_179 : i32 to index
        %get3A_422 = arith.constant 272 : index
        %get3A_423 = tpu.vector_load %arg9[%get3A_421, %get3A_422] {strides = array<i32>} : memref<16x1024xf32, #tpu.memory_space<vmem>>, vector<1x16xf32>,
        %get3A_424 = vector.shape_cast %get3A_423 : vector<1x16xf32> to vector<16xf32>
        %add3A_425 = arith.addf %get3A_420, %get3A_424 : vector<16xf32>
        %swap3A_426 = arith.index_cast %scan3A_179 : i32 to index
        %swap3A_427 = arith.constant 272 : index
        %swap3A_428 = tpu.vector_load %arg11[%swap3A_426, %swap3A_427] {strides = array<i32>} : memref<16x1024xf32, #tpu.memory_space<vmem>>, vector<1x16xf32>,
        %swap3A_429 = vector.shape_cast %swap3A_428 : vector<1x16xf32> to vector<16xf32>
        %swap3A_430 = vector.shape_cast %add3A_425 : vector<16xf32> to vector<1x16xf32>
        tpu.vector_store %arg11[%swap3A_426, %swap3A_427], %swap3A_430 {strides = array<i32>} : memref<16x1024xf32, #tpu.memory_space<vmem>>, vector<1x16xf32>,
        %get3A_431 = arith.index_cast %scan3A_179 : i32 to index
        %get3A_432 = arith.constant 288 : index
        %get3A_433 = tpu.vector_load %arg7[%get3A_431, %get3A_432] {strides = array<i32>} : memref<16x1024xf32, #tpu.memory_space<vmem>>, vector<1x16xf32>,
        %get3A_434 = vector.shape_cast %get3A_433 : vector<1x16xf32> to vector<16xf32>
        %get3A_435 = arith.index_cast %scan3A_179 : i32 to index
        %get3A_436 = arith.constant 288 : index
        %get3A_437 = tpu.vector_load %arg9[%get3A_435, %get3A_436] {strides = array<i32>} : memref<16x1024xf32, #tpu.memory_space<vmem>>, vector<1x16xf32>,
        %get3A_438 = vector.shape_cast %get3A_437 : vector<1x16xf32> to vector<16xf32>
        %add3A_439 = arith.addf %get3A_434, %get3A_438 : vector<16xf32>
        %swap3A_440 = arith.index_cast %scan3A_179 : i32 to index
        %swap3A_441 = arith.constant 288 : index
        %swap3A_442 = tpu.vector_load %arg11[%swap3A_440, %swap3A_441] {strides = array<i32>} : memref<16x1024xf32, #tpu.memory_space<vmem>>, vector<1x16xf32>,
        %swap3A_443 = vector.shape_cast %swap3A_442 : vector<1x16xf32> to vector<16xf32>
        %swap3A_444 = vector.shape_cast %add3A_439 : vector<16xf32> to vector<1x16xf32>
        tpu.vector_store %arg11[%swap3A_440, %swap3A_441], %swap3A_444 {strides = array<i32>} : memref<16x1024xf32, #tpu.memory_space<vmem>>, vector<1x16xf32>,
        %get3A_445 = arith.index_cast %scan3A_179 : i32 to index
        %get3A_446 = arith.constant 304 : index
        %get3A_447 = tpu.vector_load %arg7[%get3A_445, %get3A_446] {strides = array<i32>} : memref<16x1024xf32, #tpu.memory_space<vmem>>, vector<1x16xf32>,
        %get3A_448 = vector.shape_cast %get3A_447 : vector<1x16xf32> to vector<16xf32>
        %get3A_449 = arith.index_cast %scan3A_179 : i32 to index
        %get3A_450 = arith.constant 304 : index
        %get3A_451 = tpu.vector_load %arg9[%get3A_449, %get3A_450] {strides = array<i32>} : memref<16x1024xf32, #tpu.memory_space<vmem>>, vector<1x16xf32>,
        %get3A_452 = vector.shape_cast %get3A_451 : vector<1x16xf32> to vector<16xf32>
        %add3A_453 = arith.addf %get3A_448, %get3A_452 : vector<16xf32>
        %swap3A_454 = arith.index_cast %scan3A_179 : i32 to index
        %swap3A_455 = arith.constant 304 : index
        %swap3A_456 = tpu.vector_load %arg11[%swap3A_454, %swap3A_455] {strides = array<i32>} : memref<16x1024xf32, #tpu.memory_space<vmem>>, vector<1x16xf32>,
        %swap3A_457 = vector.shape_cast %swap3A_456 : vector<1x16xf32> to vector<16xf32>
        %swap3A_458 = vector.shape_cast %add3A_453 : vector<16xf32> to vector<1x16xf32>
        tpu.vector_store %arg11[%swap3A_454, %swap3A_455], %swap3A_458 {strides = array<i32>} : memref<16x1024xf32, #tpu.memory_space<vmem>>, vector<1x16xf32>,
        %get3A_459 = arith.index_cast %scan3A_179 : i32 to index
        %get3A_460 = arith.constant 320 : index
        %get3A_461 = tpu.vector_load %arg7[%get3A_459, %get3A_460] {strides = array<i32>} : memref<16x1024xf32, #tpu.memory_space<vmem>>, vector<1x16xf32>,
        %get3A_462 = vector.shape_cast %get3A_461 : vector<1x16xf32> to vector<16xf32>
        %get3A_463 = arith.index_cast %scan3A_179 : i32 to index
        %get3A_464 = arith.constant 320 : index
        %get3A_465 = tpu.vector_load %arg9[%get3A_463, %get3A_464] {strides = array<i32>} : memref<16x1024xf32, #tpu.memory_space<vmem>>, vector<1x16xf32>,
        %get3A_466 = vector.shape_cast %get3A_465 : vector<1x16xf32> to vector<16xf32>
        %add3A_467 = arith.addf %get3A_462, %get3A_466 : vector<16xf32>
        %swap3A_468 = arith.index_cast %scan3A_179 : i32 to index
        %swap3A_469 = arith.constant 320 : index
        %swap3A_470 = tpu.vector_load %arg11[%swap3A_468, %swap3A_469] {strides = array<i32>} : memref<16x1024xf32, #tpu.memory_space<vmem>>, vector<1x16xf32>,
        %swap3A_471 = vector.shape_cast %swap3A_470 : vector<1x16xf32> to vector<16xf32>
        %swap3A_472 = vector.shape_cast %add3A_467 : vector<16xf32> to vector<1x16xf32>
        tpu.vector_store %arg11[%swap3A_468, %swap3A_469], %swap3A_472 {strides = array<i32>} : memref<16x1024xf32, #tpu.memory_space<vmem>>, vector<1x16xf32>,
        %get3A_473 = arith.index_cast %scan3A_179 : i32 to index
        %get3A_474 = arith.constant 336 : index
        %get3A_475 = tpu.vector_load %arg7[%get3A_473, %get3A_474] {strides = array<i32>} : memref<16x1024xf32, #tpu.memory_space<vmem>>, vector<1x16xf32>,
        %get3A_476 = vector.shape_cast %get3A_475 : vector<1x16xf32> to vector<16xf32>
        %get3A_477 = arith.index_cast %scan3A_179 : i32 to index
        %get3A_478 = arith.constant 336 : index
        %get3A_479 = tpu.vector_load %arg9[%get3A_477, %get3A_478] {strides = array<i32>} : memref<16x1024xf32, #tpu.memory_space<vmem>>, vector<1x16xf32>,
        %get3A_480 = vector.shape_cast %get3A_479 : vector<1x16xf32> to vector<16xf32>
        %add3A_481 = arith.addf %get3A_476, %get3A_480 : vector<16xf32>
        %swap3A_482 = arith.index_cast %scan3A_179 : i32 to index
        %swap3A_483 = arith.constant 336 : index
        %swap3A_484 = tpu.vector_load %arg11[%swap3A_482, %swap3A_483] {strides = array<i32>} : memref<16x1024xf32, #tpu.memory_space<vmem>>, vector<1x16xf32>,
        %swap3A_485 = vector.shape_cast %swap3A_484 : vector<1x16xf32> to vector<16xf32>
        %swap3A_486 = vector.shape_cast %add3A_481 : vector<16xf32> to vector<1x16xf32>
        tpu.vector_store %arg11[%swap3A_482, %swap3A_483], %swap3A_486 {strides = array<i32>} : memref<16x1024xf32, #tpu.memory_space<vmem>>, vector<1x16xf32>,
        %get3A_487 = arith.index_cast %scan3A_179 : i32 to index
        %get3A_488 = arith.constant 352 : index
        %get3A_489 = tpu.vector_load %arg7[%get3A_487, %get3A_488] {strides = array<i32>} : memref<16x1024xf32, #tpu.memory_space<vmem>>, vector<1x16xf32>,
        %get3A_490 = vector.shape_cast %get3A_489 : vector<1x16xf32> to vector<16xf32>
        %get3A_491 = arith.index_cast %scan3A_179 : i32 to index
        %get3A_492 = arith.constant 352 : index
        %get3A_493 = tpu.vector_load %arg9[%get3A_491, %get3A_492] {strides = array<i32>} : memref<16x1024xf32, #tpu.memory_space<vmem>>, vector<1x16xf32>,
        %get3A_494 = vector.shape_cast %get3A_493 : vector<1x16xf32> to vector<16xf32>
        %add3A_495 = arith.addf %get3A_490, %get3A_494 : vector<16xf32>
        %swap3A_496 = arith.index_cast %scan3A_179 : i32 to index
        %swap3A_497 = arith.constant 352 : index
        %swap3A_498 = tpu.vector_load %arg11[%swap3A_496, %swap3A_497] {strides = array<i32>} : memref<16x1024xf32, #tpu.memory_space<vmem>>, vector<1x16xf32>,
        %swap3A_499 = vector.shape_cast %swap3A_498 : vector<1x16xf32> to vector<16xf32>
        %swap3A_500 = vector.shape_cast %add3A_495 : vector<16xf32> to vector<1x16xf32>
        tpu.vector_store %arg11[%swap3A_496, %swap3A_497], %swap3A_500 {strides = array<i32>} : memref<16x1024xf32, #tpu.memory_space<vmem>>, vector<1x16xf32>,
        %get3A_501 = arith.index_cast %scan3A_179 : i32 to index
        %get3A_502 = arith.constant 368 : index
        %get3A_503 = tpu.vector_load %arg7[%get3A_501, %get3A_502] {strides = array<i32>} : memref<16x1024xf32, #tpu.memory_space<vmem>>, vector<1x16xf32>,
        %get3A_504 = vector.shape_cast %get3A_503 : vector<1x16xf32> to vector<16xf32>
        %get3A_505 = arith.index_cast %scan3A_179 : i32 to index
        %get3A_506 = arith.constant 368 : index
        %get3A_507 = tpu.vector_load %arg9[%get3A_505, %get3A_506] {strides = array<i32>} : memref<16x1024xf32, #tpu.memory_space<vmem>>, vector<1x16xf32>,
        %get3A_508 = vector.shape_cast %get3A_507 : vector<1x16xf32> to vector<16xf32>
        %add3A_509 = arith.addf %get3A_504, %get3A_508 : vector<16xf32>
        %swap3A_510 = arith.index_cast %scan3A_179 : i32 to index
        %swap3A_511 = arith.constant 368 : index
        %swap3A_512 = tpu.vector_load %arg11[%swap3A_510, %swap3A_511] {strides = array<i32>} : memref<16x1024xf32, #tpu.memory_space<vmem>>, vector<1x16xf32>,
        %swap3A_513 = vector.shape_cast %swap3A_512 : vector<1x16xf32> to vector<16xf32>
        %swap3A_514 = vector.shape_cast %add3A_509 : vector<16xf32> to vector<1x16xf32>
        tpu.vector_store %arg11[%swap3A_510, %swap3A_511], %swap3A_514 {strides = array<i32>} : memref<16x1024xf32, #tpu.memory_space<vmem>>, vector<1x16xf32>,
        %get3A_515 = arith.index_cast %scan3A_179 : i32 to index
        %get3A_516 = arith.constant 384 : index
        %get3A_517 = tpu.vector_load %arg7[%get3A_515, %get3A_516] {strides = array<i32>} : memref<16x1024xf32, #tpu.memory_space<vmem>>, vector<1x16xf32>,
        %get3A_518 = vector.shape_cast %get3A_517 : vector<1x16xf32> to vector<16xf32>
        %get3A_519 = arith.index_cast %scan3A_179 : i32 to index
        %get3A_520 = arith.constant 384 : index
        %get3A_521 = tpu.vector_load %arg9[%get3A_519, %get3A_520] {strides = array<i32>} : memref<16x1024xf32, #tpu.memory_space<vmem>>, vector<1x16xf32>,
        %get3A_522 = vector.shape_cast %get3A_521 : vector<1x16xf32> to vector<16xf32>
        %add3A_523 = arith.addf %get3A_518, %get3A_522 : vector<16xf32>
        %swap3A_524 = arith.index_cast %scan3A_179 : i32 to index
        %swap3A_525 = arith.constant 384 : index
        %swap3A_526 = tpu.vector_load %arg11[%swap3A_524, %swap3A_525] {strides = array<i32>} : memref<16x1024xf32, #tpu.memory_space<vmem>>, vector<1x16xf32>,
        %swap3A_527 = vector.shape_cast %swap3A_526 : vector<1x16xf32> to vector<16xf32>
        %swap3A_528 = vector.shape_cast %add3A_523 : vector<16xf32> to vector<1x16xf32>
        tpu.vector_store %arg11[%swap3A_524, %swap3A_525], %swap3A_528 {strides = array<i32>} : memref<16x1024xf32, #tpu.memory_space<vmem>>, vector<1x16xf32>,
        %get3A_529 = arith.index_cast %scan3A_179 : i32 to index
        %get3A_530 = arith.constant 400 : index
        %get3A_531 = tpu.vector_load %arg7[%get3A_529, %get3A_530] {strides = array<i32>} : memref<16x1024xf32, #tpu.memory_space<vmem>>, vector<1x16xf32>,
        %get3A_532 = vector.shape_cast %get3A_531 : vector<1x16xf32> to vector<16xf32>
        %get3A_533 = arith.index_cast %scan3A_179 : i32 to index
        %get3A_534 = arith.constant 400 : index
        %get3A_535 = tpu.vector_load %arg9[%get3A_533, %get3A_534] {strides = array<i32>} : memref<16x1024xf32, #tpu.memory_space<vmem>>, vector<1x16xf32>,
        %get3A_536 = vector.shape_cast %get3A_535 : vector<1x16xf32> to vector<16xf32>
        %add3A_537 = arith.addf %get3A_532, %get3A_536 : vector<16xf32>
        %swap3A_538 = arith.index_cast %scan3A_179 : i32 to index
        %swap3A_539 = arith.constant 400 : index
        %swap3A_540 = tpu.vector_load %arg11[%swap3A_538, %swap3A_539] {strides = array<i32>} : memref<16x1024xf32, #tpu.memory_space<vmem>>, vector<1x16xf32>,
        %swap3A_541 = vector.shape_cast %swap3A_540 : vector<1x16xf32> to vector<16xf32>
        %swap3A_542 = vector.shape_cast %add3A_537 : vector<16xf32> to vector<1x16xf32>
        tpu.vector_store %arg11[%swap3A_538, %swap3A_539], %swap3A_542 {strides = array<i32>} : memref<16x1024xf32, #tpu.memory_space<vmem>>, vector<1x16xf32>,
        %get3A_543 = arith.index_cast %scan3A_179 : i32 to index
        %get3A_544 = arith.constant 416 : index
        %get3A_545 = tpu.vector_load %arg7[%get3A_543, %get3A_544] {strides = array<i32>} : memref<16x1024xf32, #tpu.memory_space<vmem>>, vector<1x16xf32>,
        %get3A_546 = vector.shape_cast %get3A_545 : vector<1x16xf32> to vector<16xf32>
        %get3A_547 = arith.index_cast %scan3A_179 : i32 to index
        %get3A_548 = arith.constant 416 : index
        %get3A_549 = tpu.vector_load %arg9[%get3A_547, %get3A_548] {strides = array<i32>} : memref<16x1024xf32, #tpu.memory_space<vmem>>, vector<1x16xf32>,
        %get3A_550 = vector.shape_cast %get3A_549 : vector<1x16xf32> to vector<16xf32>
        %add3A_551 = arith.addf %get3A_546, %get3A_550 : vector<16xf32>
        %swap3A_552 = arith.index_cast %scan3A_179 : i32 to index
        %swap3A_553 = arith.constant 416 : index
        %swap3A_554 = tpu.vector_load %arg11[%swap3A_552, %swap3A_553] {strides = array<i32>} : memref<16x1024xf32, #tpu.memory_space<vmem>>, vector<1x16xf32>,
        %swap3A_555 = vector.shape_cast %swap3A_554 : vector<1x16xf32> to vector<16xf32>
        %swap3A_556 = vector.shape_cast %add3A_551 : vector<16xf32> to vector<1x16xf32>
        tpu.vector_store %arg11[%swap3A_552, %swap3A_553], %swap3A_556 {strides = array<i32>} : memref<16x1024xf32, #tpu.memory_space<vmem>>, vector<1x16xf32>,
        %get3A_557 = arith.index_cast %scan3A_179 : i32 to index
        %get3A_558 = arith.constant 432 : index
        %get3A_559 = tpu.vector_load %arg7[%get3A_557, %get3A_558] {strides = array<i32>} : memref<16x1024xf32, #tpu.memory_space<vmem>>, vector<1x16xf32>,
        %get3A_560 = vector.shape_cast %get3A_559 : vector<1x16xf32> to vector<16xf32>
        %get3A_561 = arith.index_cast %scan3A_179 : i32 to index
        %get3A_562 = arith.constant 432 : index
        %get3A_563 = tpu.vector_load %arg9[%get3A_561, %get3A_562] {strides = array<i32>} : memref<16x1024xf32, #tpu.memory_space<vmem>>, vector<1x16xf32>,
        %get3A_564 = vector.shape_cast %get3A_563 : vector<1x16xf32> to vector<16xf32>
        %add3A_565 = arith.addf %get3A_560, %get3A_564 : vector<16xf32>
        %swap3A_566 = arith.index_cast %scan3A_179 : i32 to index
        %swap3A_567 = arith.constant 432 : index
        %swap3A_568 = tpu.vector_load %arg11[%swap3A_566, %swap3A_567] {strides = array<i32>} : memref<16x1024xf32, #tpu.memory_space<vmem>>, vector<1x16xf32>,
        %swap3A_569 = vector.shape_cast %swap3A_568 : vector<1x16xf32> to vector<16xf32>
        %swap3A_570 = vector.shape_cast %add3A_565 : vector<16xf32> to vector<1x16xf32>
        tpu.vector_store %arg11[%swap3A_566, %swap3A_567], %swap3A_570 {strides = array<i32>} : memref<16x1024xf32, #tpu.memory_space<vmem>>, vector<1x16xf32>,
        %get3A_571 = arith.index_cast %scan3A_179 : i32 to index
        %get3A_572 = arith.constant 448 : index
        %get3A_573 = tpu.vector_load %arg7[%get3A_571, %get3A_572] {strides = array<i32>} : memref<16x1024xf32, #tpu.memory_space<vmem>>, vector<1x16xf32>,
        %get3A_574 = vector.shape_cast %get3A_573 : vector<1x16xf32> to vector<16xf32>
        %get3A_575 = arith.index_cast %scan3A_179 : i32 to index
        %get3A_576 = arith.constant 448 : index
        %get3A_577 = tpu.vector_load %arg9[%get3A_575, %get3A_576] {strides = array<i32>} : memref<16x1024xf32, #tpu.memory_space<vmem>>, vector<1x16xf32>,
        %get3A_578 = vector.shape_cast %get3A_577 : vector<1x16xf32> to vector<16xf32>
        %add3A_579 = arith.addf %get3A_574, %get3A_578 : vector<16xf32>
        %swap3A_580 = arith.index_cast %scan3A_179 : i32 to index
        %swap3A_581 = arith.constant 448 : index
        %swap3A_582 = tpu.vector_load %arg11[%swap3A_580, %swap3A_581] {strides = array<i32>} : memref<16x1024xf32, #tpu.memory_space<vmem>>, vector<1x16xf32>,
        %swap3A_583 = vector.shape_cast %swap3A_582 : vector<1x16xf32> to vector<16xf32>
        %swap3A_584 = vector.shape_cast %add3A_579 : vector<16xf32> to vector<1x16xf32>
        tpu.vector_store %arg11[%swap3A_580, %swap3A_581], %swap3A_584 {strides = array<i32>} : memref<16x1024xf32, #tpu.memory_space<vmem>>, vector<1x16xf32>,
        %get3A_585 = arith.index_cast %scan3A_179 : i32 to index
        %get3A_586 = arith.constant 464 : index
        %get3A_587 = tpu.vector_load %arg7[%get3A_585, %get3A_586] {strides = array<i32>} : memref<16x1024xf32, #tpu.memory_space<vmem>>, vector<1x16xf32>,
        %get3A_588 = vector.shape_cast %get3A_587 : vector<1x16xf32> to vector<16xf32>
        %get3A_589 = arith.index_cast %scan3A_179 : i32 to index
        %get3A_590 = arith.constant 464 : index
        %get3A_591 = tpu.vector_load %arg9[%get3A_589, %get3A_590] {strides = array<i32>} : memref<16x1024xf32, #tpu.memory_space<vmem>>, vector<1x16xf32>,
        %get3A_592 = vector.shape_cast %get3A_591 : vector<1x16xf32> to vector<16xf32>
        %add3A_593 = arith.addf %get3A_588, %get3A_592 : vector<16xf32>
        %swap3A_594 = arith.index_cast %scan3A_179 : i32 to index
        %swap3A_595 = arith.constant 464 : index
        %swap3A_596 = tpu.vector_load %arg11[%swap3A_594, %swap3A_595] {strides = array<i32>} : memref<16x1024xf32, #tpu.memory_space<vmem>>, vector<1x16xf32>,
        %swap3A_597 = vector.shape_cast %swap3A_596 : vector<1x16xf32> to vector<16xf32>
        %swap3A_598 = vector.shape_cast %add3A_593 : vector<16xf32> to vector<1x16xf32>
        tpu.vector_store %arg11[%swap3A_594, %swap3A_595], %swap3A_598 {strides = array<i32>} : memref<16x1024xf32, #tpu.memory_space<vmem>>, vector<1x16xf32>,
        %get3A_599 = arith.index_cast %scan3A_179 : i32 to index
        %get3A_600 = arith.constant 480 : index
        %get3A_601 = tpu.vector_load %arg7[%get3A_599, %get3A_600] {strides = array<i32>} : memref<16x1024xf32, #tpu.memory_space<vmem>>, vector<1x16xf32>,
        %get3A_602 = vector.shape_cast %get3A_601 : vector<1x16xf32> to vector<16xf32>
        %get3A_603 = arith.index_cast %scan3A_179 : i32 to index
        %get3A_604 = arith.constant 480 : index
        %get3A_605 = tpu.vector_load %arg9[%get3A_603, %get3A_604] {strides = array<i32>} : memref<16x1024xf32, #tpu.memory_space<vmem>>, vector<1x16xf32>,
        %get3A_606 = vector.shape_cast %get3A_605 : vector<1x16xf32> to vector<16xf32>
        %add3A_607 = arith.addf %get3A_602, %get3A_606 : vector<16xf32>
        %swap3A_608 = arith.index_cast %scan3A_179 : i32 to index
        %swap3A_609 = arith.constant 480 : index
        %swap3A_610 = tpu.vector_load %arg11[%swap3A_608, %swap3A_609] {strides = array<i32>} : memref<16x1024xf32, #tpu.memory_space<vmem>>, vector<1x16xf32>,
        %swap3A_611 = vector.shape_cast %swap3A_610 : vector<1x16xf32> to vector<16xf32>
        %swap3A_612 = vector.shape_cast %add3A_607 : vector<16xf32> to vector<1x16xf32>
        tpu.vector_store %arg11[%swap3A_608, %swap3A_609], %swap3A_612 {strides = array<i32>} : memref<16x1024xf32, #tpu.memory_space<vmem>>, vector<1x16xf32>,
        %get3A_613 = arith.index_cast %scan3A_179 : i32 to index
        %get3A_614 = arith.constant 496 : index
        %get3A_615 = tpu.vector_load %arg7[%get3A_613, %get3A_614] {strides = array<i32>} : memref<16x1024xf32, #tpu.memory_space<vmem>>, vector<1x16xf32>,
        %get3A_616 = vector.shape_cast %get3A_615 : vector<1x16xf32> to vector<16xf32>
        %get3A_617 = arith.index_cast %scan3A_179 : i32 to index
        %get3A_618 = arith.constant 496 : index
        %get3A_619 = tpu.vector_load %arg9[%get3A_617, %get3A_618] {strides = array<i32>} : memref<16x1024xf32, #tpu.memory_space<vmem>>, vector<1x16xf32>,
        %get3A_620 = vector.shape_cast %get3A_619 : vector<1x16xf32> to vector<16xf32>
        %add3A_621 = arith.addf %get3A_616, %get3A_620 : vector<16xf32>
        %swap3A_622 = arith.index_cast %scan3A_179 : i32 to index
        %swap3A_623 = arith.constant 496 : index
        %swap3A_624 = tpu.vector_load %arg11[%swap3A_622, %swap3A_623] {strides = array<i32>} : memref<16x1024xf32, #tpu.memory_space<vmem>>, vector<1x16xf32>,
        %swap3A_625 = vector.shape_cast %swap3A_624 : vector<1x16xf32> to vector<16xf32>
        %swap3A_626 = vector.shape_cast %add3A_621 : vector<16xf32> to vector<1x16xf32>
        tpu.vector_store %arg11[%swap3A_622, %swap3A_623], %swap3A_626 {strides = array<i32>} : memref<16x1024xf32, #tpu.memory_space<vmem>>, vector<1x16xf32>,
        %get3A_627 = arith.index_cast %scan3A_179 : i32 to index
        %get3A_628 = arith.constant 512 : index
        %get3A_629 = tpu.vector_load %arg7[%get3A_627, %get3A_628] {strides = array<i32>} : memref<16x1024xf32, #tpu.memory_space<vmem>>, vector<1x16xf32>,
        %get3A_630 = vector.shape_cast %get3A_629 : vector<1x16xf32> to vector<16xf32>
        %get3A_631 = arith.index_cast %scan3A_179 : i32 to index
        %get3A_632 = arith.constant 512 : index
        %get3A_633 = tpu.vector_load %arg9[%get3A_631, %get3A_632] {strides = array<i32>} : memref<16x1024xf32, #tpu.memory_space<vmem>>, vector<1x16xf32>,
        %get3A_634 = vector.shape_cast %get3A_633 : vector<1x16xf32> to vector<16xf32>
        %add3A_635 = arith.addf %get3A_630, %get3A_634 : vector<16xf32>
        %swap3A_636 = arith.index_cast %scan3A_179 : i32 to index
        %swap3A_637 = arith.constant 512 : index
        %swap3A_638 = tpu.vector_load %arg11[%swap3A_636, %swap3A_637] {strides = array<i32>} : memref<16x1024xf32, #tpu.memory_space<vmem>>, vector<1x16xf32>,
        %swap3A_639 = vector.shape_cast %swap3A_638 : vector<1x16xf32> to vector<16xf32>
        %swap3A_640 = vector.shape_cast %add3A_635 : vector<16xf32> to vector<1x16xf32>
        tpu.vector_store %arg11[%swap3A_636, %swap3A_637], %swap3A_640 {strides = array<i32>} : memref<16x1024xf32, #tpu.memory_space<vmem>>, vector<1x16xf32>,
        %get3A_641 = arith.index_cast %scan3A_179 : i32 to index
        %get3A_642 = arith.constant 528 : index
        %get3A_643 = tpu.vector_load %arg7[%get3A_641, %get3A_642] {strides = array<i32>} : memref<16x1024xf32, #tpu.memory_space<vmem>>, vector<1x16xf32>,
        %get3A_644 = vector.shape_cast %get3A_643 : vector<1x16xf32> to vector<16xf32>
        %get3A_645 = arith.index_cast %scan3A_179 : i32 to index
        %get3A_646 = arith.constant 528 : index
        %get3A_647 = tpu.vector_load %arg9[%get3A_645, %get3A_646] {strides = array<i32>} : memref<16x1024xf32, #tpu.memory_space<vmem>>, vector<1x16xf32>,
        %get3A_648 = vector.shape_cast %get3A_647 : vector<1x16xf32> to vector<16xf32>
        %add3A_649 = arith.addf %get3A_644, %get3A_648 : vector<16xf32>
        %swap3A_650 = arith.index_cast %scan3A_179 : i32 to index
        %swap3A_651 = arith.constant 528 : index
        %swap3A_652 = tpu.vector_load %arg11[%swap3A_650, %swap3A_651] {strides = array<i32>} : memref<16x1024xf32, #tpu.memory_space<vmem>>, vector<1x16xf32>,
        %swap3A_653 = vector.shape_cast %swap3A_652 : vector<1x16xf32> to vector<16xf32>
        %swap3A_654 = vector.shape_cast %add3A_649 : vector<16xf32> to vector<1x16xf32>
        tpu.vector_store %arg11[%swap3A_650, %swap3A_651], %swap3A_654 {strides = array<i32>} : memref<16x1024xf32, #tpu.memory_space<vmem>>, vector<1x16xf32>,
        %get3A_655 = arith.index_cast %scan3A_179 : i32 to index
        %get3A_656 = arith.constant 544 : index
        %get3A_657 = tpu.vector_load %arg7[%get3A_655, %get3A_656] {strides = array<i32>} : memref<16x1024xf32, #tpu.memory_space<vmem>>, vector<1x16xf32>,
        %get3A_658 = vector.shape_cast %get3A_657 : vector<1x16xf32> to vector<16xf32>
        %get3A_659 = arith.index_cast %scan3A_179 : i32 to index
        %get3A_660 = arith.constant 544 : index
        %get3A_661 = tpu.vector_load %arg9[%get3A_659, %get3A_660] {strides = array<i32>} : memref<16x1024xf32, #tpu.memory_space<vmem>>, vector<1x16xf32>,
        %get3A_662 = vector.shape_cast %get3A_661 : vector<1x16xf32> to vector<16xf32>
        %add3A_663 = arith.addf %get3A_658, %get3A_662 : vector<16xf32>
        %swap3A_664 = arith.index_cast %scan3A_179 : i32 to index
        %swap3A_665 = arith.constant 544 : index
        %swap3A_666 = tpu.vector_load %arg11[%swap3A_664, %swap3A_665] {strides = array<i32>} : memref<16x1024xf32, #tpu.memory_space<vmem>>, vector<1x16xf32>,
        %swap3A_667 = vector.shape_cast %swap3A_666 : vector<1x16xf32> to vector<16xf32>
        %swap3A_668 = vector.shape_cast %add3A_663 : vector<16xf32> to vector<1x16xf32>
        tpu.vector_store %arg11[%swap3A_664, %swap3A_665], %swap3A_668 {strides = array<i32>} : memref<16x1024xf32, #tpu.memory_space<vmem>>, vector<1x16xf32>,
        %get3A_669 = arith.index_cast %scan3A_179 : i32 to index
        %get3A_670 = arith.constant 560 : index
        %get3A_671 = tpu.vector_load %arg7[%get3A_669, %get3A_670] {strides = array<i32>} : memref<16x1024xf32, #tpu.memory_space<vmem>>, vector<1x16xf32>,
        %get3A_672 = vector.shape_cast %get3A_671 : vector<1x16xf32> to vector<16xf32>
        %get3A_673 = arith.index_cast %scan3A_179 : i32 to index
        %get3A_674 = arith.constant 560 : index
        %get3A_675 = tpu.vector_load %arg9[%get3A_673, %get3A_674] {strides = array<i32>} : memref<16x1024xf32, #tpu.memory_space<vmem>>, vector<1x16xf32>,
        %get3A_676 = vector.shape_cast %get3A_675 : vector<1x16xf32> to vector<16xf32>
        %add3A_677 = arith.addf %get3A_672, %get3A_676 : vector<16xf32>
        %swap3A_678 = arith.index_cast %scan3A_179 : i32 to index
        %swap3A_679 = arith.constant 560 : index
        %swap3A_680 = tpu.vector_load %arg11[%swap3A_678, %swap3A_679] {strides = array<i32>} : memref<16x1024xf32, #tpu.memory_space<vmem>>, vector<1x16xf32>,
        %swap3A_681 = vector.shape_cast %swap3A_680 : vector<1x16xf32> to vector<16xf32>
        %swap3A_682 = vector.shape_cast %add3A_677 : vector<16xf32> to vector<1x16xf32>
        tpu.vector_store %arg11[%swap3A_678, %swap3A_679], %swap3A_682 {strides = array<i32>} : memref<16x1024xf32, #tpu.memory_space<vmem>>, vector<1x16xf32>,
        %get3A_683 = arith.index_cast %scan3A_179 : i32 to index
        %get3A_684 = arith.constant 576 : index
        %get3A_685 = tpu.vector_load %arg7[%get3A_683, %get3A_684] {strides = array<i32>} : memref<16x1024xf32, #tpu.memory_space<vmem>>, vector<1x16xf32>,
        %get3A_686 = vector.shape_cast %get3A_685 : vector<1x16xf32> to vector<16xf32>
        %get3A_687 = arith.index_cast %scan3A_179 : i32 to index
        %get3A_688 = arith.constant 576 : index
        %get3A_689 = tpu.vector_load %arg9[%get3A_687, %get3A_688] {strides = array<i32>} : memref<16x1024xf32, #tpu.memory_space<vmem>>, vector<1x16xf32>,
        %get3A_690 = vector.shape_cast %get3A_689 : vector<1x16xf32> to vector<16xf32>
        %add3A_691 = arith.addf %get3A_686, %get3A_690 : vector<16xf32>
        %swap3A_692 = arith.index_cast %scan3A_179 : i32 to index
        %swap3A_693 = arith.constant 576 : index
        %swap3A_694 = tpu.vector_load %arg11[%swap3A_692, %swap3A_693] {strides = array<i32>} : memref<16x1024xf32, #tpu.memory_space<vmem>>, vector<1x16xf32>,
        %swap3A_695 = vector.shape_cast %swap3A_694 : vector<1x16xf32> to vector<16xf32>
        %swap3A_696 = vector.shape_cast %add3A_691 : vector<16xf32> to vector<1x16xf32>
        tpu.vector_store %arg11[%swap3A_692, %swap3A_693], %swap3A_696 {strides = array<i32>} : memref<16x1024xf32, #tpu.memory_space<vmem>>, vector<1x16xf32>,
        %get3A_697 = arith.index_cast %scan3A_179 : i32 to index
        %get3A_698 = arith.constant 592 : index
        %get3A_699 = tpu.vector_load %arg7[%get3A_697, %get3A_698] {strides = array<i32>} : memref<16x1024xf32, #tpu.memory_space<vmem>>, vector<1x16xf32>,
        %get3A_700 = vector.shape_cast %get3A_699 : vector<1x16xf32> to vector<16xf32>
        %get3A_701 = arith.index_cast %scan3A_179 : i32 to index
        %get3A_702 = arith.constant 592 : index
        %get3A_703 = tpu.vector_load %arg9[%get3A_701, %get3A_702] {strides = array<i32>} : memref<16x1024xf32, #tpu.memory_space<vmem>>, vector<1x16xf32>,
        %get3A_704 = vector.shape_cast %get3A_703 : vector<1x16xf32> to vector<16xf32>
        %add3A_705 = arith.addf %get3A_700, %get3A_704 : vector<16xf32>
        %swap3A_706 = arith.index_cast %scan3A_179 : i32 to index
        %swap3A_707 = arith.constant 592 : index
        %swap3A_708 = tpu.vector_load %arg11[%swap3A_706, %swap3A_707] {strides = array<i32>} : memref<16x1024xf32, #tpu.memory_space<vmem>>, vector<1x16xf32>,
        %swap3A_709 = vector.shape_cast %swap3A_708 : vector<1x16xf32> to vector<16xf32>
        %swap3A_710 = vector.shape_cast %add3A_705 : vector<16xf32> to vector<1x16xf32>
        tpu.vector_store %arg11[%swap3A_706, %swap3A_707], %swap3A_710 {strides = array<i32>} : memref<16x1024xf32, #tpu.memory_space<vmem>>, vector<1x16xf32>,
        %get3A_711 = arith.index_cast %scan3A_179 : i32 to index
        %get3A_712 = arith.constant 608 : index
        %get3A_713 = tpu.vector_load %arg7[%get3A_711, %get3A_712] {strides = array<i32>} : memref<16x1024xf32, #tpu.memory_space<vmem>>, vector<1x16xf32>,
        %get3A_714 = vector.shape_cast %get3A_713 : vector<1x16xf32> to vector<16xf32>
        %get3A_715 = arith.index_cast %scan3A_179 : i32 to index
        %get3A_716 = arith.constant 608 : index
        %get3A_717 = tpu.vector_load %arg9[%get3A_715, %get3A_716] {strides = array<i32>} : memref<16x1024xf32, #tpu.memory_space<vmem>>, vector<1x16xf32>,
        %get3A_718 = vector.shape_cast %get3A_717 : vector<1x16xf32> to vector<16xf32>
        %add3A_719 = arith.addf %get3A_714, %get3A_718 : vector<16xf32>
        %swap3A_720 = arith.index_cast %scan3A_179 : i32 to index
        %swap3A_721 = arith.constant 608 : index
        %swap3A_722 = tpu.vector_load %arg11[%swap3A_720, %swap3A_721] {strides = array<i32>} : memref<16x1024xf32, #tpu.memory_space<vmem>>, vector<1x16xf32>,
        %swap3A_723 = vector.shape_cast %swap3A_722 : vector<1x16xf32> to vector<16xf32>
        %swap3A_724 = vector.shape_cast %add3A_719 : vector<16xf32> to vector<1x16xf32>
        tpu.vector_store %arg11[%swap3A_720, %swap3A_721], %swap3A_724 {strides = array<i32>} : memref<16x1024xf32, #tpu.memory_space<vmem>>, vector<1x16xf32>,
        %get3A_725 = arith.index_cast %scan3A_179 : i32 to index
        %get3A_726 = arith.constant 624 : index
        %get3A_727 = tpu.vector_load %arg7[%get3A_725, %get3A_726] {strides = array<i32>} : memref<16x1024xf32, #tpu.memory_space<vmem>>, vector<1x16xf32>,
        %get3A_728 = vector.shape_cast %get3A_727 : vector<1x16xf32> to vector<16xf32>
        %get3A_729 = arith.index_cast %scan3A_179 : i32 to index
        %get3A_730 = arith.constant 624 : index
        %get3A_731 = tpu.vector_load %arg9[%get3A_729, %get3A_730] {strides = array<i32>} : memref<16x1024xf32, #tpu.memory_space<vmem>>, vector<1x16xf32>,
        %get3A_732 = vector.shape_cast %get3A_731 : vector<1x16xf32> to vector<16xf32>
        %add3A_733 = arith.addf %get3A_728, %get3A_732 : vector<16xf32>
        %swap3A_734 = arith.index_cast %scan3A_179 : i32 to index
        %swap3A_735 = arith.constant 624 : index
        %swap3A_736 = tpu.vector_load %arg11[%swap3A_734, %swap3A_735] {strides = array<i32>} : memref<16x1024xf32, #tpu.memory_space<vmem>>, vector<1x16xf32>,
        %swap3A_737 = vector.shape_cast %swap3A_736 : vector<1x16xf32> to vector<16xf32>
        %swap3A_738 = vector.shape_cast %add3A_733 : vector<16xf32> to vector<1x16xf32>
        tpu.vector_store %arg11[%swap3A_734, %swap3A_735], %swap3A_738 {strides = array<i32>} : memref<16x1024xf32, #tpu.memory_space<vmem>>, vector<1x16xf32>,
        %get3A_739 = arith.index_cast %scan3A_179 : i32 to index
        %get3A_740 = arith.constant 640 : index
        %get3A_741 = tpu.vector_load %arg7[%get3A_739, %get3A_740] {strides = array<i32>} : memref<16x1024xf32, #tpu.memory_space<vmem>>, vector<1x16xf32>,
        %get3A_742 = vector.shape_cast %get3A_741 : vector<1x16xf32> to vector<16xf32>
        %get3A_743 = arith.index_cast %scan3A_179 : i32 to index
        %get3A_744 = arith.constant 640 : index
        %get3A_745 = tpu.vector_load %arg9[%get3A_743, %get3A_744] {strides = array<i32>} : memref<16x1024xf32, #tpu.memory_space<vmem>>, vector<1x16xf32>,
        %get3A_746 = vector.shape_cast %get3A_745 : vector<1x16xf32> to vector<16xf32>
        %add3A_747 = arith.addf %get3A_742, %get3A_746 : vector<16xf32>
        %swap3A_748 = arith.index_cast %scan3A_179 : i32 to index
        %swap3A_749 = arith.constant 640 : index
        %swap3A_750 = tpu.vector_load %arg11[%swap3A_748, %swap3A_749] {strides = array<i32>} : memref<16x1024xf32, #tpu.memory_space<vmem>>, vector<1x16xf32>,
        %swap3A_751 = vector.shape_cast %swap3A_750 : vector<1x16xf32> to vector<16xf32>
        %swap3A_752 = vector.shape_cast %add3A_747 : vector<16xf32> to vector<1x16xf32>
        tpu.vector_store %arg11[%swap3A_748, %swap3A_749], %swap3A_752 {strides = array<i32>} : memref<16x1024xf32, #tpu.memory_space<vmem>>, vector<1x16xf32>,
        %get3A_753 = arith.index_cast %scan3A_179 : i32 to index
        %get3A_754 = arith.constant 656 : index
        %get3A_755 = tpu.vector_load %arg7[%get3A_753, %get3A_754] {strides = array<i32>} : memref<16x1024xf32, #tpu.memory_space<vmem>>, vector<1x16xf32>,
        %get3A_756 = vector.shape_cast %get3A_755 : vector<1x16xf32> to vector<16xf32>
        %get3A_757 = arith.index_cast %scan3A_179 : i32 to index
        %get3A_758 = arith.constant 656 : index
        %get3A_759 = tpu.vector_load %arg9[%get3A_757, %get3A_758] {strides = array<i32>} : memref<16x1024xf32, #tpu.memory_space<vmem>>, vector<1x16xf32>,
        %get3A_760 = vector.shape_cast %get3A_759 : vector<1x16xf32> to vector<16xf32>
        %add3A_761 = arith.addf %get3A_756, %get3A_760 : vector<16xf32>
        %swap3A_762 = arith.index_cast %scan3A_179 : i32 to index
        %swap3A_763 = arith.constant 656 : index
        %swap3A_764 = tpu.vector_load %arg11[%swap3A_762, %swap3A_763] {strides = array<i32>} : memref<16x1024xf32, #tpu.memory_space<vmem>>, vector<1x16xf32>,
        %swap3A_765 = vector.shape_cast %swap3A_764 : vector<1x16xf32> to vector<16xf32>
        %swap3A_766 = vector.shape_cast %add3A_761 : vector<16xf32> to vector<1x16xf32>
        tpu.vector_store %arg11[%swap3A_762, %swap3A_763], %swap3A_766 {strides = array<i32>} : memref<16x1024xf32, #tpu.memory_space<vmem>>, vector<1x16xf32>,
        %get3A_767 = arith.index_cast %scan3A_179 : i32 to index
        %get3A_768 = arith.constant 672 : index
        %get3A_769 = tpu.vector_load %arg7[%get3A_767, %get3A_768] {strides = array<i32>} : memref<16x1024xf32, #tpu.memory_space<vmem>>, vector<1x16xf32>,
        %get3A_770 = vector.shape_cast %get3A_769 : vector<1x16xf32> to vector<16xf32>
        %get3A_771 = arith.index_cast %scan3A_179 : i32 to index
        %get3A_772 = arith.constant 672 : index
        %get3A_773 = tpu.vector_load %arg9[%get3A_771, %get3A_772] {strides = array<i32>} : memref<16x1024xf32, #tpu.memory_space<vmem>>, vector<1x16xf32>,
        %get3A_774 = vector.shape_cast %get3A_773 : vector<1x16xf32> to vector<16xf32>
        %add3A_775 = arith.addf %get3A_770, %get3A_774 : vector<16xf32>
        %swap3A_776 = arith.index_cast %scan3A_179 : i32 to index
        %swap3A_777 = arith.constant 672 : index
        %swap3A_778 = tpu.vector_load %arg11[%swap3A_776, %swap3A_777] {strides = array<i32>} : memref<16x1024xf32, #tpu.memory_space<vmem>>, vector<1x16xf32>,
        %swap3A_779 = vector.shape_cast %swap3A_778 : vector<1x16xf32> to vector<16xf32>
        %swap3A_780 = vector.shape_cast %add3A_775 : vector<16xf32> to vector<1x16xf32>
        tpu.vector_store %arg11[%swap3A_776, %swap3A_777], %swap3A_780 {strides = array<i32>} : memref<16x1024xf32, #tpu.memory_space<vmem>>, vector<1x16xf32>,
        %get3A_781 = arith.index_cast %scan3A_179 : i32 to index
        %get3A_782 = arith.constant 688 : index
        %get3A_783 = tpu.vector_load %arg7[%get3A_781, %get3A_782] {strides = array<i32>} : memref<16x1024xf32, #tpu.memory_space<vmem>>, vector<1x16xf32>,
        %get3A_784 = vector.shape_cast %get3A_783 : vector<1x16xf32> to vector<16xf32>
        %get3A_785 = arith.index_cast %scan3A_179 : i32 to index
        %get3A_786 = arith.constant 688 : index
        %get3A_787 = tpu.vector_load %arg9[%get3A_785, %get3A_786] {strides = array<i32>} : memref<16x1024xf32, #tpu.memory_space<vmem>>, vector<1x16xf32>,
        %get3A_788 = vector.shape_cast %get3A_787 : vector<1x16xf32> to vector<16xf32>
        %add3A_789 = arith.addf %get3A_784, %get3A_788 : vector<16xf32>
        %swap3A_790 = arith.index_cast %scan3A_179 : i32 to index
        %swap3A_791 = arith.constant 688 : index
        %swap3A_792 = tpu.vector_load %arg11[%swap3A_790, %swap3A_791] {strides = array<i32>} : memref<16x1024xf32, #tpu.memory_space<vmem>>, vector<1x16xf32>,
        %swap3A_793 = vector.shape_cast %swap3A_792 : vector<1x16xf32> to vector<16xf32>
        %swap3A_794 = vector.shape_cast %add3A_789 : vector<16xf32> to vector<1x16xf32>
        tpu.vector_store %arg11[%swap3A_790, %swap3A_791], %swap3A_794 {strides = array<i32>} : memref<16x1024xf32, #tpu.memory_space<vmem>>, vector<1x16xf32>,
        %get3A_795 = arith.index_cast %scan3A_179 : i32 to index
        %get3A_796 = arith.constant 704 : index
        %get3A_797 = tpu.vector_load %arg7[%get3A_795, %get3A_796] {strides = array<i32>} : memref<16x1024xf32, #tpu.memory_space<vmem>>, vector<1x16xf32>,
        %get3A_798 = vector.shape_cast %get3A_797 : vector<1x16xf32> to vector<16xf32>
        %get3A_799 = arith.index_cast %scan3A_179 : i32 to index
        %get3A_800 = arith.constant 704 : index
        %get3A_801 = tpu.vector_load %arg9[%get3A_799, %get3A_800] {strides = array<i32>} : memref<16x1024xf32, #tpu.memory_space<vmem>>, vector<1x16xf32>,
        %get3A_802 = vector.shape_cast %get3A_801 : vector<1x16xf32> to vector<16xf32>
        %add3A_803 = arith.addf %get3A_798, %get3A_802 : vector<16xf32>
        %swap3A_804 = arith.index_cast %scan3A_179 : i32 to index
        %swap3A_805 = arith.constant 704 : index
        %swap3A_806 = tpu.vector_load %arg11[%swap3A_804, %swap3A_805] {strides = array<i32>} : memref<16x1024xf32, #tpu.memory_space<vmem>>, vector<1x16xf32>,
        %swap3A_807 = vector.shape_cast %swap3A_806 : vector<1x16xf32> to vector<16xf32>
        %swap3A_808 = vector.shape_cast %add3A_803 : vector<16xf32> to vector<1x16xf32>
        tpu.vector_store %arg11[%swap3A_804, %swap3A_805], %swap3A_808 {strides = array<i32>} : memref<16x1024xf32, #tpu.memory_space<vmem>>, vector<1x16xf32>,
        %get3A_809 = arith.index_cast %scan3A_179 : i32 to index
        %get3A_810 = arith.constant 720 : index
        %get3A_811 = tpu.vector_load %arg7[%get3A_809, %get3A_810] {strides = array<i32>} : memref<16x1024xf32, #tpu.memory_space<vmem>>, vector<1x16xf32>,
        %get3A_812 = vector.shape_cast %get3A_811 : vector<1x16xf32> to vector<16xf32>
        %get3A_813 = arith.index_cast %scan3A_179 : i32 to index
        %get3A_814 = arith.constant 720 : index
        %get3A_815 = tpu.vector_load %arg9[%get3A_813, %get3A_814] {strides = array<i32>} : memref<16x1024xf32, #tpu.memory_space<vmem>>, vector<1x16xf32>,
        %get3A_816 = vector.shape_cast %get3A_815 : vector<1x16xf32> to vector<16xf32>
        %add3A_817 = arith.addf %get3A_812, %get3A_816 : vector<16xf32>
        %swap3A_818 = arith.index_cast %scan3A_179 : i32 to index
        %swap3A_819 = arith.constant 720 : index
        %swap3A_820 = tpu.vector_load %arg11[%swap3A_818, %swap3A_819] {strides = array<i32>} : memref<16x1024xf32, #tpu.memory_space<vmem>>, vector<1x16xf32>,
        %swap3A_821 = vector.shape_cast %swap3A_820 : vector<1x16xf32> to vector<16xf32>
        %swap3A_822 = vector.shape_cast %add3A_817 : vector<16xf32> to vector<1x16xf32>
        tpu.vector_store %arg11[%swap3A_818, %swap3A_819], %swap3A_822 {strides = array<i32>} : memref<16x1024xf32, #tpu.memory_space<vmem>>, vector<1x16xf32>,
        %get3A_823 = arith.index_cast %scan3A_179 : i32 to index
        %get3A_824 = arith.constant 736 : index
        %get3A_825 = tpu.vector_load %arg7[%get3A_823, %get3A_824] {strides = array<i32>} : memref<16x1024xf32, #tpu.memory_space<vmem>>, vector<1x16xf32>,
        %get3A_826 = vector.shape_cast %get3A_825 : vector<1x16xf32> to vector<16xf32>
        %get3A_827 = arith.index_cast %scan3A_179 : i32 to index
        %get3A_828 = arith.constant 736 : index
        %get3A_829 = tpu.vector_load %arg9[%get3A_827, %get3A_828] {strides = array<i32>} : memref<16x1024xf32, #tpu.memory_space<vmem>>, vector<1x16xf32>,
        %get3A_830 = vector.shape_cast %get3A_829 : vector<1x16xf32> to vector<16xf32>
        %add3A_831 = arith.addf %get3A_826, %get3A_830 : vector<16xf32>
        %swap3A_832 = arith.index_cast %scan3A_179 : i32 to index
        %swap3A_833 = arith.constant 736 : index
        %swap3A_834 = tpu.vector_load %arg11[%swap3A_832, %swap3A_833] {strides = array<i32>} : memref<16x1024xf32, #tpu.memory_space<vmem>>, vector<1x16xf32>,
        %swap3A_835 = vector.shape_cast %swap3A_834 : vector<1x16xf32> to vector<16xf32>
        %swap3A_836 = vector.shape_cast %add3A_831 : vector<16xf32> to vector<1x16xf32>
        tpu.vector_store %arg11[%swap3A_832, %swap3A_833], %swap3A_836 {strides = array<i32>} : memref<16x1024xf32, #tpu.memory_space<vmem>>, vector<1x16xf32>,
        %get3A_837 = arith.index_cast %scan3A_179 : i32 to index
        %get3A_838 = arith.constant 752 : index
        %get3A_839 = tpu.vector_load %arg7[%get3A_837, %get3A_838] {strides = array<i32>} : memref<16x1024xf32, #tpu.memory_space<vmem>>, vector<1x16xf32>,
        %get3A_840 = vector.shape_cast %get3A_839 : vector<1x16xf32> to vector<16xf32>
        %get3A_841 = arith.index_cast %scan3A_179 : i32 to index
        %get3A_842 = arith.constant 752 : index
        %get3A_843 = tpu.vector_load %arg9[%get3A_841, %get3A_842] {strides = array<i32>} : memref<16x1024xf32, #tpu.memory_space<vmem>>, vector<1x16xf32>,
        %get3A_844 = vector.shape_cast %get3A_843 : vector<1x16xf32> to vector<16xf32>
        %add3A_845 = arith.addf %get3A_840, %get3A_844 : vector<16xf32>
        %swap3A_846 = arith.index_cast %scan3A_179 : i32 to index
        %swap3A_847 = arith.constant 752 : index
        %swap3A_848 = tpu.vector_load %arg11[%swap3A_846, %swap3A_847] {strides = array<i32>} : memref<16x1024xf32, #tpu.memory_space<vmem>>, vector<1x16xf32>,
        %swap3A_849 = vector.shape_cast %swap3A_848 : vector<1x16xf32> to vector<16xf32>
        %swap3A_850 = vector.shape_cast %add3A_845 : vector<16xf32> to vector<1x16xf32>
        tpu.vector_store %arg11[%swap3A_846, %swap3A_847], %swap3A_850 {strides = array<i32>} : memref<16x1024xf32, #tpu.memory_space<vmem>>, vector<1x16xf32>,
        %get3A_851 = arith.index_cast %scan3A_179 : i32 to index
        %get3A_852 = arith.constant 768 : index
        %get3A_853 = tpu.vector_load %arg7[%get3A_851, %get3A_852] {strides = array<i32>} : memref<16x1024xf32, #tpu.memory_space<vmem>>, vector<1x16xf32>,
        %get3A_854 = vector.shape_cast %get3A_853 : vector<1x16xf32> to vector<16xf32>
        %get3A_855 = arith.index_cast %scan3A_179 : i32 to index
        %get3A_856 = arith.constant 768 : index
        %get3A_857 = tpu.vector_load %arg9[%get3A_855, %get3A_856] {strides = array<i32>} : memref<16x1024xf32, #tpu.memory_space<vmem>>, vector<1x16xf32>,
        %get3A_858 = vector.shape_cast %get3A_857 : vector<1x16xf32> to vector<16xf32>
        %add3A_859 = arith.addf %get3A_854, %get3A_858 : vector<16xf32>
        %swap3A_860 = arith.index_cast %scan3A_179 : i32 to index
        %swap3A_861 = arith.constant 768 : index
        %swap3A_862 = tpu.vector_load %arg11[%swap3A_860, %swap3A_861] {strides = array<i32>} : memref<16x1024xf32, #tpu.memory_space<vmem>>, vector<1x16xf32>,
        %swap3A_863 = vector.shape_cast %swap3A_862 : vector<1x16xf32> to vector<16xf32>
        %swap3A_864 = vector.shape_cast %add3A_859 : vector<16xf32> to vector<1x16xf32>
        tpu.vector_store %arg11[%swap3A_860, %swap3A_861], %swap3A_864 {strides = array<i32>} : memref<16x1024xf32, #tpu.memory_space<vmem>>, vector<1x16xf32>,
        %get3A_865 = arith.index_cast %scan3A_179 : i32 to index
        %get3A_866 = arith.constant 784 : index
        %get3A_867 = tpu.vector_load %arg7[%get3A_865, %get3A_866] {strides = array<i32>} : memref<16x1024xf32, #tpu.memory_space<vmem>>, vector<1x16xf32>,
        %get3A_868 = vector.shape_cast %get3A_867 : vector<1x16xf32> to vector<16xf32>
        %get3A_869 = arith.index_cast %scan3A_179 : i32 to index
        %get3A_870 = arith.constant 784 : index
        %get3A_871 = tpu.vector_load %arg9[%get3A_869, %get3A_870] {strides = array<i32>} : memref<16x1024xf32, #tpu.memory_space<vmem>>, vector<1x16xf32>,
        %get3A_872 = vector.shape_cast %get3A_871 : vector<1x16xf32> to vector<16xf32>
        %add3A_873 = arith.addf %get3A_868, %get3A_872 : vector<16xf32>
        %swap3A_874 = arith.index_cast %scan3A_179 : i32 to index
        %swap3A_875 = arith.constant 784 : index
        %swap3A_876 = tpu.vector_load %arg11[%swap3A_874, %swap3A_875] {strides = array<i32>} : memref<16x1024xf32, #tpu.memory_space<vmem>>, vector<1x16xf32>,
        %swap3A_877 = vector.shape_cast %swap3A_876 : vector<1x16xf32> to vector<16xf32>
        %swap3A_878 = vector.shape_cast %add3A_873 : vector<16xf32> to vector<1x16xf32>
        tpu.vector_store %arg11[%swap3A_874, %swap3A_875], %swap3A_878 {strides = array<i32>} : memref<16x1024xf32, #tpu.memory_space<vmem>>, vector<1x16xf32>,
        %get3A_879 = arith.index_cast %scan3A_179 : i32 to index
        %get3A_880 = arith.constant 800 : index
        %get3A_881 = tpu.vector_load %arg7[%get3A_879, %get3A_880] {strides = array<i32>} : memref<16x1024xf32, #tpu.memory_space<vmem>>, vector<1x16xf32>,
        %get3A_882 = vector.shape_cast %get3A_881 : vector<1x16xf32> to vector<16xf32>
        %get3A_883 = arith.index_cast %scan3A_179 : i32 to index
        %get3A_884 = arith.constant 800 : index
        %get3A_885 = tpu.vector_load %arg9[%get3A_883, %get3A_884] {strides = array<i32>} : memref<16x1024xf32, #tpu.memory_space<vmem>>, vector<1x16xf32>,
        %get3A_886 = vector.shape_cast %get3A_885 : vector<1x16xf32> to vector<16xf32>
        %add3A_887 = arith.addf %get3A_882, %get3A_886 : vector<16xf32>
        %swap3A_888 = arith.index_cast %scan3A_179 : i32 to index
        %swap3A_889 = arith.constant 800 : index
        %swap3A_890 = tpu.vector_load %arg11[%swap3A_888, %swap3A_889] {strides = array<i32>} : memref<16x1024xf32, #tpu.memory_space<vmem>>, vector<1x16xf32>,
        %swap3A_891 = vector.shape_cast %swap3A_890 : vector<1x16xf32> to vector<16xf32>
        %swap3A_892 = vector.shape_cast %add3A_887 : vector<16xf32> to vector<1x16xf32>
        tpu.vector_store %arg11[%swap3A_888, %swap3A_889], %swap3A_892 {strides = array<i32>} : memref<16x1024xf32, #tpu.memory_space<vmem>>, vector<1x16xf32>,
        %get3A_893 = arith.index_cast %scan3A_179 : i32 to index
        %get3A_894 = arith.constant 816 : index
        %get3A_895 = tpu.vector_load %arg7[%get3A_893, %get3A_894] {strides = array<i32>} : memref<16x1024xf32, #tpu.memory_space<vmem>>, vector<1x16xf32>,
        %get3A_896 = vector.shape_cast %get3A_895 : vector<1x16xf32> to vector<16xf32>
        %get3A_897 = arith.index_cast %scan3A_179 : i32 to index
        %get3A_898 = arith.constant 816 : index
        %get3A_899 = tpu.vector_load %arg9[%get3A_897, %get3A_898] {strides = array<i32>} : memref<16x1024xf32, #tpu.memory_space<vmem>>, vector<1x16xf32>,
        %get3A_900 = vector.shape_cast %get3A_899 : vector<1x16xf32> to vector<16xf32>
        %add3A_901 = arith.addf %get3A_896, %get3A_900 : vector<16xf32>
        %swap3A_902 = arith.index_cast %scan3A_179 : i32 to index
        %swap3A_903 = arith.constant 816 : index
        %swap3A_904 = tpu.vector_load %arg11[%swap3A_902, %swap3A_903] {strides = array<i32>} : memref<16x1024xf32, #tpu.memory_space<vmem>>, vector<1x16xf32>,
        %swap3A_905 = vector.shape_cast %swap3A_904 : vector<1x16xf32> to vector<16xf32>
        %swap3A_906 = vector.shape_cast %add3A_901 : vector<16xf32> to vector<1x16xf32>
        tpu.vector_store %arg11[%swap3A_902, %swap3A_903], %swap3A_906 {strides = array<i32>} : memref<16x1024xf32, #tpu.memory_space<vmem>>, vector<1x16xf32>,
        %get3A_907 = arith.index_cast %scan3A_179 : i32 to index
        %get3A_908 = arith.constant 832 : index
        %get3A_909 = tpu.vector_load %arg7[%get3A_907, %get3A_908] {strides = array<i32>} : memref<16x1024xf32, #tpu.memory_space<vmem>>, vector<1x16xf32>,
        %get3A_910 = vector.shape_cast %get3A_909 : vector<1x16xf32> to vector<16xf32>
        %get3A_911 = arith.index_cast %scan3A_179 : i32 to index
        %get3A_912 = arith.constant 832 : index
        %get3A_913 = tpu.vector_load %arg9[%get3A_911, %get3A_912] {strides = array<i32>} : memref<16x1024xf32, #tpu.memory_space<vmem>>, vector<1x16xf32>,
        %get3A_914 = vector.shape_cast %get3A_913 : vector<1x16xf32> to vector<16xf32>
        %add3A_915 = arith.addf %get3A_910, %get3A_914 : vector<16xf32>
        %swap3A_916 = arith.index_cast %scan3A_179 : i32 to index
        %swap3A_917 = arith.constant 832 : index
        %swap3A_918 = tpu.vector_load %arg11[%swap3A_916, %swap3A_917] {strides = array<i32>} : memref<16x1024xf32, #tpu.memory_space<vmem>>, vector<1x16xf32>,
        %swap3A_919 = vector.shape_cast %swap3A_918 : vector<1x16xf32> to vector<16xf32>
        %swap3A_920 = vector.shape_cast %add3A_915 : vector<16xf32> to vector<1x16xf32>
        tpu.vector_store %arg11[%swap3A_916, %swap3A_917], %swap3A_920 {strides = array<i32>} : memref<16x1024xf32, #tpu.memory_space<vmem>>, vector<1x16xf32>,
        %get3A_921 = arith.index_cast %scan3A_179 : i32 to index
        %get3A_922 = arith.constant 848 : index
        %get3A_923 = tpu.vector_load %arg7[%get3A_921, %get3A_922] {strides = array<i32>} : memref<16x1024xf32, #tpu.memory_space<vmem>>, vector<1x16xf32>,
        %get3A_924 = vector.shape_cast %get3A_923 : vector<1x16xf32> to vector<16xf32>
        %get3A_925 = arith.index_cast %scan3A_179 : i32 to index
        %get3A_926 = arith.constant 848 : index
        %get3A_927 = tpu.vector_load %arg9[%get3A_925, %get3A_926] {strides = array<i32>} : memref<16x1024xf32, #tpu.memory_space<vmem>>, vector<1x16xf32>,
        %get3A_928 = vector.shape_cast %get3A_927 : vector<1x16xf32> to vector<16xf32>
        %add3A_929 = arith.addf %get3A_924, %get3A_928 : vector<16xf32>
        %swap3A_930 = arith.index_cast %scan3A_179 : i32 to index
        %swap3A_931 = arith.constant 848 : index
        %swap3A_932 = tpu.vector_load %arg11[%swap3A_930, %swap3A_931] {strides = array<i32>} : memref<16x1024xf32, #tpu.memory_space<vmem>>, vector<1x16xf32>,
        %swap3A_933 = vector.shape_cast %swap3A_932 : vector<1x16xf32> to vector<16xf32>
        %swap3A_934 = vector.shape_cast %add3A_929 : vector<16xf32> to vector<1x16xf32>
        tpu.vector_store %arg11[%swap3A_930, %swap3A_931], %swap3A_934 {strides = array<i32>} : memref<16x1024xf32, #tpu.memory_space<vmem>>, vector<1x16xf32>,
        %get3A_935 = arith.index_cast %scan3A_179 : i32 to index
        %get3A_936 = arith.constant 864 : index
        %get3A_937 = tpu.vector_load %arg7[%get3A_935, %get3A_936] {strides = array<i32>} : memref<16x1024xf32, #tpu.memory_space<vmem>>, vector<1x16xf32>,
        %get3A_938 = vector.shape_cast %get3A_937 : vector<1x16xf32> to vector<16xf32>
        %get3A_939 = arith.index_cast %scan3A_179 : i32 to index
        %get3A_940 = arith.constant 864 : index
        %get3A_941 = tpu.vector_load %arg9[%get3A_939, %get3A_940] {strides = array<i32>} : memref<16x1024xf32, #tpu.memory_space<vmem>>, vector<1x16xf32>,
        %get3A_942 = vector.shape_cast %get3A_941 : vector<1x16xf32> to vector<16xf32>
        %add3A_943 = arith.addf %get3A_938, %get3A_942 : vector<16xf32>
        %swap3A_944 = arith.index_cast %scan3A_179 : i32 to index
        %swap3A_945 = arith.constant 864 : index
        %swap3A_946 = tpu.vector_load %arg11[%swap3A_944, %swap3A_945] {strides = array<i32>} : memref<16x1024xf32, #tpu.memory_space<vmem>>, vector<1x16xf32>,
        %swap3A_947 = vector.shape_cast %swap3A_946 : vector<1x16xf32> to vector<16xf32>
        %swap3A_948 = vector.shape_cast %add3A_943 : vector<16xf32> to vector<1x16xf32>
        tpu.vector_store %arg11[%swap3A_944, %swap3A_945], %swap3A_948 {strides = array<i32>} : memref<16x1024xf32, #tpu.memory_space<vmem>>, vector<1x16xf32>,
        %get3A_949 = arith.index_cast %scan3A_179 : i32 to index
        %get3A_950 = arith.constant 880 : index
        %get3A_951 = tpu.vector_load %arg7[%get3A_949, %get3A_950] {strides = array<i32>} : memref<16x1024xf32, #tpu.memory_space<vmem>>, vector<1x16xf32>,
        %get3A_952 = vector.shape_cast %get3A_951 : vector<1x16xf32> to vector<16xf32>
        %get3A_953 = arith.index_cast %scan3A_179 : i32 to index
        %get3A_954 = arith.constant 880 : index
        %get3A_955 = tpu.vector_load %arg9[%get3A_953, %get3A_954] {strides = array<i32>} : memref<16x1024xf32, #tpu.memory_space<vmem>>, vector<1x16xf32>,
        %get3A_956 = vector.shape_cast %get3A_955 : vector<1x16xf32> to vector<16xf32>
        %add3A_957 = arith.addf %get3A_952, %get3A_956 : vector<16xf32>
        %swap3A_958 = arith.index_cast %scan3A_179 : i32 to index
        %swap3A_959 = arith.constant 880 : index
        %swap3A_960 = tpu.vector_load %arg11[%swap3A_958, %swap3A_959] {strides = array<i32>} : memref<16x1024xf32, #tpu.memory_space<vmem>>, vector<1x16xf32>,
        %swap3A_961 = vector.shape_cast %swap3A_960 : vector<1x16xf32> to vector<16xf32>
        %swap3A_962 = vector.shape_cast %add3A_957 : vector<16xf32> to vector<1x16xf32>
        tpu.vector_store %arg11[%swap3A_958, %swap3A_959], %swap3A_962 {strides = array<i32>} : memref<16x1024xf32, #tpu.memory_space<vmem>>, vector<1x16xf32>,
        %get3A_963 = arith.index_cast %scan3A_179 : i32 to index
        %get3A_964 = arith.constant 896 : index
        %get3A_965 = tpu.vector_load %arg7[%get3A_963, %get3A_964] {strides = array<i32>} : memref<16x1024xf32, #tpu.memory_space<vmem>>, vector<1x16xf32>,
        %get3A_966 = vector.shape_cast %get3A_965 : vector<1x16xf32> to vector<16xf32>
        %get3A_967 = arith.index_cast %scan3A_179 : i32 to index
        %get3A_968 = arith.constant 896 : index
        %get3A_969 = tpu.vector_load %arg9[%get3A_967, %get3A_968] {strides = array<i32>} : memref<16x1024xf32, #tpu.memory_space<vmem>>, vector<1x16xf32>,
        %get3A_970 = vector.shape_cast %get3A_969 : vector<1x16xf32> to vector<16xf32>
        %add3A_971 = arith.addf %get3A_966, %get3A_970 : vector<16xf32>
        %swap3A_972 = arith.index_cast %scan3A_179 : i32 to index
        %swap3A_973 = arith.constant 896 : index
        %swap3A_974 = tpu.vector_load %arg11[%swap3A_972, %swap3A_973] {strides = array<i32>} : memref<16x1024xf32, #tpu.memory_space<vmem>>, vector<1x16xf32>,
        %swap3A_975 = vector.shape_cast %swap3A_974 : vector<1x16xf32> to vector<16xf32>
        %swap3A_976 = vector.shape_cast %add3A_971 : vector<16xf32> to vector<1x16xf32>
        tpu.vector_store %arg11[%swap3A_972, %swap3A_973], %swap3A_976 {strides = array<i32>} : memref<16x1024xf32, #tpu.memory_space<vmem>>, vector<1x16xf32>,
        %get3A_977 = arith.index_cast %scan3A_179 : i32 to index
        %get3A_978 = arith.constant 912 : index
        %get3A_979 = tpu.vector_load %arg7[%get3A_977, %get3A_978] {strides = array<i32>} : memref<16x1024xf32, #tpu.memory_space<vmem>>, vector<1x16xf32>,
        %get3A_980 = vector.shape_cast %get3A_979 : vector<1x16xf32> to vector<16xf32>
        %get3A_981 = arith.index_cast %scan3A_179 : i32 to index
        %get3A_982 = arith.constant 912 : index
        %get3A_983 = tpu.vector_load %arg9[%get3A_981, %get3A_982] {strides = array<i32>} : memref<16x1024xf32, #tpu.memory_space<vmem>>, vector<1x16xf32>,
        %get3A_984 = vector.shape_cast %get3A_983 : vector<1x16xf32> to vector<16xf32>
        %add3A_985 = arith.addf %get3A_980, %get3A_984 : vector<16xf32>
        %swap3A_986 = arith.index_cast %scan3A_179 : i32 to index
        %swap3A_987 = arith.constant 912 : index
        %swap3A_988 = tpu.vector_load %arg11[%swap3A_986, %swap3A_987] {strides = array<i32>} : memref<16x1024xf32, #tpu.memory_space<vmem>>, vector<1x16xf32>,
        %swap3A_989 = vector.shape_cast %swap3A_988 : vector<1x16xf32> to vector<16xf32>
        %swap3A_990 = vector.shape_cast %add3A_985 : vector<16xf32> to vector<1x16xf32>
        tpu.vector_store %arg11[%swap3A_986, %swap3A_987], %swap3A_990 {strides = array<i32>} : memref<16x1024xf32, #tpu.memory_space<vmem>>, vector<1x16xf32>,
        %get3A_991 = arith.index_cast %scan3A_179 : i32 to index
        %get3A_992 = arith.constant 928 : index
        %get3A_993 = tpu.vector_load %arg7[%get3A_991, %get3A_992] {strides = array<i32>} : memref<16x1024xf32, #tpu.memory_space<vmem>>, vector<1x16xf32>,
        %get3A_994 = vector.shape_cast %get3A_993 : vector<1x16xf32> to vector<16xf32>
        %get3A_995 = arith.index_cast %scan3A_179 : i32 to index
        %get3A_996 = arith.constant 928 : index
        %get3A_997 = tpu.vector_load %arg9[%get3A_995, %get3A_996] {strides = array<i32>} : memref<16x1024xf32, #tpu.memory_space<vmem>>, vector<1x16xf32>,
        %get3A_998 = vector.shape_cast %get3A_997 : vector<1x16xf32> to vector<16xf32>
        %add3A_999 = arith.addf %get3A_994, %get3A_998 : vector<16xf32>
        %swap3A_1000 = arith.index_cast %scan3A_179 : i32 to index
        %swap3A_1001 = arith.constant 928 : index
        %swap3A_1002 = tpu.vector_load %arg11[%swap3A_1000, %swap3A_1001] {strides = array<i32>} : memref<16x1024xf32, #tpu.memory_space<vmem>>, vector<1x16xf32>,
        %swap3A_1003 = vector.shape_cast %swap3A_1002 : vector<1x16xf32> to vector<16xf32>
        %swap3A_1004 = vector.shape_cast %add3A_999 : vector<16xf32> to vector<1x16xf32>
        tpu.vector_store %arg11[%swap3A_1000, %swap3A_1001], %swap3A_1004 {strides = array<i32>} : memref<16x1024xf32, #tpu.memory_space<vmem>>, vector<1x16xf32>,
        %get3A_1005 = arith.index_cast %scan3A_179 : i32 to index
        %get3A_1006 = arith.constant 944 : index
        %get3A_1007 = tpu.vector_load %arg7[%get3A_1005, %get3A_1006] {strides = array<i32>} : memref<16x1024xf32, #tpu.memory_space<vmem>>, vector<1x16xf32>,
        %get3A_1008 = vector.shape_cast %get3A_1007 : vector<1x16xf32> to vector<16xf32>
        %get3A_1009 = arith.index_cast %scan3A_179 : i32 to index
        %get3A_1010 = arith.constant 944 : index
        %get3A_1011 = tpu.vector_load %arg9[%get3A_1009, %get3A_1010] {strides = array<i32>} : memref<16x1024xf32, #tpu.memory_space<vmem>>, vector<1x16xf32>,
        %get3A_1012 = vector.shape_cast %get3A_1011 : vector<1x16xf32> to vector<16xf32>
        %add3A_1013 = arith.addf %get3A_1008, %get3A_1012 : vector<16xf32>
        %swap3A_1014 = arith.index_cast %scan3A_179 : i32 to index
        %swap3A_1015 = arith.constant 944 : index
        %swap3A_1016 = tpu.vector_load %arg11[%swap3A_1014, %swap3A_1015] {strides = array<i32>} : memref<16x1024xf32, #tpu.memory_space<vmem>>, vector<1x16xf32>,
        %swap3A_1017 = vector.shape_cast %swap3A_1016 : vector<1x16xf32> to vector<16xf32>
        %swap3A_1018 = vector.shape_cast %add3A_1013 : vector<16xf32> to vector<1x16xf32>
        tpu.vector_store %arg11[%swap3A_1014, %swap3A_1015], %swap3A_1018 {strides = array<i32>} : memref<16x1024xf32, #tpu.memory_space<vmem>>, vector<1x16xf32>,
        %get3A_1019 = arith.index_cast %scan3A_179 : i32 to index
        %get3A_1020 = arith.constant 960 : index
        %get3A_1021 = tpu.vector_load %arg7[%get3A_1019, %get3A_1020] {strides = array<i32>} : memref<16x1024xf32, #tpu.memory_space<vmem>>, vector<1x16xf32>,
        %get3A_1022 = vector.shape_cast %get3A_1021 : vector<1x16xf32> to vector<16xf32>
        %get3A_1023 = arith.index_cast %scan3A_179 : i32 to index
        %get3A_1024 = arith.constant 960 : index
        %get3A_1025 = tpu.vector_load %arg9[%get3A_1023, %get3A_1024] {strides = array<i32>} : memref<16x1024xf32, #tpu.memory_space<vmem>>, vector<1x16xf32>,
        %get3A_1026 = vector.shape_cast %get3A_1025 : vector<1x16xf32> to vector<16xf32>
        %add3A_1027 = arith.addf %get3A_1022, %get3A_1026 : vector<16xf32>
        %swap3A_1028 = arith.index_cast %scan3A_179 : i32 to index
        %swap3A_1029 = arith.constant 960 : index
        %swap3A_1030 = tpu.vector_load %arg11[%swap3A_1028, %swap3A_1029] {strides = array<i32>} : memref<16x1024xf32, #tpu.memory_space<vmem>>, vector<1x16xf32>,
        %swap3A_1031 = vector.shape_cast %swap3A_1030 : vector<1x16xf32> to vector<16xf32>
        %swap3A_1032 = vector.shape_cast %add3A_1027 : vector<16xf32> to vector<1x16xf32>
        tpu.vector_store %arg11[%swap3A_1028, %swap3A_1029], %swap3A_1032 {strides = array<i32>} : memref<16x1024xf32, #tpu.memory_space<vmem>>, vector<1x16xf32>,
        %get3A_1033 = arith.index_cast %scan3A_179 : i32 to index
        %get3A_1034 = arith.constant 976 : index
        %get3A_1035 = tpu.vector_load %arg7[%get3A_1033, %get3A_1034] {strides = array<i32>} : memref<16x1024xf32, #tpu.memory_space<vmem>>, vector<1x16xf32>,
        %get3A_1036 = vector.shape_cast %get3A_1035 : vector<1x16xf32> to vector<16xf32>
        %get3A_1037 = arith.index_cast %scan3A_179 : i32 to index
        %get3A_1038 = arith.constant 976 : index
        %get3A_1039 = tpu.vector_load %arg9[%get3A_1037, %get3A_1038] {strides = array<i32>} : memref<16x1024xf32, #tpu.memory_space<vmem>>, vector<1x16xf32>,
        %get3A_1040 = vector.shape_cast %get3A_1039 : vector<1x16xf32> to vector<16xf32>
        %add3A_1041 = arith.addf %get3A_1036, %get3A_1040 : vector<16xf32>
        %swap3A_1042 = arith.index_cast %scan3A_179 : i32 to index
        %swap3A_1043 = arith.constant 976 : index
        %swap3A_1044 = tpu.vector_load %arg11[%swap3A_1042, %swap3A_1043] {strides = array<i32>} : memref<16x1024xf32, #tpu.memory_space<vmem>>, vector<1x16xf32>,
        %swap3A_1045 = vector.shape_cast %swap3A_1044 : vector<1x16xf32> to vector<16xf32>
        %swap3A_1046 = vector.shape_cast %add3A_1041 : vector<16xf32> to vector<1x16xf32>
        tpu.vector_store %arg11[%swap3A_1042, %swap3A_1043], %swap3A_1046 {strides = array<i32>} : memref<16x1024xf32, #tpu.memory_space<vmem>>, vector<1x16xf32>,
        %get3A_1047 = arith.index_cast %scan3A_179 : i32 to index
        %get3A_1048 = arith.constant 992 : index
        %get3A_1049 = tpu.vector_load %arg7[%get3A_1047, %get3A_1048] {strides = array<i32>} : memref<16x1024xf32, #tpu.memory_space<vmem>>, vector<1x16xf32>,
        %get3A_1050 = vector.shape_cast %get3A_1049 : vector<1x16xf32> to vector<16xf32>
        %get3A_1051 = arith.index_cast %scan3A_179 : i32 to index
        %get3A_1052 = arith.constant 992 : index
        %get3A_1053 = tpu.vector_load %arg9[%get3A_1051, %get3A_1052] {strides = array<i32>} : memref<16x1024xf32, #tpu.memory_space<vmem>>, vector<1x16xf32>,
        %get3A_1054 = vector.shape_cast %get3A_1053 : vector<1x16xf32> to vector<16xf32>
        %add3A_1055 = arith.addf %get3A_1050, %get3A_1054 : vector<16xf32>
        %swap3A_1056 = arith.index_cast %scan3A_179 : i32 to index
        %swap3A_1057 = arith.constant 992 : index
        %swap3A_1058 = tpu.vector_load %arg11[%swap3A_1056, %swap3A_1057] {strides = array<i32>} : memref<16x1024xf32, #tpu.memory_space<vmem>>, vector<1x16xf32>,
        %swap3A_1059 = vector.shape_cast %swap3A_1058 : vector<1x16xf32> to vector<16xf32>
        %swap3A_1060 = vector.shape_cast %add3A_1055 : vector<16xf32> to vector<1x16xf32>
        tpu.vector_store %arg11[%swap3A_1056, %swap3A_1057], %swap3A_1060 {strides = array<i32>} : memref<16x1024xf32, #tpu.memory_space<vmem>>, vector<1x16xf32>,
        %get3A_1061 = arith.index_cast %scan3A_179 : i32 to index
        %get3A_1062 = arith.constant 1008 : index
        %get3A_1063 = tpu.vector_load %arg7[%get3A_1061, %get3A_1062] {strides = array<i32>} : memref<16x1024xf32, #tpu.memory_space<vmem>>, vector<1x16xf32>,
        %get3A_1064 = vector.shape_cast %get3A_1063 : vector<1x16xf32> to vector<16xf32>
        %get3A_1065 = arith.index_cast %scan3A_179 : i32 to index
        %get3A_1066 = arith.constant 1008 : index
        %get3A_1067 = tpu.vector_load %arg9[%get3A_1065, %get3A_1066] {strides = array<i32>} : memref<16x1024xf32, #tpu.memory_space<vmem>>, vector<1x16xf32>,
        %get3A_1068 = vector.shape_cast %get3A_1067 : vector<1x16xf32> to vector<16xf32>
        %add3A_1069 = arith.addf %get3A_1064, %get3A_1068 : vector<16xf32>
        %swap3A_1070 = arith.index_cast %scan3A_179 : i32 to index
        %swap3A_1071 = arith.constant 1008 : index
        %swap3A_1072 = tpu.vector_load %arg11[%swap3A_1070, %swap3A_1071] {strides = array<i32>} : memref<16x1024xf32, #tpu.memory_space<vmem>>, vector<1x16xf32>,
        %swap3A_1073 = vector.shape_cast %swap3A_1072 : vector<1x16xf32> to vector<16xf32>
        %swap3A_1074 = vector.shape_cast %add3A_1069 : vector<16xf32> to vector<1x16xf32>
        tpu.vector_store %arg11[%swap3A_1070, %swap3A_1071], %swap3A_1074 {strides = array<i32>} : memref<16x1024xf32, #tpu.memory_space<vmem>>, vector<1x16xf32>,
      }
      %scan3A_120 = arith.constant 16 : i32
      %dma_start3A_121 = arith.constant 0 : i32
      %dma_start3A_122 = tpu.memref_slice %arg5[%select_n3A, %add3A_98, %dma_start3A_121] : memref<4x4096x1024xf32, #tpu.memory_space<hbm>> -> memref<1x16x1024xf32, #tpu.memory_space<hbm>>
      %dma_start3A_123 = tpu.memref_squeeze %dma_start3A_122 : memref<1x16x1024xf32, #tpu.memory_space<hbm>> -> memref<16x1024xf32, #tpu.memory_space<hbm>>
      %dma_start3A_124 = arith.constant 0 : i32
      %dma_start3A_125 = tpu.memref_slice %arg5[%select_n3A, %add3A_98, %dma_start3A_124] : memref<4x4096x1024xf32, #tpu.memory_space<hbm>> -> memref<1x16x1024xf32, #tpu.memory_space<hbm>>
      %dma_start3A_126 = tpu.memref_squeeze %dma_start3A_125 : memref<1x16x1024xf32, #tpu.memory_space<hbm>> -> memref<16x1024xf32, #tpu.memory_space<hbm>>
      tpu.enqueue_dma source(%arg11 : memref<16x1024xf32, #tpu.memory_space<vmem>>) target(%dma_start3A_126 : memref<16x1024xf32, #tpu.memory_space<hbm>>) target_semaphore(%arg17 : memref<!tpu.dma_semaphore, #tpu.memory_space<semaphore_mem>>)
      %add3A_127 = arith.constant 2 : i32
      %add3A_128 = arith.addi %add3A_95, %add3A_127 : i32
      %lt3A_129 = arith.constant 32 : i32
      %lt3A_130 = arith.cmpi slt, %add3A_128, %lt3A_129 : i32
      %convert_element_type3A_131 = arith.extui %lt3A_130 : i1 to i32
      %cond3A_132 = arith.constant 0 : i32
      %cond3A_133 = arith.cmpi ne, %convert_element_type3A_131, %cond3A_132 : i32
      scf.if %cond3A_133 {
        %add3A_179 = arith.constant 32 : i32
        %add3A_180 = arith.addi %add3A_98, %add3A_179 : i32
        %add3A_181 = arith.constant 1 : i32
        %add3A_182 = arith.addi %add3A_180, %add3A_181 : i32
        %add3A_183 = vector.broadcast %add3A_182 : i32 to vector<16xi32>
        %add3A_184 = arith.addi %iota3A, %add3A_183 : vector<16xi32>
        %sub3A_185 = arith.subi %add3A_184, %get3A_34 : vector<16xi32>
        %max3A_186 = arith.constant 0 : i32
        %max3A_187 = vector.broadcast %max3A_186 : i32 to vector<16xi32>
        %max3A_188 = arith.maxsi %sub3A_185, %max3A_187 : vector<16xi32>
        %dma_start3A_189 = arith.constant 0 : i32
        %dma_start3A_190 = arith.constant 0 : i32
        %dma_start3A_191 = tpu.memref_slice %arg4[%dma_start3A_189, %dma_start3A_190] : memref<5001x1024xf32, #tpu.memory_space<hbm>> -> memref<5001x1024xf32, #tpu.memory_space<hbm>>
        tpu.enqueue_indirect_dma source(%dma_start3A_191 : memref<5001x1024xf32, #tpu.memory_space<hbm>>) target(%arg9 : memref<16x1024xf32, #tpu.memory_space<vmem>>) offsets(%max3A_188 : vector<16xi32>) semaphore(%arg15 : memref<!tpu.dma_semaphore, #tpu.memory_space<semaphore_mem>>)
        %dma_start3A_192 = arith.constant 0 : i32
        %dma_start3A_193 = tpu.memref_slice %arg2[%select_n3A, %add3A_180, %dma_start3A_192] : memref<4x4096x1024xf32, #tpu.memory_space<hbm>> -> memref<1x16x1024xf32, #tpu.memory_space<hbm>>
        %dma_start3A_194 = tpu.memref_squeeze %dma_start3A_193 : memref<1x16x1024xf32, #tpu.memory_space<hbm>> -> memref<16x1024xf32, #tpu.memory_space<hbm>>
        %dma_start3A_195 = arith.constant 0 : i32
        %dma_start3A_196 = tpu.memref_slice %arg2[%select_n3A, %add3A_180, %dma_start3A_195] : memref<4x4096x1024xf32, #tpu.memory_space<hbm>> -> memref<1x16x1024xf32, #tpu.memory_space<hbm>>
        %dma_start3A_197 = tpu.memref_squeeze %dma_start3A_196 : memref<1x16x1024xf32, #tpu.memory_space<hbm>> -> memref<16x1024xf32, #tpu.memory_space<hbm>>
        tpu.enqueue_dma source(%dma_start3A_197 : memref<16x1024xf32, #tpu.memory_space<hbm>>) target(%arg7 : memref<16x1024xf32, #tpu.memory_space<vmem>>) target_semaphore(%arg13 : memref<!tpu.dma_semaphore, #tpu.memory_space<semaphore_mem>>)
      } else {
      }
      %mul3A_134 = arith.constant 2 : i32
      %mul3A_135 = arith.muli %scan3A_91, %mul3A_134 : i32
      %add3A_136 = arith.constant 1 : i32
      %add3A_137 = arith.addi %mul3A_135, %add3A_136 : i32
      %mul3A_138 = arith.constant 16 : i32
      %mul3A_139 = arith.muli %add3A_137, %mul3A_138 : i32
      %add3A_140 = arith.addi %mul3A_32, %mul3A_139 : i32
      %dma_wait3A_141 = arith.constant 0 : i32
      %dma_wait3A_142 = arith.constant 0 : i32
      %dma_wait3A_143 = tpu.memref_slice %arg2[%select_n3A, %dma_wait3A_141, %dma_wait3A_142] : memref<4x4096x1024xf32, #tpu.memory_space<hbm>> -> memref<1x16x1024xf32, #tpu.memory_space<hbm>>
      %dma_wait3A_144 = tpu.memref_squeeze %dma_wait3A_143 : memref<1x16x1024xf32, #tpu.memory_space<hbm>> -> memref<16x1024xf32, #tpu.memory_space<hbm>>
      %dma_wait3A_145 = arith.constant 0 : i32
      %dma_wait3A_146 = arith.constant 0 : i32
      %dma_wait3A_147 = tpu.memref_slice %arg2[%select_n3A, %dma_wait3A_145, %dma_wait3A_146] : memref<4x4096x1024xf32, #tpu.memory_space<hbm>> -> memref<1x16x1024xf32, #tpu.memory_space<hbm>>
      %dma_wait3A_148 = tpu.memref_squeeze %dma_wait3A_147 : memref<1x16x1024xf32, #tpu.memory_space<hbm>> -> memref<16x1024xf32, #tpu.memory_space<hbm>>
      tpu.wait_dma2 semaphore(%arg14 : memref<!tpu.dma_semaphore, #tpu.memory_space<semaphore_mem>>) src(%dma_wait3A_148 : memref<16x1024xf32, #tpu.memory_space<hbm>>) dst(%arg8 : memref<16x1024xf32, #tpu.memory_space<vmem>>)
      %dma_wait3A_149 = arith.constant 0 : i32
      %dma_wait3A_150 = arith.constant 0 : i32
      %dma_wait3A_151 = tpu.memref_slice %arg4[%dma_wait3A_149, %dma_wait3A_150] : memref<5001x1024xf32, #tpu.memory_space<hbm>> -> memref<16x1024xf32, #tpu.memory_space<hbm>>
      %dma_wait3A_152 = arith.constant 0 : i32
      %dma_wait3A_153 = arith.constant 0 : i32
      %dma_wait3A_154 = tpu.memref_slice %arg4[%dma_wait3A_152, %dma_wait3A_153] : memref<5001x1024xf32, #tpu.memory_space<hbm>> -> memref<16x1024xf32, #tpu.memory_space<hbm>>
      tpu.wait_dma2 semaphore(%arg16 : memref<!tpu.dma_semaphore, #tpu.memory_space<semaphore_mem>>) src(%dma_wait3A_154 : memref<16x1024xf32, #tpu.memory_space<hbm>>) dst(%arg10 : memref<16x1024xf32, #tpu.memory_space<vmem>>)
      %gt3A_155 = arith.constant 0 : i32
      %gt3A_156 = arith.cmpi sgt, %scan3A_91, %gt3A_155 : i32
      %convert_element_type3A_157 = arith.extui %gt3A_156 : i1 to i32
      %cond3A_158 = arith.constant 0 : i32
      %cond3A_159 = arith.cmpi ne, %convert_element_type3A_157, %cond3A_158 : i32
      scf.if %cond3A_159 {
        %dma_wait3A_179 = arith.constant 0 : i32
        %dma_wait3A_180 = tpu.memref_slice %arg5[%select_n3A, %add3A_140, %dma_wait3A_179] : memref<4x4096x1024xf32, #tpu.memory_space<hbm>> -> memref<1x16x1024xf32, #tpu.memory_space<hbm>>
        %dma_wait3A_181 = tpu.memref_squeeze %dma_wait3A_180 : memref<1x16x1024xf32, #tpu.memory_space<hbm>> -> memref<16x1024xf32, #tpu.memory_space<hbm>>
        %dma_wait3A_182 = arith.constant 0 : i32
        %dma_wait3A_183 = tpu.memref_slice %arg5[%select_n3A, %add3A_140, %dma_wait3A_182] : memref<4x4096x1024xf32, #tpu.memory_space<hbm>> -> memref<1x16x1024xf32, #tpu.memory_space<hbm>>
        %dma_wait3A_184 = tpu.memref_squeeze %dma_wait3A_183 : memref<1x16x1024xf32, #tpu.memory_space<hbm>> -> memref<16x1024xf32, #tpu.memory_space<hbm>>
        tpu.wait_dma2 semaphore(%arg18 : memref<!tpu.dma_semaphore, #tpu.memory_space<semaphore_mem>>) src(%arg12 : memref<16x1024xf32, #tpu.memory_space<vmem>>) dst(%dma_wait3A_184 : memref<16x1024xf32, #tpu.memory_space<hbm>>)
      } else {
      }
      %scan3A_160 = arith.constant 0 : i32
      %scan3A_161 = arith.constant 0 : i32
      %scan3A_162 = arith.constant 16 : i32
      %scan3A_163 = arith.addi %scan3A_161, %scan3A_162 : i32
      %scan3A_164 = arith.constant 1 : i32
      scf.for %scan3A_179 = %scan3A_161 to %scan3A_163 step %scan3A_164  : i32 {
        %get3A_180 = arith.index_cast %scan3A_179 : i32 to index
        %get3A_181 = arith.constant 0 : index
        %get3A_182 = tpu.vector_load %arg8[%get3A_180, %get3A_181] {strides = array<i32>} : memref<16x1024xf32, #tpu.memory_space<vmem>>, vector<1x16xf32>,
        %get3A_183 = vector.shape_cast %get3A_182 : vector<1x16xf32> to vector<16xf32>
        %get3A_184 = arith.index_cast %scan3A_179 : i32 to index
        %get3A_185 = arith.constant 0 : index
        %get3A_186 = tpu.vector_load %arg10[%get3A_184, %get3A_185] {strides = array<i32>} : memref<16x1024xf32, #tpu.memory_space<vmem>>, vector<1x16xf32>,
        %get3A_187 = vector.shape_cast %get3A_186 : vector<1x16xf32> to vector<16xf32>
        %add3A_188 = arith.addf %get3A_183, %get3A_187 : vector<16xf32>
        %swap3A = arith.index_cast %scan3A_179 : i32 to index
        %swap3A_189 = arith.constant 0 : index
        %swap3A_190 = tpu.vector_load %arg12[%swap3A, %swap3A_189] {strides = array<i32>} : memref<16x1024xf32, #tpu.memory_space<vmem>>, vector<1x16xf32>,
        %swap3A_191 = vector.shape_cast %swap3A_190 : vector<1x16xf32> to vector<16xf32>
        %swap3A_192 = vector.shape_cast %add3A_188 : vector<16xf32> to vector<1x16xf32>
        tpu.vector_store %arg12[%swap3A, %swap3A_189], %swap3A_192 {strides = array<i32>} : memref<16x1024xf32, #tpu.memory_space<vmem>>, vector<1x16xf32>,
        %get3A_193 = arith.index_cast %scan3A_179 : i32 to index
        %get3A_194 = arith.constant 16 : index
        %get3A_195 = tpu.vector_load %arg8[%get3A_193, %get3A_194] {strides = array<i32>} : memref<16x1024xf32, #tpu.memory_space<vmem>>, vector<1x16xf32>,
        %get3A_196 = vector.shape_cast %get3A_195 : vector<1x16xf32> to vector<16xf32>
        %get3A_197 = arith.index_cast %scan3A_179 : i32 to index
        %get3A_198 = arith.constant 16 : index
        %get3A_199 = tpu.vector_load %arg10[%get3A_197, %get3A_198] {strides = array<i32>} : memref<16x1024xf32, #tpu.memory_space<vmem>>, vector<1x16xf32>,
        %get3A_200 = vector.shape_cast %get3A_199 : vector<1x16xf32> to vector<16xf32>
        %add3A_201 = arith.addf %get3A_196, %get3A_200 : vector<16xf32>
        %swap3A_202 = arith.index_cast %scan3A_179 : i32 to index
        %swap3A_203 = arith.constant 16 : index
        %swap3A_204 = tpu.vector_load %arg12[%swap3A_202, %swap3A_203] {strides = array<i32>} : memref<16x1024xf32, #tpu.memory_space<vmem>>, vector<1x16xf32>,
        %swap3A_205 = vector.shape_cast %swap3A_204 : vector<1x16xf32> to vector<16xf32>
        %swap3A_206 = vector.shape_cast %add3A_201 : vector<16xf32> to vector<1x16xf32>
        tpu.vector_store %arg12[%swap3A_202, %swap3A_203], %swap3A_206 {strides = array<i32>} : memref<16x1024xf32, #tpu.memory_space<vmem>>, vector<1x16xf32>,
        %get3A_207 = arith.index_cast %scan3A_179 : i32 to index
        %get3A_208 = arith.constant 32 : index
        %get3A_209 = tpu.vector_load %arg8[%get3A_207, %get3A_208] {strides = array<i32>} : memref<16x1024xf32, #tpu.memory_space<vmem>>, vector<1x16xf32>,
        %get3A_210 = vector.shape_cast %get3A_209 : vector<1x16xf32> to vector<16xf32>
        %get3A_211 = arith.index_cast %scan3A_179 : i32 to index
        %get3A_212 = arith.constant 32 : index
        %get3A_213 = tpu.vector_load %arg10[%get3A_211, %get3A_212] {strides = array<i32>} : memref<16x1024xf32, #tpu.memory_space<vmem>>, vector<1x16xf32>,
        %get3A_214 = vector.shape_cast %get3A_213 : vector<1x16xf32> to vector<16xf32>
        %add3A_215 = arith.addf %get3A_210, %get3A_214 : vector<16xf32>
        %swap3A_216 = arith.index_cast %scan3A_179 : i32 to index
        %swap3A_217 = arith.constant 32 : index
        %swap3A_218 = tpu.vector_load %arg12[%swap3A_216, %swap3A_217] {strides = array<i32>} : memref<16x1024xf32, #tpu.memory_space<vmem>>, vector<1x16xf32>,
        %swap3A_219 = vector.shape_cast %swap3A_218 : vector<1x16xf32> to vector<16xf32>
        %swap3A_220 = vector.shape_cast %add3A_215 : vector<16xf32> to vector<1x16xf32>
        tpu.vector_store %arg12[%swap3A_216, %swap3A_217], %swap3A_220 {strides = array<i32>} : memref<16x1024xf32, #tpu.memory_space<vmem>>, vector<1x16xf32>,
        %get3A_221 = arith.index_cast %scan3A_179 : i32 to index
        %get3A_222 = arith.constant 48 : index
        %get3A_223 = tpu.vector_load %arg8[%get3A_221, %get3A_222] {strides = array<i32>} : memref<16x1024xf32, #tpu.memory_space<vmem>>, vector<1x16xf32>,
        %get3A_224 = vector.shape_cast %get3A_223 : vector<1x16xf32> to vector<16xf32>
        %get3A_225 = arith.index_cast %scan3A_179 : i32 to index
        %get3A_226 = arith.constant 48 : index
        %get3A_227 = tpu.vector_load %arg10[%get3A_225, %get3A_226] {strides = array<i32>} : memref<16x1024xf32, #tpu.memory_space<vmem>>, vector<1x16xf32>,
        %get3A_228 = vector.shape_cast %get3A_227 : vector<1x16xf32> to vector<16xf32>
        %add3A_229 = arith.addf %get3A_224, %get3A_228 : vector<16xf32>
        %swap3A_230 = arith.index_cast %scan3A_179 : i32 to index
        %swap3A_231 = arith.constant 48 : index
        %swap3A_232 = tpu.vector_load %arg12[%swap3A_230, %swap3A_231] {strides = array<i32>} : memref<16x1024xf32, #tpu.memory_space<vmem>>, vector<1x16xf32>,
        %swap3A_233 = vector.shape_cast %swap3A_232 : vector<1x16xf32> to vector<16xf32>
        %swap3A_234 = vector.shape_cast %add3A_229 : vector<16xf32> to vector<1x16xf32>
        tpu.vector_store %arg12[%swap3A_230, %swap3A_231], %swap3A_234 {strides = array<i32>} : memref<16x1024xf32, #tpu.memory_space<vmem>>, vector<1x16xf32>,
        %get3A_235 = arith.index_cast %scan3A_179 : i32 to index
        %get3A_236 = arith.constant 64 : index
        %get3A_237 = tpu.vector_load %arg8[%get3A_235, %get3A_236] {strides = array<i32>} : memref<16x1024xf32, #tpu.memory_space<vmem>>, vector<1x16xf32>,
        %get3A_238 = vector.shape_cast %get3A_237 : vector<1x16xf32> to vector<16xf32>
        %get3A_239 = arith.index_cast %scan3A_179 : i32 to index
        %get3A_240 = arith.constant 64 : index
        %get3A_241 = tpu.vector_load %arg10[%get3A_239, %get3A_240] {strides = array<i32>} : memref<16x1024xf32, #tpu.memory_space<vmem>>, vector<1x16xf32>,
        %get3A_242 = vector.shape_cast %get3A_241 : vector<1x16xf32> to vector<16xf32>
        %add3A_243 = arith.addf %get3A_238, %get3A_242 : vector<16xf32>
        %swap3A_244 = arith.index_cast %scan3A_179 : i32 to index
        %swap3A_245 = arith.constant 64 : index
        %swap3A_246 = tpu.vector_load %arg12[%swap3A_244, %swap3A_245] {strides = array<i32>} : memref<16x1024xf32, #tpu.memory_space<vmem>>, vector<1x16xf32>,
        %swap3A_247 = vector.shape_cast %swap3A_246 : vector<1x16xf32> to vector<16xf32>
        %swap3A_248 = vector.shape_cast %add3A_243 : vector<16xf32> to vector<1x16xf32>
        tpu.vector_store %arg12[%swap3A_244, %swap3A_245], %swap3A_248 {strides = array<i32>} : memref<16x1024xf32, #tpu.memory_space<vmem>>, vector<1x16xf32>,
        %get3A_249 = arith.index_cast %scan3A_179 : i32 to index
        %get3A_250 = arith.constant 80 : index
        %get3A_251 = tpu.vector_load %arg8[%get3A_249, %get3A_250] {strides = array<i32>} : memref<16x1024xf32, #tpu.memory_space<vmem>>, vector<1x16xf32>,
        %get3A_252 = vector.shape_cast %get3A_251 : vector<1x16xf32> to vector<16xf32>
        %get3A_253 = arith.index_cast %scan3A_179 : i32 to index
        %get3A_254 = arith.constant 80 : index
        %get3A_255 = tpu.vector_load %arg10[%get3A_253, %get3A_254] {strides = array<i32>} : memref<16x1024xf32, #tpu.memory_space<vmem>>, vector<1x16xf32>,
        %get3A_256 = vector.shape_cast %get3A_255 : vector<1x16xf32> to vector<16xf32>
        %add3A_257 = arith.addf %get3A_252, %get3A_256 : vector<16xf32>
        %swap3A_258 = arith.index_cast %scan3A_179 : i32 to index
        %swap3A_259 = arith.constant 80 : index
        %swap3A_260 = tpu.vector_load %arg12[%swap3A_258, %swap3A_259] {strides = array<i32>} : memref<16x1024xf32, #tpu.memory_space<vmem>>, vector<1x16xf32>,
        %swap3A_261 = vector.shape_cast %swap3A_260 : vector<1x16xf32> to vector<16xf32>
        %swap3A_262 = vector.shape_cast %add3A_257 : vector<16xf32> to vector<1x16xf32>
        tpu.vector_store %arg12[%swap3A_258, %swap3A_259], %swap3A_262 {strides = array<i32>} : memref<16x1024xf32, #tpu.memory_space<vmem>>, vector<1x16xf32>,
        %get3A_263 = arith.index_cast %scan3A_179 : i32 to index
        %get3A_264 = arith.constant 96 : index
        %get3A_265 = tpu.vector_load %arg8[%get3A_263, %get3A_264] {strides = array<i32>} : memref<16x1024xf32, #tpu.memory_space<vmem>>, vector<1x16xf32>,
        %get3A_266 = vector.shape_cast %get3A_265 : vector<1x16xf32> to vector<16xf32>
        %get3A_267 = arith.index_cast %scan3A_179 : i32 to index
        %get3A_268 = arith.constant 96 : index
        %get3A_269 = tpu.vector_load %arg10[%get3A_267, %get3A_268] {strides = array<i32>} : memref<16x1024xf32, #tpu.memory_space<vmem>>, vector<1x16xf32>,
        %get3A_270 = vector.shape_cast %get3A_269 : vector<1x16xf32> to vector<16xf32>
        %add3A_271 = arith.addf %get3A_266, %get3A_270 : vector<16xf32>
        %swap3A_272 = arith.index_cast %scan3A_179 : i32 to index
        %swap3A_273 = arith.constant 96 : index
        %swap3A_274 = tpu.vector_load %arg12[%swap3A_272, %swap3A_273] {strides = array<i32>} : memref<16x1024xf32, #tpu.memory_space<vmem>>, vector<1x16xf32>,
        %swap3A_275 = vector.shape_cast %swap3A_274 : vector<1x16xf32> to vector<16xf32>
        %swap3A_276 = vector.shape_cast %add3A_271 : vector<16xf32> to vector<1x16xf32>
        tpu.vector_store %arg12[%swap3A_272, %swap3A_273], %swap3A_276 {strides = array<i32>} : memref<16x1024xf32, #tpu.memory_space<vmem>>, vector<1x16xf32>,
        %get3A_277 = arith.index_cast %scan3A_179 : i32 to index
        %get3A_278 = arith.constant 112 : index
        %get3A_279 = tpu.vector_load %arg8[%get3A_277, %get3A_278] {strides = array<i32>} : memref<16x1024xf32, #tpu.memory_space<vmem>>, vector<1x16xf32>,
        %get3A_280 = vector.shape_cast %get3A_279 : vector<1x16xf32> to vector<16xf32>
        %get3A_281 = arith.index_cast %scan3A_179 : i32 to index
        %get3A_282 = arith.constant 112 : index
        %get3A_283 = tpu.vector_load %arg10[%get3A_281, %get3A_282] {strides = array<i32>} : memref<16x1024xf32, #tpu.memory_space<vmem>>, vector<1x16xf32>,
        %get3A_284 = vector.shape_cast %get3A_283 : vector<1x16xf32> to vector<16xf32>
        %add3A_285 = arith.addf %get3A_280, %get3A_284 : vector<16xf32>
        %swap3A_286 = arith.index_cast %scan3A_179 : i32 to index
        %swap3A_287 = arith.constant 112 : index
        %swap3A_288 = tpu.vector_load %arg12[%swap3A_286, %swap3A_287] {strides = array<i32>} : memref<16x1024xf32, #tpu.memory_space<vmem>>, vector<1x16xf32>,
        %swap3A_289 = vector.shape_cast %swap3A_288 : vector<1x16xf32> to vector<16xf32>
        %swap3A_290 = vector.shape_cast %add3A_285 : vector<16xf32> to vector<1x16xf32>
        tpu.vector_store %arg12[%swap3A_286, %swap3A_287], %swap3A_290 {strides = array<i32>} : memref<16x1024xf32, #tpu.memory_space<vmem>>, vector<1x16xf32>,
        %get3A_291 = arith.index_cast %scan3A_179 : i32 to index
        %get3A_292 = arith.constant 128 : index
        %get3A_293 = tpu.vector_load %arg8[%get3A_291, %get3A_292] {strides = array<i32>} : memref<16x1024xf32, #tpu.memory_space<vmem>>, vector<1x16xf32>,
        %get3A_294 = vector.shape_cast %get3A_293 : vector<1x16xf32> to vector<16xf32>
        %get3A_295 = arith.index_cast %scan3A_179 : i32 to index
        %get3A_296 = arith.constant 128 : index
        %get3A_297 = tpu.vector_load %arg10[%get3A_295, %get3A_296] {strides = array<i32>} : memref<16x1024xf32, #tpu.memory_space<vmem>>, vector<1x16xf32>,
        %get3A_298 = vector.shape_cast %get3A_297 : vector<1x16xf32> to vector<16xf32>
        %add3A_299 = arith.addf %get3A_294, %get3A_298 : vector<16xf32>
        %swap3A_300 = arith.index_cast %scan3A_179 : i32 to index
        %swap3A_301 = arith.constant 128 : index
        %swap3A_302 = tpu.vector_load %arg12[%swap3A_300, %swap3A_301] {strides = array<i32>} : memref<16x1024xf32, #tpu.memory_space<vmem>>, vector<1x16xf32>,
        %swap3A_303 = vector.shape_cast %swap3A_302 : vector<1x16xf32> to vector<16xf32>
        %swap3A_304 = vector.shape_cast %add3A_299 : vector<16xf32> to vector<1x16xf32>
        tpu.vector_store %arg12[%swap3A_300, %swap3A_301], %swap3A_304 {strides = array<i32>} : memref<16x1024xf32, #tpu.memory_space<vmem>>, vector<1x16xf32>,
        %get3A_305 = arith.index_cast %scan3A_179 : i32 to index
        %get3A_306 = arith.constant 144 : index
        %get3A_307 = tpu.vector_load %arg8[%get3A_305, %get3A_306] {strides = array<i32>} : memref<16x1024xf32, #tpu.memory_space<vmem>>, vector<1x16xf32>,
        %get3A_308 = vector.shape_cast %get3A_307 : vector<1x16xf32> to vector<16xf32>
        %get3A_309 = arith.index_cast %scan3A_179 : i32 to index
        %get3A_310 = arith.constant 144 : index
        %get3A_311 = tpu.vector_load %arg10[%get3A_309, %get3A_310] {strides = array<i32>} : memref<16x1024xf32, #tpu.memory_space<vmem>>, vector<1x16xf32>,
        %get3A_312 = vector.shape_cast %get3A_311 : vector<1x16xf32> to vector<16xf32>
        %add3A_313 = arith.addf %get3A_308, %get3A_312 : vector<16xf32>
        %swap3A_314 = arith.index_cast %scan3A_179 : i32 to index
        %swap3A_315 = arith.constant 144 : index
        %swap3A_316 = tpu.vector_load %arg12[%swap3A_314, %swap3A_315] {strides = array<i32>} : memref<16x1024xf32, #tpu.memory_space<vmem>>, vector<1x16xf32>,
        %swap3A_317 = vector.shape_cast %swap3A_316 : vector<1x16xf32> to vector<16xf32>
        %swap3A_318 = vector.shape_cast %add3A_313 : vector<16xf32> to vector<1x16xf32>
        tpu.vector_store %arg12[%swap3A_314, %swap3A_315], %swap3A_318 {strides = array<i32>} : memref<16x1024xf32, #tpu.memory_space<vmem>>, vector<1x16xf32>,
        %get3A_319 = arith.index_cast %scan3A_179 : i32 to index
        %get3A_320 = arith.constant 160 : index
        %get3A_321 = tpu.vector_load %arg8[%get3A_319, %get3A_320] {strides = array<i32>} : memref<16x1024xf32, #tpu.memory_space<vmem>>, vector<1x16xf32>,
        %get3A_322 = vector.shape_cast %get3A_321 : vector<1x16xf32> to vector<16xf32>
        %get3A_323 = arith.index_cast %scan3A_179 : i32 to index
        %get3A_324 = arith.constant 160 : index
        %get3A_325 = tpu.vector_load %arg10[%get3A_323, %get3A_324] {strides = array<i32>} : memref<16x1024xf32, #tpu.memory_space<vmem>>, vector<1x16xf32>,
        %get3A_326 = vector.shape_cast %get3A_325 : vector<1x16xf32> to vector<16xf32>
        %add3A_327 = arith.addf %get3A_322, %get3A_326 : vector<16xf32>
        %swap3A_328 = arith.index_cast %scan3A_179 : i32 to index
        %swap3A_329 = arith.constant 160 : index
        %swap3A_330 = tpu.vector_load %arg12[%swap3A_328, %swap3A_329] {strides = array<i32>} : memref<16x1024xf32, #tpu.memory_space<vmem>>, vector<1x16xf32>,
        %swap3A_331 = vector.shape_cast %swap3A_330 : vector<1x16xf32> to vector<16xf32>
        %swap3A_332 = vector.shape_cast %add3A_327 : vector<16xf32> to vector<1x16xf32>
        tpu.vector_store %arg12[%swap3A_328, %swap3A_329], %swap3A_332 {strides = array<i32>} : memref<16x1024xf32, #tpu.memory_space<vmem>>, vector<1x16xf32>,
        %get3A_333 = arith.index_cast %scan3A_179 : i32 to index
        %get3A_334 = arith.constant 176 : index
        %get3A_335 = tpu.vector_load %arg8[%get3A_333, %get3A_334] {strides = array<i32>} : memref<16x1024xf32, #tpu.memory_space<vmem>>, vector<1x16xf32>,
        %get3A_336 = vector.shape_cast %get3A_335 : vector<1x16xf32> to vector<16xf32>
        %get3A_337 = arith.index_cast %scan3A_179 : i32 to index
        %get3A_338 = arith.constant 176 : index
        %get3A_339 = tpu.vector_load %arg10[%get3A_337, %get3A_338] {strides = array<i32>} : memref<16x1024xf32, #tpu.memory_space<vmem>>, vector<1x16xf32>,
        %get3A_340 = vector.shape_cast %get3A_339 : vector<1x16xf32> to vector<16xf32>
        %add3A_341 = arith.addf %get3A_336, %get3A_340 : vector<16xf32>
        %swap3A_342 = arith.index_cast %scan3A_179 : i32 to index
        %swap3A_343 = arith.constant 176 : index
        %swap3A_344 = tpu.vector_load %arg12[%swap3A_342, %swap3A_343] {strides = array<i32>} : memref<16x1024xf32, #tpu.memory_space<vmem>>, vector<1x16xf32>,
        %swap3A_345 = vector.shape_cast %swap3A_344 : vector<1x16xf32> to vector<16xf32>
        %swap3A_346 = vector.shape_cast %add3A_341 : vector<16xf32> to vector<1x16xf32>
        tpu.vector_store %arg12[%swap3A_342, %swap3A_343], %swap3A_346 {strides = array<i32>} : memref<16x1024xf32, #tpu.memory_space<vmem>>, vector<1x16xf32>,
        %get3A_347 = arith.index_cast %scan3A_179 : i32 to index
        %get3A_348 = arith.constant 192 : index
        %get3A_349 = tpu.vector_load %arg8[%get3A_347, %get3A_348] {strides = array<i32>} : memref<16x1024xf32, #tpu.memory_space<vmem>>, vector<1x16xf32>,
        %get3A_350 = vector.shape_cast %get3A_349 : vector<1x16xf32> to vector<16xf32>
        %get3A_351 = arith.index_cast %scan3A_179 : i32 to index
        %get3A_352 = arith.constant 192 : index
        %get3A_353 = tpu.vector_load %arg10[%get3A_351, %get3A_352] {strides = array<i32>} : memref<16x1024xf32, #tpu.memory_space<vmem>>, vector<1x16xf32>,
        %get3A_354 = vector.shape_cast %get3A_353 : vector<1x16xf32> to vector<16xf32>
        %add3A_355 = arith.addf %get3A_350, %get3A_354 : vector<16xf32>
        %swap3A_356 = arith.index_cast %scan3A_179 : i32 to index
        %swap3A_357 = arith.constant 192 : index
        %swap3A_358 = tpu.vector_load %arg12[%swap3A_356, %swap3A_357] {strides = array<i32>} : memref<16x1024xf32, #tpu.memory_space<vmem>>, vector<1x16xf32>,
        %swap3A_359 = vector.shape_cast %swap3A_358 : vector<1x16xf32> to vector<16xf32>
        %swap3A_360 = vector.shape_cast %add3A_355 : vector<16xf32> to vector<1x16xf32>
        tpu.vector_store %arg12[%swap3A_356, %swap3A_357], %swap3A_360 {strides = array<i32>} : memref<16x1024xf32, #tpu.memory_space<vmem>>, vector<1x16xf32>,
        %get3A_361 = arith.index_cast %scan3A_179 : i32 to index
        %get3A_362 = arith.constant 208 : index
        %get3A_363 = tpu.vector_load %arg8[%get3A_361, %get3A_362] {strides = array<i32>} : memref<16x1024xf32, #tpu.memory_space<vmem>>, vector<1x16xf32>,
        %get3A_364 = vector.shape_cast %get3A_363 : vector<1x16xf32> to vector<16xf32>
        %get3A_365 = arith.index_cast %scan3A_179 : i32 to index
        %get3A_366 = arith.constant 208 : index
        %get3A_367 = tpu.vector_load %arg10[%get3A_365, %get3A_366] {strides = array<i32>} : memref<16x1024xf32, #tpu.memory_space<vmem>>, vector<1x16xf32>,
        %get3A_368 = vector.shape_cast %get3A_367 : vector<1x16xf32> to vector<16xf32>
        %add3A_369 = arith.addf %get3A_364, %get3A_368 : vector<16xf32>
        %swap3A_370 = arith.index_cast %scan3A_179 : i32 to index
        %swap3A_371 = arith.constant 208 : index
        %swap3A_372 = tpu.vector_load %arg12[%swap3A_370, %swap3A_371] {strides = array<i32>} : memref<16x1024xf32, #tpu.memory_space<vmem>>, vector<1x16xf32>,
        %swap3A_373 = vector.shape_cast %swap3A_372 : vector<1x16xf32> to vector<16xf32>
        %swap3A_374 = vector.shape_cast %add3A_369 : vector<16xf32> to vector<1x16xf32>
        tpu.vector_store %arg12[%swap3A_370, %swap3A_371], %swap3A_374 {strides = array<i32>} : memref<16x1024xf32, #tpu.memory_space<vmem>>, vector<1x16xf32>,
        %get3A_375 = arith.index_cast %scan3A_179 : i32 to index
        %get3A_376 = arith.constant 224 : index
        %get3A_377 = tpu.vector_load %arg8[%get3A_375, %get3A_376] {strides = array<i32>} : memref<16x1024xf32, #tpu.memory_space<vmem>>, vector<1x16xf32>,
        %get3A_378 = vector.shape_cast %get3A_377 : vector<1x16xf32> to vector<16xf32>
        %get3A_379 = arith.index_cast %scan3A_179 : i32 to index
        %get3A_380 = arith.constant 224 : index
        %get3A_381 = tpu.vector_load %arg10[%get3A_379, %get3A_380] {strides = array<i32>} : memref<16x1024xf32, #tpu.memory_space<vmem>>, vector<1x16xf32>,
        %get3A_382 = vector.shape_cast %get3A_381 : vector<1x16xf32> to vector<16xf32>
        %add3A_383 = arith.addf %get3A_378, %get3A_382 : vector<16xf32>
        %swap3A_384 = arith.index_cast %scan3A_179 : i32 to index
        %swap3A_385 = arith.constant 224 : index
        %swap3A_386 = tpu.vector_load %arg12[%swap3A_384, %swap3A_385] {strides = array<i32>} : memref<16x1024xf32, #tpu.memory_space<vmem>>, vector<1x16xf32>,
        %swap3A_387 = vector.shape_cast %swap3A_386 : vector<1x16xf32> to vector<16xf32>
        %swap3A_388 = vector.shape_cast %add3A_383 : vector<16xf32> to vector<1x16xf32>
        tpu.vector_store %arg12[%swap3A_384, %swap3A_385], %swap3A_388 {strides = array<i32>} : memref<16x1024xf32, #tpu.memory_space<vmem>>, vector<1x16xf32>,
        %get3A_389 = arith.index_cast %scan3A_179 : i32 to index
        %get3A_390 = arith.constant 240 : index
        %get3A_391 = tpu.vector_load %arg8[%get3A_389, %get3A_390] {strides = array<i32>} : memref<16x1024xf32, #tpu.memory_space<vmem>>, vector<1x16xf32>,
        %get3A_392 = vector.shape_cast %get3A_391 : vector<1x16xf32> to vector<16xf32>
        %get3A_393 = arith.index_cast %scan3A_179 : i32 to index
        %get3A_394 = arith.constant 240 : index
        %get3A_395 = tpu.vector_load %arg10[%get3A_393, %get3A_394] {strides = array<i32>} : memref<16x1024xf32, #tpu.memory_space<vmem>>, vector<1x16xf32>,
        %get3A_396 = vector.shape_cast %get3A_395 : vector<1x16xf32> to vector<16xf32>
        %add3A_397 = arith.addf %get3A_392, %get3A_396 : vector<16xf32>
        %swap3A_398 = arith.index_cast %scan3A_179 : i32 to index
        %swap3A_399 = arith.constant 240 : index
        %swap3A_400 = tpu.vector_load %arg12[%swap3A_398, %swap3A_399] {strides = array<i32>} : memref<16x1024xf32, #tpu.memory_space<vmem>>, vector<1x16xf32>,
        %swap3A_401 = vector.shape_cast %swap3A_400 : vector<1x16xf32> to vector<16xf32>
        %swap3A_402 = vector.shape_cast %add3A_397 : vector<16xf32> to vector<1x16xf32>
        tpu.vector_store %arg12[%swap3A_398, %swap3A_399], %swap3A_402 {strides = array<i32>} : memref<16x1024xf32, #tpu.memory_space<vmem>>, vector<1x16xf32>,
        %get3A_403 = arith.index_cast %scan3A_179 : i32 to index
        %get3A_404 = arith.constant 256 : index
        %get3A_405 = tpu.vector_load %arg8[%get3A_403, %get3A_404] {strides = array<i32>} : memref<16x1024xf32, #tpu.memory_space<vmem>>, vector<1x16xf32>,
        %get3A_406 = vector.shape_cast %get3A_405 : vector<1x16xf32> to vector<16xf32>
        %get3A_407 = arith.index_cast %scan3A_179 : i32 to index
        %get3A_408 = arith.constant 256 : index
        %get3A_409 = tpu.vector_load %arg10[%get3A_407, %get3A_408] {strides = array<i32>} : memref<16x1024xf32, #tpu.memory_space<vmem>>, vector<1x16xf32>,
        %get3A_410 = vector.shape_cast %get3A_409 : vector<1x16xf32> to vector<16xf32>
        %add3A_411 = arith.addf %get3A_406, %get3A_410 : vector<16xf32>
        %swap3A_412 = arith.index_cast %scan3A_179 : i32 to index
        %swap3A_413 = arith.constant 256 : index
        %swap3A_414 = tpu.vector_load %arg12[%swap3A_412, %swap3A_413] {strides = array<i32>} : memref<16x1024xf32, #tpu.memory_space<vmem>>, vector<1x16xf32>,
        %swap3A_415 = vector.shape_cast %swap3A_414 : vector<1x16xf32> to vector<16xf32>
        %swap3A_416 = vector.shape_cast %add3A_411 : vector<16xf32> to vector<1x16xf32>
        tpu.vector_store %arg12[%swap3A_412, %swap3A_413], %swap3A_416 {strides = array<i32>} : memref<16x1024xf32, #tpu.memory_space<vmem>>, vector<1x16xf32>,
        %get3A_417 = arith.index_cast %scan3A_179 : i32 to index
        %get3A_418 = arith.constant 272 : index
        %get3A_419 = tpu.vector_load %arg8[%get3A_417, %get3A_418] {strides = array<i32>} : memref<16x1024xf32, #tpu.memory_space<vmem>>, vector<1x16xf32>,
        %get3A_420 = vector.shape_cast %get3A_419 : vector<1x16xf32> to vector<16xf32>
        %get3A_421 = arith.index_cast %scan3A_179 : i32 to index
        %get3A_422 = arith.constant 272 : index
        %get3A_423 = tpu.vector_load %arg10[%get3A_421, %get3A_422] {strides = array<i32>} : memref<16x1024xf32, #tpu.memory_space<vmem>>, vector<1x16xf32>,
        %get3A_424 = vector.shape_cast %get3A_423 : vector<1x16xf32> to vector<16xf32>
        %add3A_425 = arith.addf %get3A_420, %get3A_424 : vector<16xf32>
        %swap3A_426 = arith.index_cast %scan3A_179 : i32 to index
        %swap3A_427 = arith.constant 272 : index
        %swap3A_428 = tpu.vector_load %arg12[%swap3A_426, %swap3A_427] {strides = array<i32>} : memref<16x1024xf32, #tpu.memory_space<vmem>>, vector<1x16xf32>,
        %swap3A_429 = vector.shape_cast %swap3A_428 : vector<1x16xf32> to vector<16xf32>
        %swap3A_430 = vector.shape_cast %add3A_425 : vector<16xf32> to vector<1x16xf32>
        tpu.vector_store %arg12[%swap3A_426, %swap3A_427], %swap3A_430 {strides = array<i32>} : memref<16x1024xf32, #tpu.memory_space<vmem>>, vector<1x16xf32>,
        %get3A_431 = arith.index_cast %scan3A_179 : i32 to index
        %get3A_432 = arith.constant 288 : index
        %get3A_433 = tpu.vector_load %arg8[%get3A_431, %get3A_432] {strides = array<i32>} : memref<16x1024xf32, #tpu.memory_space<vmem>>, vector<1x16xf32>,
        %get3A_434 = vector.shape_cast %get3A_433 : vector<1x16xf32> to vector<16xf32>
        %get3A_435 = arith.index_cast %scan3A_179 : i32 to index
        %get3A_436 = arith.constant 288 : index
        %get3A_437 = tpu.vector_load %arg10[%get3A_435, %get3A_436] {strides = array<i32>} : memref<16x1024xf32, #tpu.memory_space<vmem>>, vector<1x16xf32>,
        %get3A_438 = vector.shape_cast %get3A_437 : vector<1x16xf32> to vector<16xf32>
        %add3A_439 = arith.addf %get3A_434, %get3A_438 : vector<16xf32>
        %swap3A_440 = arith.index_cast %scan3A_179 : i32 to index
        %swap3A_441 = arith.constant 288 : index
        %swap3A_442 = tpu.vector_load %arg12[%swap3A_440, %swap3A_441] {strides = array<i32>} : memref<16x1024xf32, #tpu.memory_space<vmem>>, vector<1x16xf32>,
        %swap3A_443 = vector.shape_cast %swap3A_442 : vector<1x16xf32> to vector<16xf32>
        %swap3A_444 = vector.shape_cast %add3A_439 : vector<16xf32> to vector<1x16xf32>
        tpu.vector_store %arg12[%swap3A_440, %swap3A_441], %swap3A_444 {strides = array<i32>} : memref<16x1024xf32, #tpu.memory_space<vmem>>, vector<1x16xf32>,
        %get3A_445 = arith.index_cast %scan3A_179 : i32 to index
        %get3A_446 = arith.constant 304 : index
        %get3A_447 = tpu.vector_load %arg8[%get3A_445, %get3A_446] {strides = array<i32>} : memref<16x1024xf32, #tpu.memory_space<vmem>>, vector<1x16xf32>,
        %get3A_448 = vector.shape_cast %get3A_447 : vector<1x16xf32> to vector<16xf32>
        %get3A_449 = arith.index_cast %scan3A_179 : i32 to index
        %get3A_450 = arith.constant 304 : index
        %get3A_451 = tpu.vector_load %arg10[%get3A_449, %get3A_450] {strides = array<i32>} : memref<16x1024xf32, #tpu.memory_space<vmem>>, vector<1x16xf32>,
        %get3A_452 = vector.shape_cast %get3A_451 : vector<1x16xf32> to vector<16xf32>
        %add3A_453 = arith.addf %get3A_448, %get3A_452 : vector<16xf32>
        %swap3A_454 = arith.index_cast %scan3A_179 : i32 to index
        %swap3A_455 = arith.constant 304 : index
        %swap3A_456 = tpu.vector_load %arg12[%swap3A_454, %swap3A_455] {strides = array<i32>} : memref<16x1024xf32, #tpu.memory_space<vmem>>, vector<1x16xf32>,
        %swap3A_457 = vector.shape_cast %swap3A_456 : vector<1x16xf32> to vector<16xf32>
        %swap3A_458 = vector.shape_cast %add3A_453 : vector<16xf32> to vector<1x16xf32>
        tpu.vector_store %arg12[%swap3A_454, %swap3A_455], %swap3A_458 {strides = array<i32>} : memref<16x1024xf32, #tpu.memory_space<vmem>>, vector<1x16xf32>,
        %get3A_459 = arith.index_cast %scan3A_179 : i32 to index
        %get3A_460 = arith.constant 320 : index
        %get3A_461 = tpu.vector_load %arg8[%get3A_459, %get3A_460] {strides = array<i32>} : memref<16x1024xf32, #tpu.memory_space<vmem>>, vector<1x16xf32>,
        %get3A_462 = vector.shape_cast %get3A_461 : vector<1x16xf32> to vector<16xf32>
        %get3A_463 = arith.index_cast %scan3A_179 : i32 to index
        %get3A_464 = arith.constant 320 : index
        %get3A_465 = tpu.vector_load %arg10[%get3A_463, %get3A_464] {strides = array<i32>} : memref<16x1024xf32, #tpu.memory_space<vmem>>, vector<1x16xf32>,
        %get3A_466 = vector.shape_cast %get3A_465 : vector<1x16xf32> to vector<16xf32>
        %add3A_467 = arith.addf %get3A_462, %get3A_466 : vector<16xf32>
        %swap3A_468 = arith.index_cast %scan3A_179 : i32 to index
        %swap3A_469 = arith.constant 320 : index
        %swap3A_470 = tpu.vector_load %arg12[%swap3A_468, %swap3A_469] {strides = array<i32>} : memref<16x1024xf32, #tpu.memory_space<vmem>>, vector<1x16xf32>,
        %swap3A_471 = vector.shape_cast %swap3A_470 : vector<1x16xf32> to vector<16xf32>
        %swap3A_472 = vector.shape_cast %add3A_467 : vector<16xf32> to vector<1x16xf32>
        tpu.vector_store %arg12[%swap3A_468, %swap3A_469], %swap3A_472 {strides = array<i32>} : memref<16x1024xf32, #tpu.memory_space<vmem>>, vector<1x16xf32>,
        %get3A_473 = arith.index_cast %scan3A_179 : i32 to index
        %get3A_474 = arith.constant 336 : index
        %get3A_475 = tpu.vector_load %arg8[%get3A_473, %get3A_474] {strides = array<i32>} : memref<16x1024xf32, #tpu.memory_space<vmem>>, vector<1x16xf32>,
        %get3A_476 = vector.shape_cast %get3A_475 : vector<1x16xf32> to vector<16xf32>
        %get3A_477 = arith.index_cast %scan3A_179 : i32 to index
        %get3A_478 = arith.constant 336 : index
        %get3A_479 = tpu.vector_load %arg10[%get3A_477, %get3A_478] {strides = array<i32>} : memref<16x1024xf32, #tpu.memory_space<vmem>>, vector<1x16xf32>,
        %get3A_480 = vector.shape_cast %get3A_479 : vector<1x16xf32> to vector<16xf32>
        %add3A_481 = arith.addf %get3A_476, %get3A_480 : vector<16xf32>
        %swap3A_482 = arith.index_cast %scan3A_179 : i32 to index
        %swap3A_483 = arith.constant 336 : index
        %swap3A_484 = tpu.vector_load %arg12[%swap3A_482, %swap3A_483] {strides = array<i32>} : memref<16x1024xf32, #tpu.memory_space<vmem>>, vector<1x16xf32>,
        %swap3A_485 = vector.shape_cast %swap3A_484 : vector<1x16xf32> to vector<16xf32>
        %swap3A_486 = vector.shape_cast %add3A_481 : vector<16xf32> to vector<1x16xf32>
        tpu.vector_store %arg12[%swap3A_482, %swap3A_483], %swap3A_486 {strides = array<i32>} : memref<16x1024xf32, #tpu.memory_space<vmem>>, vector<1x16xf32>,
        %get3A_487 = arith.index_cast %scan3A_179 : i32 to index
        %get3A_488 = arith.constant 352 : index
        %get3A_489 = tpu.vector_load %arg8[%get3A_487, %get3A_488] {strides = array<i32>} : memref<16x1024xf32, #tpu.memory_space<vmem>>, vector<1x16xf32>,
        %get3A_490 = vector.shape_cast %get3A_489 : vector<1x16xf32> to vector<16xf32>
        %get3A_491 = arith.index_cast %scan3A_179 : i32 to index
        %get3A_492 = arith.constant 352 : index
        %get3A_493 = tpu.vector_load %arg10[%get3A_491, %get3A_492] {strides = array<i32>} : memref<16x1024xf32, #tpu.memory_space<vmem>>, vector<1x16xf32>,
        %get3A_494 = vector.shape_cast %get3A_493 : vector<1x16xf32> to vector<16xf32>
        %add3A_495 = arith.addf %get3A_490, %get3A_494 : vector<16xf32>
        %swap3A_496 = arith.index_cast %scan3A_179 : i32 to index
        %swap3A_497 = arith.constant 352 : index
        %swap3A_498 = tpu.vector_load %arg12[%swap3A_496, %swap3A_497] {strides = array<i32>} : memref<16x1024xf32, #tpu.memory_space<vmem>>, vector<1x16xf32>,
        %swap3A_499 = vector.shape_cast %swap3A_498 : vector<1x16xf32> to vector<16xf32>
        %swap3A_500 = vector.shape_cast %add3A_495 : vector<16xf32> to vector<1x16xf32>
        tpu.vector_store %arg12[%swap3A_496, %swap3A_497], %swap3A_500 {strides = array<i32>} : memref<16x1024xf32, #tpu.memory_space<vmem>>, vector<1x16xf32>,
        %get3A_501 = arith.index_cast %scan3A_179 : i32 to index
        %get3A_502 = arith.constant 368 : index
        %get3A_503 = tpu.vector_load %arg8[%get3A_501, %get3A_502] {strides = array<i32>} : memref<16x1024xf32, #tpu.memory_space<vmem>>, vector<1x16xf32>,
        %get3A_504 = vector.shape_cast %get3A_503 : vector<1x16xf32> to vector<16xf32>
        %get3A_505 = arith.index_cast %scan3A_179 : i32 to index
        %get3A_506 = arith.constant 368 : index
        %get3A_507 = tpu.vector_load %arg10[%get3A_505, %get3A_506] {strides = array<i32>} : memref<16x1024xf32, #tpu.memory_space<vmem>>, vector<1x16xf32>,
        %get3A_508 = vector.shape_cast %get3A_507 : vector<1x16xf32> to vector<16xf32>
        %add3A_509 = arith.addf %get3A_504, %get3A_508 : vector<16xf32>
        %swap3A_510 = arith.index_cast %scan3A_179 : i32 to index
        %swap3A_511 = arith.constant 368 : index
        %swap3A_512 = tpu.vector_load %arg12[%swap3A_510, %swap3A_511] {strides = array<i32>} : memref<16x1024xf32, #tpu.memory_space<vmem>>, vector<1x16xf32>,
        %swap3A_513 = vector.shape_cast %swap3A_512 : vector<1x16xf32> to vector<16xf32>
        %swap3A_514 = vector.shape_cast %add3A_509 : vector<16xf32> to vector<1x16xf32>
        tpu.vector_store %arg12[%swap3A_510, %swap3A_511], %swap3A_514 {strides = array<i32>} : memref<16x1024xf32, #tpu.memory_space<vmem>>, vector<1x16xf32>,
        %get3A_515 = arith.index_cast %scan3A_179 : i32 to index
        %get3A_516 = arith.constant 384 : index
        %get3A_517 = tpu.vector_load %arg8[%get3A_515, %get3A_516] {strides = array<i32>} : memref<16x1024xf32, #tpu.memory_space<vmem>>, vector<1x16xf32>,
        %get3A_518 = vector.shape_cast %get3A_517 : vector<1x16xf32> to vector<16xf32>
        %get3A_519 = arith.index_cast %scan3A_179 : i32 to index
        %get3A_520 = arith.constant 384 : index
        %get3A_521 = tpu.vector_load %arg10[%get3A_519, %get3A_520] {strides = array<i32>} : memref<16x1024xf32, #tpu.memory_space<vmem>>, vector<1x16xf32>,
        %get3A_522 = vector.shape_cast %get3A_521 : vector<1x16xf32> to vector<16xf32>
        %add3A_523 = arith.addf %get3A_518, %get3A_522 : vector<16xf32>
        %swap3A_524 = arith.index_cast %scan3A_179 : i32 to index
        %swap3A_525 = arith.constant 384 : index
        %swap3A_526 = tpu.vector_load %arg12[%swap3A_524, %swap3A_525] {strides = array<i32>} : memref<16x1024xf32, #tpu.memory_space<vmem>>, vector<1x16xf32>,
        %swap3A_527 = vector.shape_cast %swap3A_526 : vector<1x16xf32> to vector<16xf32>
        %swap3A_528 = vector.shape_cast %add3A_523 : vector<16xf32> to vector<1x16xf32>
        tpu.vector_store %arg12[%swap3A_524, %swap3A_525], %swap3A_528 {strides = array<i32>} : memref<16x1024xf32, #tpu.memory_space<vmem>>, vector<1x16xf32>,
        %get3A_529 = arith.index_cast %scan3A_179 : i32 to index
        %get3A_530 = arith.constant 400 : index
        %get3A_531 = tpu.vector_load %arg8[%get3A_529, %get3A_530] {strides = array<i32>} : memref<16x1024xf32, #tpu.memory_space<vmem>>, vector<1x16xf32>,
        %get3A_532 = vector.shape_cast %get3A_531 : vector<1x16xf32> to vector<16xf32>
        %get3A_533 = arith.index_cast %scan3A_179 : i32 to index
        %get3A_534 = arith.constant 400 : index
        %get3A_535 = tpu.vector_load %arg10[%get3A_533, %get3A_534] {strides = array<i32>} : memref<16x1024xf32, #tpu.memory_space<vmem>>, vector<1x16xf32>,
        %get3A_536 = vector.shape_cast %get3A_535 : vector<1x16xf32> to vector<16xf32>
        %add3A_537 = arith.addf %get3A_532, %get3A_536 : vector<16xf32>
        %swap3A_538 = arith.index_cast %scan3A_179 : i32 to index
        %swap3A_539 = arith.constant 400 : index
        %swap3A_540 = tpu.vector_load %arg12[%swap3A_538, %swap3A_539] {strides = array<i32>} : memref<16x1024xf32, #tpu.memory_space<vmem>>, vector<1x16xf32>,
        %swap3A_541 = vector.shape_cast %swap3A_540 : vector<1x16xf32> to vector<16xf32>
        %swap3A_542 = vector.shape_cast %add3A_537 : vector<16xf32> to vector<1x16xf32>
        tpu.vector_store %arg12[%swap3A_538, %swap3A_539], %swap3A_542 {strides = array<i32>} : memref<16x1024xf32, #tpu.memory_space<vmem>>, vector<1x16xf32>,
        %get3A_543 = arith.index_cast %scan3A_179 : i32 to index
        %get3A_544 = arith.constant 416 : index
        %get3A_545 = tpu.vector_load %arg8[%get3A_543, %get3A_544] {strides = array<i32>} : memref<16x1024xf32, #tpu.memory_space<vmem>>, vector<1x16xf32>,
        %get3A_546 = vector.shape_cast %get3A_545 : vector<1x16xf32> to vector<16xf32>
        %get3A_547 = arith.index_cast %scan3A_179 : i32 to index
        %get3A_548 = arith.constant 416 : index
        %get3A_549 = tpu.vector_load %arg10[%get3A_547, %get3A_548] {strides = array<i32>} : memref<16x1024xf32, #tpu.memory_space<vmem>>, vector<1x16xf32>,
        %get3A_550 = vector.shape_cast %get3A_549 : vector<1x16xf32> to vector<16xf32>
        %add3A_551 = arith.addf %get3A_546, %get3A_550 : vector<16xf32>
        %swap3A_552 = arith.index_cast %scan3A_179 : i32 to index
        %swap3A_553 = arith.constant 416 : index
        %swap3A_554 = tpu.vector_load %arg12[%swap3A_552, %swap3A_553] {strides = array<i32>} : memref<16x1024xf32, #tpu.memory_space<vmem>>, vector<1x16xf32>,
        %swap3A_555 = vector.shape_cast %swap3A_554 : vector<1x16xf32> to vector<16xf32>
        %swap3A_556 = vector.shape_cast %add3A_551 : vector<16xf32> to vector<1x16xf32>
        tpu.vector_store %arg12[%swap3A_552, %swap3A_553], %swap3A_556 {strides = array<i32>} : memref<16x1024xf32, #tpu.memory_space<vmem>>, vector<1x16xf32>,
        %get3A_557 = arith.index_cast %scan3A_179 : i32 to index
        %get3A_558 = arith.constant 432 : index
        %get3A_559 = tpu.vector_load %arg8[%get3A_557, %get3A_558] {strides = array<i32>} : memref<16x1024xf32, #tpu.memory_space<vmem>>, vector<1x16xf32>,
        %get3A_560 = vector.shape_cast %get3A_559 : vector<1x16xf32> to vector<16xf32>
        %get3A_561 = arith.index_cast %scan3A_179 : i32 to index
        %get3A_562 = arith.constant 432 : index
        %get3A_563 = tpu.vector_load %arg10[%get3A_561, %get3A_562] {strides = array<i32>} : memref<16x1024xf32, #tpu.memory_space<vmem>>, vector<1x16xf32>,
        %get3A_564 = vector.shape_cast %get3A_563 : vector<1x16xf32> to vector<16xf32>
        %add3A_565 = arith.addf %get3A_560, %get3A_564 : vector<16xf32>
        %swap3A_566 = arith.index_cast %scan3A_179 : i32 to index
        %swap3A_567 = arith.constant 432 : index
        %swap3A_568 = tpu.vector_load %arg12[%swap3A_566, %swap3A_567] {strides = array<i32>} : memref<16x1024xf32, #tpu.memory_space<vmem>>, vector<1x16xf32>,
        %swap3A_569 = vector.shape_cast %swap3A_568 : vector<1x16xf32> to vector<16xf32>
        %swap3A_570 = vector.shape_cast %add3A_565 : vector<16xf32> to vector<1x16xf32>
        tpu.vector_store %arg12[%swap3A_566, %swap3A_567], %swap3A_570 {strides = array<i32>} : memref<16x1024xf32, #tpu.memory_space<vmem>>, vector<1x16xf32>,
        %get3A_571 = arith.index_cast %scan3A_179 : i32 to index
        %get3A_572 = arith.constant 448 : index
        %get3A_573 = tpu.vector_load %arg8[%get3A_571, %get3A_572] {strides = array<i32>} : memref<16x1024xf32, #tpu.memory_space<vmem>>, vector<1x16xf32>,
        %get3A_574 = vector.shape_cast %get3A_573 : vector<1x16xf32> to vector<16xf32>
        %get3A_575 = arith.index_cast %scan3A_179 : i32 to index
        %get3A_576 = arith.constant 448 : index
        %get3A_577 = tpu.vector_load %arg10[%get3A_575, %get3A_576] {strides = array<i32>} : memref<16x1024xf32, #tpu.memory_space<vmem>>, vector<1x16xf32>,
        %get3A_578 = vector.shape_cast %get3A_577 : vector<1x16xf32> to vector<16xf32>
        %add3A_579 = arith.addf %get3A_574, %get3A_578 : vector<16xf32>
        %swap3A_580 = arith.index_cast %scan3A_179 : i32 to index
        %swap3A_581 = arith.constant 448 : index
        %swap3A_582 = tpu.vector_load %arg12[%swap3A_580, %swap3A_581] {strides = array<i32>} : memref<16x1024xf32, #tpu.memory_space<vmem>>, vector<1x16xf32>,
        %swap3A_583 = vector.shape_cast %swap3A_582 : vector<1x16xf32> to vector<16xf32>
        %swap3A_584 = vector.shape_cast %add3A_579 : vector<16xf32> to vector<1x16xf32>
        tpu.vector_store %arg12[%swap3A_580, %swap3A_581], %swap3A_584 {strides = array<i32>} : memref<16x1024xf32, #tpu.memory_space<vmem>>, vector<1x16xf32>,
        %get3A_585 = arith.index_cast %scan3A_179 : i32 to index
        %get3A_586 = arith.constant 464 : index
        %get3A_587 = tpu.vector_load %arg8[%get3A_585, %get3A_586] {strides = array<i32>} : memref<16x1024xf32, #tpu.memory_space<vmem>>, vector<1x16xf32>,
        %get3A_588 = vector.shape_cast %get3A_587 : vector<1x16xf32> to vector<16xf32>
        %get3A_589 = arith.index_cast %scan3A_179 : i32 to index
        %get3A_590 = arith.constant 464 : index
        %get3A_591 = tpu.vector_load %arg10[%get3A_589, %get3A_590] {strides = array<i32>} : memref<16x1024xf32, #tpu.memory_space<vmem>>, vector<1x16xf32>,
        %get3A_592 = vector.shape_cast %get3A_591 : vector<1x16xf32> to vector<16xf32>
        %add3A_593 = arith.addf %get3A_588, %get3A_592 : vector<16xf32>
        %swap3A_594 = arith.index_cast %scan3A_179 : i32 to index
        %swap3A_595 = arith.constant 464 : index
        %swap3A_596 = tpu.vector_load %arg12[%swap3A_594, %swap3A_595] {strides = array<i32>} : memref<16x1024xf32, #tpu.memory_space<vmem>>, vector<1x16xf32>,
        %swap3A_597 = vector.shape_cast %swap3A_596 : vector<1x16xf32> to vector<16xf32>
        %swap3A_598 = vector.shape_cast %add3A_593 : vector<16xf32> to vector<1x16xf32>
        tpu.vector_store %arg12[%swap3A_594, %swap3A_595], %swap3A_598 {strides = array<i32>} : memref<16x1024xf32, #tpu.memory_space<vmem>>, vector<1x16xf32>,
        %get3A_599 = arith.index_cast %scan3A_179 : i32 to index
        %get3A_600 = arith.constant 480 : index
        %get3A_601 = tpu.vector_load %arg8[%get3A_599, %get3A_600] {strides = array<i32>} : memref<16x1024xf32, #tpu.memory_space<vmem>>, vector<1x16xf32>,
        %get3A_602 = vector.shape_cast %get3A_601 : vector<1x16xf32> to vector<16xf32>
        %get3A_603 = arith.index_cast %scan3A_179 : i32 to index
        %get3A_604 = arith.constant 480 : index
        %get3A_605 = tpu.vector_load %arg10[%get3A_603, %get3A_604] {strides = array<i32>} : memref<16x1024xf32, #tpu.memory_space<vmem>>, vector<1x16xf32>,
        %get3A_606 = vector.shape_cast %get3A_605 : vector<1x16xf32> to vector<16xf32>
        %add3A_607 = arith.addf %get3A_602, %get3A_606 : vector<16xf32>
        %swap3A_608 = arith.index_cast %scan3A_179 : i32 to index
        %swap3A_609 = arith.constant 480 : index
        %swap3A_610 = tpu.vector_load %arg12[%swap3A_608, %swap3A_609] {strides = array<i32>} : memref<16x1024xf32, #tpu.memory_space<vmem>>, vector<1x16xf32>,
        %swap3A_611 = vector.shape_cast %swap3A_610 : vector<1x16xf32> to vector<16xf32>
        %swap3A_612 = vector.shape_cast %add3A_607 : vector<16xf32> to vector<1x16xf32>
        tpu.vector_store %arg12[%swap3A_608, %swap3A_609], %swap3A_612 {strides = array<i32>} : memref<16x1024xf32, #tpu.memory_space<vmem>>, vector<1x16xf32>,
        %get3A_613 = arith.index_cast %scan3A_179 : i32 to index
        %get3A_614 = arith.constant 496 : index
        %get3A_615 = tpu.vector_load %arg8[%get3A_613, %get3A_614] {strides = array<i32>} : memref<16x1024xf32, #tpu.memory_space<vmem>>, vector<1x16xf32>,
        %get3A_616 = vector.shape_cast %get3A_615 : vector<1x16xf32> to vector<16xf32>
        %get3A_617 = arith.index_cast %scan3A_179 : i32 to index
        %get3A_618 = arith.constant 496 : index
        %get3A_619 = tpu.vector_load %arg10[%get3A_617, %get3A_618] {strides = array<i32>} : memref<16x1024xf32, #tpu.memory_space<vmem>>, vector<1x16xf32>,
        %get3A_620 = vector.shape_cast %get3A_619 : vector<1x16xf32> to vector<16xf32>
        %add3A_621 = arith.addf %get3A_616, %get3A_620 : vector<16xf32>
        %swap3A_622 = arith.index_cast %scan3A_179 : i32 to index
        %swap3A_623 = arith.constant 496 : index
        %swap3A_624 = tpu.vector_load %arg12[%swap3A_622, %swap3A_623] {strides = array<i32>} : memref<16x1024xf32, #tpu.memory_space<vmem>>, vector<1x16xf32>,
        %swap3A_625 = vector.shape_cast %swap3A_624 : vector<1x16xf32> to vector<16xf32>
        %swap3A_626 = vector.shape_cast %add3A_621 : vector<16xf32> to vector<1x16xf32>
        tpu.vector_store %arg12[%swap3A_622, %swap3A_623], %swap3A_626 {strides = array<i32>} : memref<16x1024xf32, #tpu.memory_space<vmem>>, vector<1x16xf32>,
        %get3A_627 = arith.index_cast %scan3A_179 : i32 to index
        %get3A_628 = arith.constant 512 : index
        %get3A_629 = tpu.vector_load %arg8[%get3A_627, %get3A_628] {strides = array<i32>} : memref<16x1024xf32, #tpu.memory_space<vmem>>, vector<1x16xf32>,
        %get3A_630 = vector.shape_cast %get3A_629 : vector<1x16xf32> to vector<16xf32>
        %get3A_631 = arith.index_cast %scan3A_179 : i32 to index
        %get3A_632 = arith.constant 512 : index
        %get3A_633 = tpu.vector_load %arg10[%get3A_631, %get3A_632] {strides = array<i32>} : memref<16x1024xf32, #tpu.memory_space<vmem>>, vector<1x16xf32>,
        %get3A_634 = vector.shape_cast %get3A_633 : vector<1x16xf32> to vector<16xf32>
        %add3A_635 = arith.addf %get3A_630, %get3A_634 : vector<16xf32>
        %swap3A_636 = arith.index_cast %scan3A_179 : i32 to index
        %swap3A_637 = arith.constant 512 : index
        %swap3A_638 = tpu.vector_load %arg12[%swap3A_636, %swap3A_637] {strides = array<i32>} : memref<16x1024xf32, #tpu.memory_space<vmem>>, vector<1x16xf32>,
        %swap3A_639 = vector.shape_cast %swap3A_638 : vector<1x16xf32> to vector<16xf32>
        %swap3A_640 = vector.shape_cast %add3A_635 : vector<16xf32> to vector<1x16xf32>
        tpu.vector_store %arg12[%swap3A_636, %swap3A_637], %swap3A_640 {strides = array<i32>} : memref<16x1024xf32, #tpu.memory_space<vmem>>, vector<1x16xf32>,
        %get3A_641 = arith.index_cast %scan3A_179 : i32 to index
        %get3A_642 = arith.constant 528 : index
        %get3A_643 = tpu.vector_load %arg8[%get3A_641, %get3A_642] {strides = array<i32>} : memref<16x1024xf32, #tpu.memory_space<vmem>>, vector<1x16xf32>,
        %get3A_644 = vector.shape_cast %get3A_643 : vector<1x16xf32> to vector<16xf32>
        %get3A_645 = arith.index_cast %scan3A_179 : i32 to index
        %get3A_646 = arith.constant 528 : index
        %get3A_647 = tpu.vector_load %arg10[%get3A_645, %get3A_646] {strides = array<i32>} : memref<16x1024xf32, #tpu.memory_space<vmem>>, vector<1x16xf32>,
        %get3A_648 = vector.shape_cast %get3A_647 : vector<1x16xf32> to vector<16xf32>
        %add3A_649 = arith.addf %get3A_644, %get3A_648 : vector<16xf32>
        %swap3A_650 = arith.index_cast %scan3A_179 : i32 to index
        %swap3A_651 = arith.constant 528 : index
        %swap3A_652 = tpu.vector_load %arg12[%swap3A_650, %swap3A_651] {strides = array<i32>} : memref<16x1024xf32, #tpu.memory_space<vmem>>, vector<1x16xf32>,
        %swap3A_653 = vector.shape_cast %swap3A_652 : vector<1x16xf32> to vector<16xf32>
        %swap3A_654 = vector.shape_cast %add3A_649 : vector<16xf32> to vector<1x16xf32>
        tpu.vector_store %arg12[%swap3A_650, %swap3A_651], %swap3A_654 {strides = array<i32>} : memref<16x1024xf32, #tpu.memory_space<vmem>>, vector<1x16xf32>,
        %get3A_655 = arith.index_cast %scan3A_179 : i32 to index
        %get3A_656 = arith.constant 544 : index
        %get3A_657 = tpu.vector_load %arg8[%get3A_655, %get3A_656] {strides = array<i32>} : memref<16x1024xf32, #tpu.memory_space<vmem>>, vector<1x16xf32>,
        %get3A_658 = vector.shape_cast %get3A_657 : vector<1x16xf32> to vector<16xf32>
        %get3A_659 = arith.index_cast %scan3A_179 : i32 to index
        %get3A_660 = arith.constant 544 : index
        %get3A_661 = tpu.vector_load %arg10[%get3A_659, %get3A_660] {strides = array<i32>} : memref<16x1024xf32, #tpu.memory_space<vmem>>, vector<1x16xf32>,
        %get3A_662 = vector.shape_cast %get3A_661 : vector<1x16xf32> to vector<16xf32>
        %add3A_663 = arith.addf %get3A_658, %get3A_662 : vector<16xf32>
        %swap3A_664 = arith.index_cast %scan3A_179 : i32 to index
        %swap3A_665 = arith.constant 544 : index
        %swap3A_666 = tpu.vector_load %arg12[%swap3A_664, %swap3A_665] {strides = array<i32>} : memref<16x1024xf32, #tpu.memory_space<vmem>>, vector<1x16xf32>,
        %swap3A_667 = vector.shape_cast %swap3A_666 : vector<1x16xf32> to vector<16xf32>
        %swap3A_668 = vector.shape_cast %add3A_663 : vector<16xf32> to vector<1x16xf32>
        tpu.vector_store %arg12[%swap3A_664, %swap3A_665], %swap3A_668 {strides = array<i32>} : memref<16x1024xf32, #tpu.memory_space<vmem>>, vector<1x16xf32>,
        %get3A_669 = arith.index_cast %scan3A_179 : i32 to index
        %get3A_670 = arith.constant 560 : index
        %get3A_671 = tpu.vector_load %arg8[%get3A_669, %get3A_670] {strides = array<i32>} : memref<16x1024xf32, #tpu.memory_space<vmem>>, vector<1x16xf32>,
        %get3A_672 = vector.shape_cast %get3A_671 : vector<1x16xf32> to vector<16xf32>
        %get3A_673 = arith.index_cast %scan3A_179 : i32 to index
        %get3A_674 = arith.constant 560 : index
        %get3A_675 = tpu.vector_load %arg10[%get3A_673, %get3A_674] {strides = array<i32>} : memref<16x1024xf32, #tpu.memory_space<vmem>>, vector<1x16xf32>,
        %get3A_676 = vector.shape_cast %get3A_675 : vector<1x16xf32> to vector<16xf32>
        %add3A_677 = arith.addf %get3A_672, %get3A_676 : vector<16xf32>
        %swap3A_678 = arith.index_cast %scan3A_179 : i32 to index
        %swap3A_679 = arith.constant 560 : index
        %swap3A_680 = tpu.vector_load %arg12[%swap3A_678, %swap3A_679] {strides = array<i32>} : memref<16x1024xf32, #tpu.memory_space<vmem>>, vector<1x16xf32>,
        %swap3A_681 = vector.shape_cast %swap3A_680 : vector<1x16xf32> to vector<16xf32>
        %swap3A_682 = vector.shape_cast %add3A_677 : vector<16xf32> to vector<1x16xf32>
        tpu.vector_store %arg12[%swap3A_678, %swap3A_679], %swap3A_682 {strides = array<i32>} : memref<16x1024xf32, #tpu.memory_space<vmem>>, vector<1x16xf32>,
        %get3A_683 = arith.index_cast %scan3A_179 : i32 to index
        %get3A_684 = arith.constant 576 : index
        %get3A_685 = tpu.vector_load %arg8[%get3A_683, %get3A_684] {strides = array<i32>} : memref<16x1024xf32, #tpu.memory_space<vmem>>, vector<1x16xf32>,
        %get3A_686 = vector.shape_cast %get3A_685 : vector<1x16xf32> to vector<16xf32>
        %get3A_687 = arith.index_cast %scan3A_179 : i32 to index
        %get3A_688 = arith.constant 576 : index
        %get3A_689 = tpu.vector_load %arg10[%get3A_687, %get3A_688] {strides = array<i32>} : memref<16x1024xf32, #tpu.memory_space<vmem>>, vector<1x16xf32>,
        %get3A_690 = vector.shape_cast %get3A_689 : vector<1x16xf32> to vector<16xf32>
        %add3A_691 = arith.addf %get3A_686, %get3A_690 : vector<16xf32>
        %swap3A_692 = arith.index_cast %scan3A_179 : i32 to index
        %swap3A_693 = arith.constant 576 : index
        %swap3A_694 = tpu.vector_load %arg12[%swap3A_692, %swap3A_693] {strides = array<i32>} : memref<16x1024xf32, #tpu.memory_space<vmem>>, vector<1x16xf32>,
        %swap3A_695 = vector.shape_cast %swap3A_694 : vector<1x16xf32> to vector<16xf32>
        %swap3A_696 = vector.shape_cast %add3A_691 : vector<16xf32> to vector<1x16xf32>
        tpu.vector_store %arg12[%swap3A_692, %swap3A_693], %swap3A_696 {strides = array<i32>} : memref<16x1024xf32, #tpu.memory_space<vmem>>, vector<1x16xf32>,
        %get3A_697 = arith.index_cast %scan3A_179 : i32 to index
        %get3A_698 = arith.constant 592 : index
        %get3A_699 = tpu.vector_load %arg8[%get3A_697, %get3A_698] {strides = array<i32>} : memref<16x1024xf32, #tpu.memory_space<vmem>>, vector<1x16xf32>,
        %get3A_700 = vector.shape_cast %get3A_699 : vector<1x16xf32> to vector<16xf32>
        %get3A_701 = arith.index_cast %scan3A_179 : i32 to index
        %get3A_702 = arith.constant 592 : index
        %get3A_703 = tpu.vector_load %arg10[%get3A_701, %get3A_702] {strides = array<i32>} : memref<16x1024xf32, #tpu.memory_space<vmem>>, vector<1x16xf32>,
        %get3A_704 = vector.shape_cast %get3A_703 : vector<1x16xf32> to vector<16xf32>
        %add3A_705 = arith.addf %get3A_700, %get3A_704 : vector<16xf32>
        %swap3A_706 = arith.index_cast %scan3A_179 : i32 to index
        %swap3A_707 = arith.constant 592 : index
        %swap3A_708 = tpu.vector_load %arg12[%swap3A_706, %swap3A_707] {strides = array<i32>} : memref<16x1024xf32, #tpu.memory_space<vmem>>, vector<1x16xf32>,
        %swap3A_709 = vector.shape_cast %swap3A_708 : vector<1x16xf32> to vector<16xf32>
        %swap3A_710 = vector.shape_cast %add3A_705 : vector<16xf32> to vector<1x16xf32>
        tpu.vector_store %arg12[%swap3A_706, %swap3A_707], %swap3A_710 {strides = array<i32>} : memref<16x1024xf32, #tpu.memory_space<vmem>>, vector<1x16xf32>,
        %get3A_711 = arith.index_cast %scan3A_179 : i32 to index
        %get3A_712 = arith.constant 608 : index
        %get3A_713 = tpu.vector_load %arg8[%get3A_711, %get3A_712] {strides = array<i32>} : memref<16x1024xf32, #tpu.memory_space<vmem>>, vector<1x16xf32>,
        %get3A_714 = vector.shape_cast %get3A_713 : vector<1x16xf32> to vector<16xf32>
        %get3A_715 = arith.index_cast %scan3A_179 : i32 to index
        %get3A_716 = arith.constant 608 : index
        %get3A_717 = tpu.vector_load %arg10[%get3A_715, %get3A_716] {strides = array<i32>} : memref<16x1024xf32, #tpu.memory_space<vmem>>, vector<1x16xf32>,
        %get3A_718 = vector.shape_cast %get3A_717 : vector<1x16xf32> to vector<16xf32>
        %add3A_719 = arith.addf %get3A_714, %get3A_718 : vector<16xf32>
        %swap3A_720 = arith.index_cast %scan3A_179 : i32 to index
        %swap3A_721 = arith.constant 608 : index
        %swap3A_722 = tpu.vector_load %arg12[%swap3A_720, %swap3A_721] {strides = array<i32>} : memref<16x1024xf32, #tpu.memory_space<vmem>>, vector<1x16xf32>,
        %swap3A_723 = vector.shape_cast %swap3A_722 : vector<1x16xf32> to vector<16xf32>
        %swap3A_724 = vector.shape_cast %add3A_719 : vector<16xf32> to vector<1x16xf32>
        tpu.vector_store %arg12[%swap3A_720, %swap3A_721], %swap3A_724 {strides = array<i32>} : memref<16x1024xf32, #tpu.memory_space<vmem>>, vector<1x16xf32>,
        %get3A_725 = arith.index_cast %scan3A_179 : i32 to index
        %get3A_726 = arith.constant 624 : index
        %get3A_727 = tpu.vector_load %arg8[%get3A_725, %get3A_726] {strides = array<i32>} : memref<16x1024xf32, #tpu.memory_space<vmem>>, vector<1x16xf32>,
        %get3A_728 = vector.shape_cast %get3A_727 : vector<1x16xf32> to vector<16xf32>
        %get3A_729 = arith.index_cast %scan3A_179 : i32 to index
        %get3A_730 = arith.constant 624 : index
        %get3A_731 = tpu.vector_load %arg10[%get3A_729, %get3A_730] {strides = array<i32>} : memref<16x1024xf32, #tpu.memory_space<vmem>>, vector<1x16xf32>,
        %get3A_732 = vector.shape_cast %get3A_731 : vector<1x16xf32> to vector<16xf32>
        %add3A_733 = arith.addf %get3A_728, %get3A_732 : vector<16xf32>
        %swap3A_734 = arith.index_cast %scan3A_179 : i32 to index
        %swap3A_735 = arith.constant 624 : index
        %swap3A_736 = tpu.vector_load %arg12[%swap3A_734, %swap3A_735] {strides = array<i32>} : memref<16x1024xf32, #tpu.memory_space<vmem>>, vector<1x16xf32>,
        %swap3A_737 = vector.shape_cast %swap3A_736 : vector<1x16xf32> to vector<16xf32>
        %swap3A_738 = vector.shape_cast %add3A_733 : vector<16xf32> to vector<1x16xf32>
        tpu.vector_store %arg12[%swap3A_734, %swap3A_735], %swap3A_738 {strides = array<i32>} : memref<16x1024xf32, #tpu.memory_space<vmem>>, vector<1x16xf32>,
        %get3A_739 = arith.index_cast %scan3A_179 : i32 to index
        %get3A_740 = arith.constant 640 : index
        %get3A_741 = tpu.vector_load %arg8[%get3A_739, %get3A_740] {strides = array<i32>} : memref<16x1024xf32, #tpu.memory_space<vmem>>, vector<1x16xf32>,
        %get3A_742 = vector.shape_cast %get3A_741 : vector<1x16xf32> to vector<16xf32>
        %get3A_743 = arith.index_cast %scan3A_179 : i32 to index
        %get3A_744 = arith.constant 640 : index
        %get3A_745 = tpu.vector_load %arg10[%get3A_743, %get3A_744] {strides = array<i32>} : memref<16x1024xf32, #tpu.memory_space<vmem>>, vector<1x16xf32>,
        %get3A_746 = vector.shape_cast %get3A_745 : vector<1x16xf32> to vector<16xf32>
        %add3A_747 = arith.addf %get3A_742, %get3A_746 : vector<16xf32>
        %swap3A_748 = arith.index_cast %scan3A_179 : i32 to index
        %swap3A_749 = arith.constant 640 : index
        %swap3A_750 = tpu.vector_load %arg12[%swap3A_748, %swap3A_749] {strides = array<i32>} : memref<16x1024xf32, #tpu.memory_space<vmem>>, vector<1x16xf32>,
        %swap3A_751 = vector.shape_cast %swap3A_750 : vector<1x16xf32> to vector<16xf32>
        %swap3A_752 = vector.shape_cast %add3A_747 : vector<16xf32> to vector<1x16xf32>
        tpu.vector_store %arg12[%swap3A_748, %swap3A_749], %swap3A_752 {strides = array<i32>} : memref<16x1024xf32, #tpu.memory_space<vmem>>, vector<1x16xf32>,
        %get3A_753 = arith.index_cast %scan3A_179 : i32 to index
        %get3A_754 = arith.constant 656 : index
        %get3A_755 = tpu.vector_load %arg8[%get3A_753, %get3A_754] {strides = array<i32>} : memref<16x1024xf32, #tpu.memory_space<vmem>>, vector<1x16xf32>,
        %get3A_756 = vector.shape_cast %get3A_755 : vector<1x16xf32> to vector<16xf32>
        %get3A_757 = arith.index_cast %scan3A_179 : i32 to index
        %get3A_758 = arith.constant 656 : index
        %get3A_759 = tpu.vector_load %arg10[%get3A_757, %get3A_758] {strides = array<i32>} : memref<16x1024xf32, #tpu.memory_space<vmem>>, vector<1x16xf32>,
        %get3A_760 = vector.shape_cast %get3A_759 : vector<1x16xf32> to vector<16xf32>
        %add3A_761 = arith.addf %get3A_756, %get3A_760 : vector<16xf32>
        %swap3A_762 = arith.index_cast %scan3A_179 : i32 to index
        %swap3A_763 = arith.constant 656 : index
        %swap3A_764 = tpu.vector_load %arg12[%swap3A_762, %swap3A_763] {strides = array<i32>} : memref<16x1024xf32, #tpu.memory_space<vmem>>, vector<1x16xf32>,
        %swap3A_765 = vector.shape_cast %swap3A_764 : vector<1x16xf32> to vector<16xf32>
        %swap3A_766 = vector.shape_cast %add3A_761 : vector<16xf32> to vector<1x16xf32>
        tpu.vector_store %arg12[%swap3A_762, %swap3A_763], %swap3A_766 {strides = array<i32>} : memref<16x1024xf32, #tpu.memory_space<vmem>>, vector<1x16xf32>,
        %get3A_767 = arith.index_cast %scan3A_179 : i32 to index
        %get3A_768 = arith.constant 672 : index
        %get3A_769 = tpu.vector_load %arg8[%get3A_767, %get3A_768] {strides = array<i32>} : memref<16x1024xf32, #tpu.memory_space<vmem>>, vector<1x16xf32>,
        %get3A_770 = vector.shape_cast %get3A_769 : vector<1x16xf32> to vector<16xf32>
        %get3A_771 = arith.index_cast %scan3A_179 : i32 to index
        %get3A_772 = arith.constant 672 : index
        %get3A_773 = tpu.vector_load %arg10[%get3A_771, %get3A_772] {strides = array<i32>} : memref<16x1024xf32, #tpu.memory_space<vmem>>, vector<1x16xf32>,
        %get3A_774 = vector.shape_cast %get3A_773 : vector<1x16xf32> to vector<16xf32>
        %add3A_775 = arith.addf %get3A_770, %get3A_774 : vector<16xf32>
        %swap3A_776 = arith.index_cast %scan3A_179 : i32 to index
        %swap3A_777 = arith.constant 672 : index
        %swap3A_778 = tpu.vector_load %arg12[%swap3A_776, %swap3A_777] {strides = array<i32>} : memref<16x1024xf32, #tpu.memory_space<vmem>>, vector<1x16xf32>,
        %swap3A_779 = vector.shape_cast %swap3A_778 : vector<1x16xf32> to vector<16xf32>
        %swap3A_780 = vector.shape_cast %add3A_775 : vector<16xf32> to vector<1x16xf32>
        tpu.vector_store %arg12[%swap3A_776, %swap3A_777], %swap3A_780 {strides = array<i32>} : memref<16x1024xf32, #tpu.memory_space<vmem>>, vector<1x16xf32>,
        %get3A_781 = arith.index_cast %scan3A_179 : i32 to index
        %get3A_782 = arith.constant 688 : index
        %get3A_783 = tpu.vector_load %arg8[%get3A_781, %get3A_782] {strides = array<i32>} : memref<16x1024xf32, #tpu.memory_space<vmem>>, vector<1x16xf32>,
        %get3A_784 = vector.shape_cast %get3A_783 : vector<1x16xf32> to vector<16xf32>
        %get3A_785 = arith.index_cast %scan3A_179 : i32 to index
        %get3A_786 = arith.constant 688 : index
        %get3A_787 = tpu.vector_load %arg10[%get3A_785, %get3A_786] {strides = array<i32>} : memref<16x1024xf32, #tpu.memory_space<vmem>>, vector<1x16xf32>,
        %get3A_788 = vector.shape_cast %get3A_787 : vector<1x16xf32> to vector<16xf32>
        %add3A_789 = arith.addf %get3A_784, %get3A_788 : vector<16xf32>
        %swap3A_790 = arith.index_cast %scan3A_179 : i32 to index
        %swap3A_791 = arith.constant 688 : index
        %swap3A_792 = tpu.vector_load %arg12[%swap3A_790, %swap3A_791] {strides = array<i32>} : memref<16x1024xf32, #tpu.memory_space<vmem>>, vector<1x16xf32>,
        %swap3A_793 = vector.shape_cast %swap3A_792 : vector<1x16xf32> to vector<16xf32>
        %swap3A_794 = vector.shape_cast %add3A_789 : vector<16xf32> to vector<1x16xf32>
        tpu.vector_store %arg12[%swap3A_790, %swap3A_791], %swap3A_794 {strides = array<i32>} : memref<16x1024xf32, #tpu.memory_space<vmem>>, vector<1x16xf32>,
        %get3A_795 = arith.index_cast %scan3A_179 : i32 to index
        %get3A_796 = arith.constant 704 : index
        %get3A_797 = tpu.vector_load %arg8[%get3A_795, %get3A_796] {strides = array<i32>} : memref<16x1024xf32, #tpu.memory_space<vmem>>, vector<1x16xf32>,
        %get3A_798 = vector.shape_cast %get3A_797 : vector<1x16xf32> to vector<16xf32>
        %get3A_799 = arith.index_cast %scan3A_179 : i32 to index
        %get3A_800 = arith.constant 704 : index
        %get3A_801 = tpu.vector_load %arg10[%get3A_799, %get3A_800] {strides = array<i32>} : memref<16x1024xf32, #tpu.memory_space<vmem>>, vector<1x16xf32>,
        %get3A_802 = vector.shape_cast %get3A_801 : vector<1x16xf32> to vector<16xf32>
        %add3A_803 = arith.addf %get3A_798, %get3A_802 : vector<16xf32>
        %swap3A_804 = arith.index_cast %scan3A_179 : i32 to index
        %swap3A_805 = arith.constant 704 : index
        %swap3A_806 = tpu.vector_load %arg12[%swap3A_804, %swap3A_805] {strides = array<i32>} : memref<16x1024xf32, #tpu.memory_space<vmem>>, vector<1x16xf32>,
        %swap3A_807 = vector.shape_cast %swap3A_806 : vector<1x16xf32> to vector<16xf32>
        %swap3A_808 = vector.shape_cast %add3A_803 : vector<16xf32> to vector<1x16xf32>
        tpu.vector_store %arg12[%swap3A_804, %swap3A_805], %swap3A_808 {strides = array<i32>} : memref<16x1024xf32, #tpu.memory_space<vmem>>, vector<1x16xf32>,
        %get3A_809 = arith.index_cast %scan3A_179 : i32 to index
        %get3A_810 = arith.constant 720 : index
        %get3A_811 = tpu.vector_load %arg8[%get3A_809, %get3A_810] {strides = array<i32>} : memref<16x1024xf32, #tpu.memory_space<vmem>>, vector<1x16xf32>,
        %get3A_812 = vector.shape_cast %get3A_811 : vector<1x16xf32> to vector<16xf32>
        %get3A_813 = arith.index_cast %scan3A_179 : i32 to index
        %get3A_814 = arith.constant 720 : index
        %get3A_815 = tpu.vector_load %arg10[%get3A_813, %get3A_814] {strides = array<i32>} : memref<16x1024xf32, #tpu.memory_space<vmem>>, vector<1x16xf32>,
        %get3A_816 = vector.shape_cast %get3A_815 : vector<1x16xf32> to vector<16xf32>
        %add3A_817 = arith.addf %get3A_812, %get3A_816 : vector<16xf32>
        %swap3A_818 = arith.index_cast %scan3A_179 : i32 to index
        %swap3A_819 = arith.constant 720 : index
        %swap3A_820 = tpu.vector_load %arg12[%swap3A_818, %swap3A_819] {strides = array<i32>} : memref<16x1024xf32, #tpu.memory_space<vmem>>, vector<1x16xf32>,
        %swap3A_821 = vector.shape_cast %swap3A_820 : vector<1x16xf32> to vector<16xf32>
        %swap3A_822 = vector.shape_cast %add3A_817 : vector<16xf32> to vector<1x16xf32>
        tpu.vector_store %arg12[%swap3A_818, %swap3A_819], %swap3A_822 {strides = array<i32>} : memref<16x1024xf32, #tpu.memory_space<vmem>>, vector<1x16xf32>,
        %get3A_823 = arith.index_cast %scan3A_179 : i32 to index
        %get3A_824 = arith.constant 736 : index
        %get3A_825 = tpu.vector_load %arg8[%get3A_823, %get3A_824] {strides = array<i32>} : memref<16x1024xf32, #tpu.memory_space<vmem>>, vector<1x16xf32>,
        %get3A_826 = vector.shape_cast %get3A_825 : vector<1x16xf32> to vector<16xf32>
        %get3A_827 = arith.index_cast %scan3A_179 : i32 to index
        %get3A_828 = arith.constant 736 : index
        %get3A_829 = tpu.vector_load %arg10[%get3A_827, %get3A_828] {strides = array<i32>} : memref<16x1024xf32, #tpu.memory_space<vmem>>, vector<1x16xf32>,
        %get3A_830 = vector.shape_cast %get3A_829 : vector<1x16xf32> to vector<16xf32>
        %add3A_831 = arith.addf %get3A_826, %get3A_830 : vector<16xf32>
        %swap3A_832 = arith.index_cast %scan3A_179 : i32 to index
        %swap3A_833 = arith.constant 736 : index
        %swap3A_834 = tpu.vector_load %arg12[%swap3A_832, %swap3A_833] {strides = array<i32>} : memref<16x1024xf32, #tpu.memory_space<vmem>>, vector<1x16xf32>,
        %swap3A_835 = vector.shape_cast %swap3A_834 : vector<1x16xf32> to vector<16xf32>
        %swap3A_836 = vector.shape_cast %add3A_831 : vector<16xf32> to vector<1x16xf32>
        tpu.vector_store %arg12[%swap3A_832, %swap3A_833], %swap3A_836 {strides = array<i32>} : memref<16x1024xf32, #tpu.memory_space<vmem>>, vector<1x16xf32>,
        %get3A_837 = arith.index_cast %scan3A_179 : i32 to index
        %get3A_838 = arith.constant 752 : index
        %get3A_839 = tpu.vector_load %arg8[%get3A_837, %get3A_838] {strides = array<i32>} : memref<16x1024xf32, #tpu.memory_space<vmem>>, vector<1x16xf32>,
        %get3A_840 = vector.shape_cast %get3A_839 : vector<1x16xf32> to vector<16xf32>
        %get3A_841 = arith.index_cast %scan3A_179 : i32 to index
        %get3A_842 = arith.constant 752 : index
        %get3A_843 = tpu.vector_load %arg10[%get3A_841, %get3A_842] {strides = array<i32>} : memref<16x1024xf32, #tpu.memory_space<vmem>>, vector<1x16xf32>,
        %get3A_844 = vector.shape_cast %get3A_843 : vector<1x16xf32> to vector<16xf32>
        %add3A_845 = arith.addf %get3A_840, %get3A_844 : vector<16xf32>
        %swap3A_846 = arith.index_cast %scan3A_179 : i32 to index
        %swap3A_847 = arith.constant 752 : index
        %swap3A_848 = tpu.vector_load %arg12[%swap3A_846, %swap3A_847] {strides = array<i32>} : memref<16x1024xf32, #tpu.memory_space<vmem>>, vector<1x16xf32>,
        %swap3A_849 = vector.shape_cast %swap3A_848 : vector<1x16xf32> to vector<16xf32>
        %swap3A_850 = vector.shape_cast %add3A_845 : vector<16xf32> to vector<1x16xf32>
        tpu.vector_store %arg12[%swap3A_846, %swap3A_847], %swap3A_850 {strides = array<i32>} : memref<16x1024xf32, #tpu.memory_space<vmem>>, vector<1x16xf32>,
        %get3A_851 = arith.index_cast %scan3A_179 : i32 to index
        %get3A_852 = arith.constant 768 : index
        %get3A_853 = tpu.vector_load %arg8[%get3A_851, %get3A_852] {strides = array<i32>} : memref<16x1024xf32, #tpu.memory_space<vmem>>, vector<1x16xf32>,
        %get3A_854 = vector.shape_cast %get3A_853 : vector<1x16xf32> to vector<16xf32>
        %get3A_855 = arith.index_cast %scan3A_179 : i32 to index
        %get3A_856 = arith.constant 768 : index
        %get3A_857 = tpu.vector_load %arg10[%get3A_855, %get3A_856] {strides = array<i32>} : memref<16x1024xf32, #tpu.memory_space<vmem>>, vector<1x16xf32>,
        %get3A_858 = vector.shape_cast %get3A_857 : vector<1x16xf32> to vector<16xf32>
        %add3A_859 = arith.addf %get3A_854, %get3A_858 : vector<16xf32>
        %swap3A_860 = arith.index_cast %scan3A_179 : i32 to index
        %swap3A_861 = arith.constant 768 : index
        %swap3A_862 = tpu.vector_load %arg12[%swap3A_860, %swap3A_861] {strides = array<i32>} : memref<16x1024xf32, #tpu.memory_space<vmem>>, vector<1x16xf32>,
        %swap3A_863 = vector.shape_cast %swap3A_862 : vector<1x16xf32> to vector<16xf32>
        %swap3A_864 = vector.shape_cast %add3A_859 : vector<16xf32> to vector<1x16xf32>
        tpu.vector_store %arg12[%swap3A_860, %swap3A_861], %swap3A_864 {strides = array<i32>} : memref<16x1024xf32, #tpu.memory_space<vmem>>, vector<1x16xf32>,
        %get3A_865 = arith.index_cast %scan3A_179 : i32 to index
        %get3A_866 = arith.constant 784 : index
        %get3A_867 = tpu.vector_load %arg8[%get3A_865, %get3A_866] {strides = array<i32>} : memref<16x1024xf32, #tpu.memory_space<vmem>>, vector<1x16xf32>,
        %get3A_868 = vector.shape_cast %get3A_867 : vector<1x16xf32> to vector<16xf32>
        %get3A_869 = arith.index_cast %scan3A_179 : i32 to index
        %get3A_870 = arith.constant 784 : index
        %get3A_871 = tpu.vector_load %arg10[%get3A_869, %get3A_870] {strides = array<i32>} : memref<16x1024xf32, #tpu.memory_space<vmem>>, vector<1x16xf32>,
        %get3A_872 = vector.shape_cast %get3A_871 : vector<1x16xf32> to vector<16xf32>
        %add3A_873 = arith.addf %get3A_868, %get3A_872 : vector<16xf32>
        %swap3A_874 = arith.index_cast %scan3A_179 : i32 to index
        %swap3A_875 = arith.constant 784 : index
        %swap3A_876 = tpu.vector_load %arg12[%swap3A_874, %swap3A_875] {strides = array<i32>} : memref<16x1024xf32, #tpu.memory_space<vmem>>, vector<1x16xf32>,
        %swap3A_877 = vector.shape_cast %swap3A_876 : vector<1x16xf32> to vector<16xf32>
        %swap3A_878 = vector.shape_cast %add3A_873 : vector<16xf32> to vector<1x16xf32>
        tpu.vector_store %arg12[%swap3A_874, %swap3A_875], %swap3A_878 {strides = array<i32>} : memref<16x1024xf32, #tpu.memory_space<vmem>>, vector<1x16xf32>,
        %get3A_879 = arith.index_cast %scan3A_179 : i32 to index
        %get3A_880 = arith.constant 800 : index
        %get3A_881 = tpu.vector_load %arg8[%get3A_879, %get3A_880] {strides = array<i32>} : memref<16x1024xf32, #tpu.memory_space<vmem>>, vector<1x16xf32>,
        %get3A_882 = vector.shape_cast %get3A_881 : vector<1x16xf32> to vector<16xf32>
        %get3A_883 = arith.index_cast %scan3A_179 : i32 to index
        %get3A_884 = arith.constant 800 : index
        %get3A_885 = tpu.vector_load %arg10[%get3A_883, %get3A_884] {strides = array<i32>} : memref<16x1024xf32, #tpu.memory_space<vmem>>, vector<1x16xf32>,
        %get3A_886 = vector.shape_cast %get3A_885 : vector<1x16xf32> to vector<16xf32>
        %add3A_887 = arith.addf %get3A_882, %get3A_886 : vector<16xf32>
        %swap3A_888 = arith.index_cast %scan3A_179 : i32 to index
        %swap3A_889 = arith.constant 800 : index
        %swap3A_890 = tpu.vector_load %arg12[%swap3A_888, %swap3A_889] {strides = array<i32>} : memref<16x1024xf32, #tpu.memory_space<vmem>>, vector<1x16xf32>,
        %swap3A_891 = vector.shape_cast %swap3A_890 : vector<1x16xf32> to vector<16xf32>
        %swap3A_892 = vector.shape_cast %add3A_887 : vector<16xf32> to vector<1x16xf32>
        tpu.vector_store %arg12[%swap3A_888, %swap3A_889], %swap3A_892 {strides = array<i32>} : memref<16x1024xf32, #tpu.memory_space<vmem>>, vector<1x16xf32>,
        %get3A_893 = arith.index_cast %scan3A_179 : i32 to index
        %get3A_894 = arith.constant 816 : index
        %get3A_895 = tpu.vector_load %arg8[%get3A_893, %get3A_894] {strides = array<i32>} : memref<16x1024xf32, #tpu.memory_space<vmem>>, vector<1x16xf32>,
        %get3A_896 = vector.shape_cast %get3A_895 : vector<1x16xf32> to vector<16xf32>
        %get3A_897 = arith.index_cast %scan3A_179 : i32 to index
        %get3A_898 = arith.constant 816 : index
        %get3A_899 = tpu.vector_load %arg10[%get3A_897, %get3A_898] {strides = array<i32>} : memref<16x1024xf32, #tpu.memory_space<vmem>>, vector<1x16xf32>,
        %get3A_900 = vector.shape_cast %get3A_899 : vector<1x16xf32> to vector<16xf32>
        %add3A_901 = arith.addf %get3A_896, %get3A_900 : vector<16xf32>
        %swap3A_902 = arith.index_cast %scan3A_179 : i32 to index
        %swap3A_903 = arith.constant 816 : index
        %swap3A_904 = tpu.vector_load %arg12[%swap3A_902, %swap3A_903] {strides = array<i32>} : memref<16x1024xf32, #tpu.memory_space<vmem>>, vector<1x16xf32>,
        %swap3A_905 = vector.shape_cast %swap3A_904 : vector<1x16xf32> to vector<16xf32>
        %swap3A_906 = vector.shape_cast %add3A_901 : vector<16xf32> to vector<1x16xf32>
        tpu.vector_store %arg12[%swap3A_902, %swap3A_903], %swap3A_906 {strides = array<i32>} : memref<16x1024xf32, #tpu.memory_space<vmem>>, vector<1x16xf32>,
        %get3A_907 = arith.index_cast %scan3A_179 : i32 to index
        %get3A_908 = arith.constant 832 : index
        %get3A_909 = tpu.vector_load %arg8[%get3A_907, %get3A_908] {strides = array<i32>} : memref<16x1024xf32, #tpu.memory_space<vmem>>, vector<1x16xf32>,
        %get3A_910 = vector.shape_cast %get3A_909 : vector<1x16xf32> to vector<16xf32>
        %get3A_911 = arith.index_cast %scan3A_179 : i32 to index
        %get3A_912 = arith.constant 832 : index
        %get3A_913 = tpu.vector_load %arg10[%get3A_911, %get3A_912] {strides = array<i32>} : memref<16x1024xf32, #tpu.memory_space<vmem>>, vector<1x16xf32>,
        %get3A_914 = vector.shape_cast %get3A_913 : vector<1x16xf32> to vector<16xf32>
        %add3A_915 = arith.addf %get3A_910, %get3A_914 : vector<16xf32>
        %swap3A_916 = arith.index_cast %scan3A_179 : i32 to index
        %swap3A_917 = arith.constant 832 : index
        %swap3A_918 = tpu.vector_load %arg12[%swap3A_916, %swap3A_917] {strides = array<i32>} : memref<16x1024xf32, #tpu.memory_space<vmem>>, vector<1x16xf32>,
        %swap3A_919 = vector.shape_cast %swap3A_918 : vector<1x16xf32> to vector<16xf32>
        %swap3A_920 = vector.shape_cast %add3A_915 : vector<16xf32> to vector<1x16xf32>
        tpu.vector_store %arg12[%swap3A_916, %swap3A_917], %swap3A_920 {strides = array<i32>} : memref<16x1024xf32, #tpu.memory_space<vmem>>, vector<1x16xf32>,
        %get3A_921 = arith.index_cast %scan3A_179 : i32 to index
        %get3A_922 = arith.constant 848 : index
        %get3A_923 = tpu.vector_load %arg8[%get3A_921, %get3A_922] {strides = array<i32>} : memref<16x1024xf32, #tpu.memory_space<vmem>>, vector<1x16xf32>,
        %get3A_924 = vector.shape_cast %get3A_923 : vector<1x16xf32> to vector<16xf32>
        %get3A_925 = arith.index_cast %scan3A_179 : i32 to index
        %get3A_926 = arith.constant 848 : index
        %get3A_927 = tpu.vector_load %arg10[%get3A_925, %get3A_926] {strides = array<i32>} : memref<16x1024xf32, #tpu.memory_space<vmem>>, vector<1x16xf32>,
        %get3A_928 = vector.shape_cast %get3A_927 : vector<1x16xf32> to vector<16xf32>
        %add3A_929 = arith.addf %get3A_924, %get3A_928 : vector<16xf32>
        %swap3A_930 = arith.index_cast %scan3A_179 : i32 to index
        %swap3A_931 = arith.constant 848 : index
        %swap3A_932 = tpu.vector_load %arg12[%swap3A_930, %swap3A_931] {strides = array<i32>} : memref<16x1024xf32, #tpu.memory_space<vmem>>, vector<1x16xf32>,
        %swap3A_933 = vector.shape_cast %swap3A_932 : vector<1x16xf32> to vector<16xf32>
        %swap3A_934 = vector.shape_cast %add3A_929 : vector<16xf32> to vector<1x16xf32>
        tpu.vector_store %arg12[%swap3A_930, %swap3A_931], %swap3A_934 {strides = array<i32>} : memref<16x1024xf32, #tpu.memory_space<vmem>>, vector<1x16xf32>,
        %get3A_935 = arith.index_cast %scan3A_179 : i32 to index
        %get3A_936 = arith.constant 864 : index
        %get3A_937 = tpu.vector_load %arg8[%get3A_935, %get3A_936] {strides = array<i32>} : memref<16x1024xf32, #tpu.memory_space<vmem>>, vector<1x16xf32>,
        %get3A_938 = vector.shape_cast %get3A_937 : vector<1x16xf32> to vector<16xf32>
        %get3A_939 = arith.index_cast %scan3A_179 : i32 to index
        %get3A_940 = arith.constant 864 : index
        %get3A_941 = tpu.vector_load %arg10[%get3A_939, %get3A_940] {strides = array<i32>} : memref<16x1024xf32, #tpu.memory_space<vmem>>, vector<1x16xf32>,
        %get3A_942 = vector.shape_cast %get3A_941 : vector<1x16xf32> to vector<16xf32>
        %add3A_943 = arith.addf %get3A_938, %get3A_942 : vector<16xf32>
        %swap3A_944 = arith.index_cast %scan3A_179 : i32 to index
        %swap3A_945 = arith.constant 864 : index
        %swap3A_946 = tpu.vector_load %arg12[%swap3A_944, %swap3A_945] {strides = array<i32>} : memref<16x1024xf32, #tpu.memory_space<vmem>>, vector<1x16xf32>,
        %swap3A_947 = vector.shape_cast %swap3A_946 : vector<1x16xf32> to vector<16xf32>
        %swap3A_948 = vector.shape_cast %add3A_943 : vector<16xf32> to vector<1x16xf32>
        tpu.vector_store %arg12[%swap3A_944, %swap3A_945], %swap3A_948 {strides = array<i32>} : memref<16x1024xf32, #tpu.memory_space<vmem>>, vector<1x16xf32>,
        %get3A_949 = arith.index_cast %scan3A_179 : i32 to index
        %get3A_950 = arith.constant 880 : index
        %get3A_951 = tpu.vector_load %arg8[%get3A_949, %get3A_950] {strides = array<i32>} : memref<16x1024xf32, #tpu.memory_space<vmem>>, vector<1x16xf32>,
        %get3A_952 = vector.shape_cast %get3A_951 : vector<1x16xf32> to vector<16xf32>
        %get3A_953 = arith.index_cast %scan3A_179 : i32 to index
        %get3A_954 = arith.constant 880 : index
        %get3A_955 = tpu.vector_load %arg10[%get3A_953, %get3A_954] {strides = array<i32>} : memref<16x1024xf32, #tpu.memory_space<vmem>>, vector<1x16xf32>,
        %get3A_956 = vector.shape_cast %get3A_955 : vector<1x16xf32> to vector<16xf32>
        %add3A_957 = arith.addf %get3A_952, %get3A_956 : vector<16xf32>
        %swap3A_958 = arith.index_cast %scan3A_179 : i32 to index
        %swap3A_959 = arith.constant 880 : index
        %swap3A_960 = tpu.vector_load %arg12[%swap3A_958, %swap3A_959] {strides = array<i32>} : memref<16x1024xf32, #tpu.memory_space<vmem>>, vector<1x16xf32>,
        %swap3A_961 = vector.shape_cast %swap3A_960 : vector<1x16xf32> to vector<16xf32>
        %swap3A_962 = vector.shape_cast %add3A_957 : vector<16xf32> to vector<1x16xf32>
        tpu.vector_store %arg12[%swap3A_958, %swap3A_959], %swap3A_962 {strides = array<i32>} : memref<16x1024xf32, #tpu.memory_space<vmem>>, vector<1x16xf32>,
        %get3A_963 = arith.index_cast %scan3A_179 : i32 to index
        %get3A_964 = arith.constant 896 : index
        %get3A_965 = tpu.vector_load %arg8[%get3A_963, %get3A_964] {strides = array<i32>} : memref<16x1024xf32, #tpu.memory_space<vmem>>, vector<1x16xf32>,
        %get3A_966 = vector.shape_cast %get3A_965 : vector<1x16xf32> to vector<16xf32>
        %get3A_967 = arith.index_cast %scan3A_179 : i32 to index
        %get3A_968 = arith.constant 896 : index
        %get3A_969 = tpu.vector_load %arg10[%get3A_967, %get3A_968] {strides = array<i32>} : memref<16x1024xf32, #tpu.memory_space<vmem>>, vector<1x16xf32>,
        %get3A_970 = vector.shape_cast %get3A_969 : vector<1x16xf32> to vector<16xf32>
        %add3A_971 = arith.addf %get3A_966, %get3A_970 : vector<16xf32>
        %swap3A_972 = arith.index_cast %scan3A_179 : i32 to index
        %swap3A_973 = arith.constant 896 : index
        %swap3A_974 = tpu.vector_load %arg12[%swap3A_972, %swap3A_973] {strides = array<i32>} : memref<16x1024xf32, #tpu.memory_space<vmem>>, vector<1x16xf32>,
        %swap3A_975 = vector.shape_cast %swap3A_974 : vector<1x16xf32> to vector<16xf32>
        %swap3A_976 = vector.shape_cast %add3A_971 : vector<16xf32> to vector<1x16xf32>
        tpu.vector_store %arg12[%swap3A_972, %swap3A_973], %swap3A_976 {strides = array<i32>} : memref<16x1024xf32, #tpu.memory_space<vmem>>, vector<1x16xf32>,
        %get3A_977 = arith.index_cast %scan3A_179 : i32 to index
        %get3A_978 = arith.constant 912 : index
        %get3A_979 = tpu.vector_load %arg8[%get3A_977, %get3A_978] {strides = array<i32>} : memref<16x1024xf32, #tpu.memory_space<vmem>>, vector<1x16xf32>,
        %get3A_980 = vector.shape_cast %get3A_979 : vector<1x16xf32> to vector<16xf32>
        %get3A_981 = arith.index_cast %scan3A_179 : i32 to index
        %get3A_982 = arith.constant 912 : index
        %get3A_983 = tpu.vector_load %arg10[%get3A_981, %get3A_982] {strides = array<i32>} : memref<16x1024xf32, #tpu.memory_space<vmem>>, vector<1x16xf32>,
        %get3A_984 = vector.shape_cast %get3A_983 : vector<1x16xf32> to vector<16xf32>
        %add3A_985 = arith.addf %get3A_980, %get3A_984 : vector<16xf32>
        %swap3A_986 = arith.index_cast %scan3A_179 : i32 to index
        %swap3A_987 = arith.constant 912 : index
        %swap3A_988 = tpu.vector_load %arg12[%swap3A_986, %swap3A_987] {strides = array<i32>} : memref<16x1024xf32, #tpu.memory_space<vmem>>, vector<1x16xf32>,
        %swap3A_989 = vector.shape_cast %swap3A_988 : vector<1x16xf32> to vector<16xf32>
        %swap3A_990 = vector.shape_cast %add3A_985 : vector<16xf32> to vector<1x16xf32>
        tpu.vector_store %arg12[%swap3A_986, %swap3A_987], %swap3A_990 {strides = array<i32>} : memref<16x1024xf32, #tpu.memory_space<vmem>>, vector<1x16xf32>,
        %get3A_991 = arith.index_cast %scan3A_179 : i32 to index
        %get3A_992 = arith.constant 928 : index
        %get3A_993 = tpu.vector_load %arg8[%get3A_991, %get3A_992] {strides = array<i32>} : memref<16x1024xf32, #tpu.memory_space<vmem>>, vector<1x16xf32>,
        %get3A_994 = vector.shape_cast %get3A_993 : vector<1x16xf32> to vector<16xf32>
        %get3A_995 = arith.index_cast %scan3A_179 : i32 to index
        %get3A_996 = arith.constant 928 : index
        %get3A_997 = tpu.vector_load %arg10[%get3A_995, %get3A_996] {strides = array<i32>} : memref<16x1024xf32, #tpu.memory_space<vmem>>, vector<1x16xf32>,
        %get3A_998 = vector.shape_cast %get3A_997 : vector<1x16xf32> to vector<16xf32>
        %add3A_999 = arith.addf %get3A_994, %get3A_998 : vector<16xf32>
        %swap3A_1000 = arith.index_cast %scan3A_179 : i32 to index
        %swap3A_1001 = arith.constant 928 : index
        %swap3A_1002 = tpu.vector_load %arg12[%swap3A_1000, %swap3A_1001] {strides = array<i32>} : memref<16x1024xf32, #tpu.memory_space<vmem>>, vector<1x16xf32>,
        %swap3A_1003 = vector.shape_cast %swap3A_1002 : vector<1x16xf32> to vector<16xf32>
        %swap3A_1004 = vector.shape_cast %add3A_999 : vector<16xf32> to vector<1x16xf32>
        tpu.vector_store %arg12[%swap3A_1000, %swap3A_1001], %swap3A_1004 {strides = array<i32>} : memref<16x1024xf32, #tpu.memory_space<vmem>>, vector<1x16xf32>,
        %get3A_1005 = arith.index_cast %scan3A_179 : i32 to index
        %get3A_1006 = arith.constant 944 : index
        %get3A_1007 = tpu.vector_load %arg8[%get3A_1005, %get3A_1006] {strides = array<i32>} : memref<16x1024xf32, #tpu.memory_space<vmem>>, vector<1x16xf32>,
        %get3A_1008 = vector.shape_cast %get3A_1007 : vector<1x16xf32> to vector<16xf32>
        %get3A_1009 = arith.index_cast %scan3A_179 : i32 to index
        %get3A_1010 = arith.constant 944 : index
        %get3A_1011 = tpu.vector_load %arg10[%get3A_1009, %get3A_1010] {strides = array<i32>} : memref<16x1024xf32, #tpu.memory_space<vmem>>, vector<1x16xf32>,
        %get3A_1012 = vector.shape_cast %get3A_1011 : vector<1x16xf32> to vector<16xf32>
        %add3A_1013 = arith.addf %get3A_1008, %get3A_1012 : vector<16xf32>
        %swap3A_1014 = arith.index_cast %scan3A_179 : i32 to index
        %swap3A_1015 = arith.constant 944 : index
        %swap3A_1016 = tpu.vector_load %arg12[%swap3A_1014, %swap3A_1015] {strides = array<i32>} : memref<16x1024xf32, #tpu.memory_space<vmem>>, vector<1x16xf32>,
        %swap3A_1017 = vector.shape_cast %swap3A_1016 : vector<1x16xf32> to vector<16xf32>
        %swap3A_1018 = vector.shape_cast %add3A_1013 : vector<16xf32> to vector<1x16xf32>
        tpu.vector_store %arg12[%swap3A_1014, %swap3A_1015], %swap3A_1018 {strides = array<i32>} : memref<16x1024xf32, #tpu.memory_space<vmem>>, vector<1x16xf32>,
        %get3A_1019 = arith.index_cast %scan3A_179 : i32 to index
        %get3A_1020 = arith.constant 960 : index
        %get3A_1021 = tpu.vector_load %arg8[%get3A_1019, %get3A_1020] {strides = array<i32>} : memref<16x1024xf32, #tpu.memory_space<vmem>>, vector<1x16xf32>,
        %get3A_1022 = vector.shape_cast %get3A_1021 : vector<1x16xf32> to vector<16xf32>
        %get3A_1023 = arith.index_cast %scan3A_179 : i32 to index
        %get3A_1024 = arith.constant 960 : index
        %get3A_1025 = tpu.vector_load %arg10[%get3A_1023, %get3A_1024] {strides = array<i32>} : memref<16x1024xf32, #tpu.memory_space<vmem>>, vector<1x16xf32>,
        %get3A_1026 = vector.shape_cast %get3A_1025 : vector<1x16xf32> to vector<16xf32>
        %add3A_1027 = arith.addf %get3A_1022, %get3A_1026 : vector<16xf32>
        %swap3A_1028 = arith.index_cast %scan3A_179 : i32 to index
        %swap3A_1029 = arith.constant 960 : index
        %swap3A_1030 = tpu.vector_load %arg12[%swap3A_1028, %swap3A_1029] {strides = array<i32>} : memref<16x1024xf32, #tpu.memory_space<vmem>>, vector<1x16xf32>,
        %swap3A_1031 = vector.shape_cast %swap3A_1030 : vector<1x16xf32> to vector<16xf32>
        %swap3A_1032 = vector.shape_cast %add3A_1027 : vector<16xf32> to vector<1x16xf32>
        tpu.vector_store %arg12[%swap3A_1028, %swap3A_1029], %swap3A_1032 {strides = array<i32>} : memref<16x1024xf32, #tpu.memory_space<vmem>>, vector<1x16xf32>,
        %get3A_1033 = arith.index_cast %scan3A_179 : i32 to index
        %get3A_1034 = arith.constant 976 : index
        %get3A_1035 = tpu.vector_load %arg8[%get3A_1033, %get3A_1034] {strides = array<i32>} : memref<16x1024xf32, #tpu.memory_space<vmem>>, vector<1x16xf32>,
        %get3A_1036 = vector.shape_cast %get3A_1035 : vector<1x16xf32> to vector<16xf32>
        %get3A_1037 = arith.index_cast %scan3A_179 : i32 to index
        %get3A_1038 = arith.constant 976 : index
        %get3A_1039 = tpu.vector_load %arg10[%get3A_1037, %get3A_1038] {strides = array<i32>} : memref<16x1024xf32, #tpu.memory_space<vmem>>, vector<1x16xf32>,
        %get3A_1040 = vector.shape_cast %get3A_1039 : vector<1x16xf32> to vector<16xf32>
        %add3A_1041 = arith.addf %get3A_1036, %get3A_1040 : vector<16xf32>
        %swap3A_1042 = arith.index_cast %scan3A_179 : i32 to index
        %swap3A_1043 = arith.constant 976 : index
        %swap3A_1044 = tpu.vector_load %arg12[%swap3A_1042, %swap3A_1043] {strides = array<i32>} : memref<16x1024xf32, #tpu.memory_space<vmem>>, vector<1x16xf32>,
        %swap3A_1045 = vector.shape_cast %swap3A_1044 : vector<1x16xf32> to vector<16xf32>
        %swap3A_1046 = vector.shape_cast %add3A_1041 : vector<16xf32> to vector<1x16xf32>
        tpu.vector_store %arg12[%swap3A_1042, %swap3A_1043], %swap3A_1046 {strides = array<i32>} : memref<16x1024xf32, #tpu.memory_space<vmem>>, vector<1x16xf32>,
        %get3A_1047 = arith.index_cast %scan3A_179 : i32 to index
        %get3A_1048 = arith.constant 992 : index
        %get3A_1049 = tpu.vector_load %arg8[%get3A_1047, %get3A_1048] {strides = array<i32>} : memref<16x1024xf32, #tpu.memory_space<vmem>>, vector<1x16xf32>,
        %get3A_1050 = vector.shape_cast %get3A_1049 : vector<1x16xf32> to vector<16xf32>
        %get3A_1051 = arith.index_cast %scan3A_179 : i32 to index
        %get3A_1052 = arith.constant 992 : index
        %get3A_1053 = tpu.vector_load %arg10[%get3A_1051, %get3A_1052] {strides = array<i32>} : memref<16x1024xf32, #tpu.memory_space<vmem>>, vector<1x16xf32>,
        %get3A_1054 = vector.shape_cast %get3A_1053 : vector<1x16xf32> to vector<16xf32>
        %add3A_1055 = arith.addf %get3A_1050, %get3A_1054 : vector<16xf32>
        %swap3A_1056 = arith.index_cast %scan3A_179 : i32 to index
        %swap3A_1057 = arith.constant 992 : index
        %swap3A_1058 = tpu.vector_load %arg12[%swap3A_1056, %swap3A_1057] {strides = array<i32>} : memref<16x1024xf32, #tpu.memory_space<vmem>>, vector<1x16xf32>,
        %swap3A_1059 = vector.shape_cast %swap3A_1058 : vector<1x16xf32> to vector<16xf32>
        %swap3A_1060 = vector.shape_cast %add3A_1055 : vector<16xf32> to vector<1x16xf32>
        tpu.vector_store %arg12[%swap3A_1056, %swap3A_1057], %swap3A_1060 {strides = array<i32>} : memref<16x1024xf32, #tpu.memory_space<vmem>>, vector<1x16xf32>,
        %get3A_1061 = arith.index_cast %scan3A_179 : i32 to index
        %get3A_1062 = arith.constant 1008 : index
        %get3A_1063 = tpu.vector_load %arg8[%get3A_1061, %get3A_1062] {strides = array<i32>} : memref<16x1024xf32, #tpu.memory_space<vmem>>, vector<1x16xf32>,
        %get3A_1064 = vector.shape_cast %get3A_1063 : vector<1x16xf32> to vector<16xf32>
        %get3A_1065 = arith.index_cast %scan3A_179 : i32 to index
        %get3A_1066 = arith.constant 1008 : index
        %get3A_1067 = tpu.vector_load %arg10[%get3A_1065, %get3A_1066] {strides = array<i32>} : memref<16x1024xf32, #tpu.memory_space<vmem>>, vector<1x16xf32>,
        %get3A_1068 = vector.shape_cast %get3A_1067 : vector<1x16xf32> to vector<16xf32>
        %add3A_1069 = arith.addf %get3A_1064, %get3A_1068 : vector<16xf32>
        %swap3A_1070 = arith.index_cast %scan3A_179 : i32 to index
        %swap3A_1071 = arith.constant 1008 : index
        %swap3A_1072 = tpu.vector_load %arg12[%swap3A_1070, %swap3A_1071] {strides = array<i32>} : memref<16x1024xf32, #tpu.memory_space<vmem>>, vector<1x16xf32>,
        %swap3A_1073 = vector.shape_cast %swap3A_1072 : vector<1x16xf32> to vector<16xf32>
        %swap3A_1074 = vector.shape_cast %add3A_1069 : vector<16xf32> to vector<1x16xf32>
        tpu.vector_store %arg12[%swap3A_1070, %swap3A_1071], %swap3A_1074 {strides = array<i32>} : memref<16x1024xf32, #tpu.memory_space<vmem>>, vector<1x16xf32>,
      }
      %scan3A_165 = arith.constant 16 : i32
      %dma_start3A_166 = arith.constant 0 : i32
      %dma_start3A_167 = tpu.memref_slice %arg5[%select_n3A, %add3A_140, %dma_start3A_166] : memref<4x4096x1024xf32, #tpu.memory_space<hbm>> -> memref<1x16x1024xf32, #tpu.memory_space<hbm>>
      %dma_start3A_168 = tpu.memref_squeeze %dma_start3A_167 : memref<1x16x1024xf32, #tpu.memory_space<hbm>> -> memref<16x1024xf32, #tpu.memory_space<hbm>>
      %dma_start3A_169 = arith.constant 0 : i32
      %dma_start3A_170 = tpu.memref_slice %arg5[%select_n3A, %add3A_140, %dma_start3A_169] : memref<4x4096x1024xf32, #tpu.memory_space<hbm>> -> memref<1x16x1024xf32, #tpu.memory_space<hbm>>
      %dma_start3A_171 = tpu.memref_squeeze %dma_start3A_170 : memref<1x16x1024xf32, #tpu.memory_space<hbm>> -> memref<16x1024xf32, #tpu.memory_space<hbm>>
      tpu.enqueue_dma source(%arg12 : memref<16x1024xf32, #tpu.memory_space<vmem>>) target(%dma_start3A_171 : memref<16x1024xf32, #tpu.memory_space<hbm>>) target_semaphore(%arg18 : memref<!tpu.dma_semaphore, #tpu.memory_space<semaphore_mem>>)
      %add3A_172 = arith.constant 2 : i32
      %add3A_173 = arith.addi %add3A_137, %add3A_172 : i32
      %lt3A_174 = arith.constant 32 : i32
      %lt3A_175 = arith.cmpi slt, %add3A_173, %lt3A_174 : i32
      %convert_element_type3A_176 = arith.extui %lt3A_175 : i1 to i32
      %cond3A_177 = arith.constant 0 : i32
      %cond3A_178 = arith.cmpi ne, %convert_element_type3A_176, %cond3A_177 : i32
      scf.if %cond3A_178 {
        %add3A_179 = arith.constant 32 : i32
        %add3A_180 = arith.addi %add3A_140, %add3A_179 : i32
        %add3A_181 = arith.constant 1 : i32
        %add3A_182 = arith.addi %add3A_180, %add3A_181 : i32
        %add3A_183 = vector.broadcast %add3A_182 : i32 to vector<16xi32>
        %add3A_184 = arith.addi %iota3A, %add3A_183 : vector<16xi32>
        %sub3A_185 = arith.subi %add3A_184, %get3A_34 : vector<16xi32>
        %max3A_186 = arith.constant 0 : i32
        %max3A_187 = vector.broadcast %max3A_186 : i32 to vector<16xi32>
        %max3A_188 = arith.maxsi %sub3A_185, %max3A_187 : vector<16xi32>
        %dma_start3A_189 = arith.constant 0 : i32
        %dma_start3A_190 = arith.constant 0 : i32
        %dma_start3A_191 = tpu.memref_slice %arg4[%dma_start3A_189, %dma_start3A_190] : memref<5001x1024xf32, #tpu.memory_space<hbm>> -> memref<5001x1024xf32, #tpu.memory_space<hbm>>
        tpu.enqueue_indirect_dma source(%dma_start3A_191 : memref<5001x1024xf32, #tpu.memory_space<hbm>>) target(%arg10 : memref<16x1024xf32, #tpu.memory_space<vmem>>) offsets(%max3A_188 : vector<16xi32>) semaphore(%arg16 : memref<!tpu.dma_semaphore, #tpu.memory_space<semaphore_mem>>)
        %dma_start3A_192 = arith.constant 0 : i32
        %dma_start3A_193 = tpu.memref_slice %arg2[%select_n3A, %add3A_180, %dma_start3A_192] : memref<4x4096x1024xf32, #tpu.memory_space<hbm>> -> memref<1x16x1024xf32, #tpu.memory_space<hbm>>
        %dma_start3A_194 = tpu.memref_squeeze %dma_start3A_193 : memref<1x16x1024xf32, #tpu.memory_space<hbm>> -> memref<16x1024xf32, #tpu.memory_space<hbm>>
        %dma_start3A_195 = arith.constant 0 : i32
        %dma_start3A_196 = tpu.memref_slice %arg2[%select_n3A, %add3A_180, %dma_start3A_195] : memref<4x4096x1024xf32, #tpu.memory_space<hbm>> -> memref<1x16x1024xf32, #tpu.memory_space<hbm>>
        %dma_start3A_197 = tpu.memref_squeeze %dma_start3A_196 : memref<1x16x1024xf32, #tpu.memory_space<hbm>> -> memref<16x1024xf32, #tpu.memory_space<hbm>>
        tpu.enqueue_dma source(%dma_start3A_197 : memref<16x1024xf32, #tpu.memory_space<hbm>>) target(%arg8 : memref<16x1024xf32, #tpu.memory_space<vmem>>) target_semaphore(%arg14 : memref<!tpu.dma_semaphore, #tpu.memory_space<semaphore_mem>>)
      } else {
      }
    }
    %scan3A_75 = arith.constant 16 : i32
    %add3A_76 = arith.constant 480 : i32
    %add3A_77 = arith.addi %mul3A_32, %add3A_76 : i32
    %dma_wait3A = arith.constant 0 : i32
    %dma_wait3A_78 = tpu.memref_slice %arg5[%select_n3A, %add3A_77, %dma_wait3A] : memref<4x4096x1024xf32, #tpu.memory_space<hbm>> -> memref<1x16x1024xf32, #tpu.memory_space<hbm>>
    %dma_wait3A_79 = tpu.memref_squeeze %dma_wait3A_78 : memref<1x16x1024xf32, #tpu.memory_space<hbm>> -> memref<16x1024xf32, #tpu.memory_space<hbm>>
    %dma_wait3A_80 = arith.constant 0 : i32
    %dma_wait3A_81 = tpu.memref_slice %arg5[%select_n3A, %add3A_77, %dma_wait3A_80] : memref<4x4096x1024xf32, #tpu.memory_space<hbm>> -> memref<1x16x1024xf32, #tpu.memory_space<hbm>>
    %dma_wait3A_82 = tpu.memref_squeeze %dma_wait3A_81 : memref<1x16x1024xf32, #tpu.memory_space<hbm>> -> memref<16x1024xf32, #tpu.memory_space<hbm>>
    tpu.wait_dma2 semaphore(%arg17 : memref<!tpu.dma_semaphore, #tpu.memory_space<semaphore_mem>>) src(%arg11 : memref<16x1024xf32, #tpu.memory_space<vmem>>) dst(%dma_wait3A_82 : memref<16x1024xf32, #tpu.memory_space<hbm>>)
    %add3A_83 = arith.constant 496 : i32
    %add3A_84 = arith.addi %mul3A_32, %add3A_83 : i32
    %dma_wait3A_85 = arith.constant 0 : i32
    %dma_wait3A_86 = tpu.memref_slice %arg5[%select_n3A, %add3A_84, %dma_wait3A_85] : memref<4x4096x1024xf32, #tpu.memory_space<hbm>> -> memref<1x16x1024xf32, #tpu.memory_space<hbm>>
    %dma_wait3A_87 = tpu.memref_squeeze %dma_wait3A_86 : memref<1x16x1024xf32, #tpu.memory_space<hbm>> -> memref<16x1024xf32, #tpu.memory_space<hbm>>
    %dma_wait3A_88 = arith.constant 0 : i32
    %dma_wait3A_89 = tpu.memref_slice %arg5[%select_n3A, %add3A_84, %dma_wait3A_88] : memref<4x4096x1024xf32, #tpu.memory_space<hbm>> -> memref<1x16x1024xf32, #tpu.memory_space<hbm>>
    %dma_wait3A_90 = tpu.memref_squeeze %dma_wait3A_89 : memref<1x16x1024xf32, #tpu.memory_space<hbm>> -> memref<16x1024xf32, #tpu.memory_space<hbm>>
    tpu.wait_dma2 semaphore(%arg18 : memref<!tpu.dma_semaphore, #tpu.memory_space<semaphore_mem>>) src(%arg12 : memref<16x1024xf32, #tpu.memory_space<vmem>>) dst(%dma_wait3A_90 : memref<16x1024xf32, #tpu.memory_space<hbm>>)
    return
  }
}

</mosaic_0001>

<sc_bundles>
// kernel: kernel.3.cloned.1.call-start
scs
__scs_entry_jumppad:
0x0: {  	(pc) =	sbr.rel $0x88, $3  }
0x1: {  	(tag) =	ssettag $0x0;
	lr =	simm.s32 $0x1  }
0x2: {  	[smem:$0x3F9E] =	sst lr;
	_ =	strace $0xD0000000  }
0x3: {  	_ = 	snop  }
0x4: {  	_ = 	snop  }
0x5: {  	_ = 	snop  }
0x6: {  	_ = 	snop  }
0x7: {  	_ = 	snop  }
__scs_overlays_trampoline_lowered:
0x8: {  	[smem:$0x3FAD] =	sst s0  }
0x9: {  	[smem:$0x3FAE] =	sst s1  }
0xa: {  	[smem:$0x3FAF] =	sst s2  }
0xb: {  	[smem:$0x3FB0] =	sst s3  }
0xc: {  	[smem:$0x3FB1] =	sst s4  }
0xd: {  	[smem:$0x3FB2] =	sst s5  }
0xe: {  	[smem:$0x3FB3] =	sst s6  }
0xf: {  	[smem:$0x3FB4] =	sst s7  }
0x10: {  	[smem:$0x3FB5] =	sst s8  }
0x11: {  	[smem:$0x3FB6] =	sst s9;
	s0 =	simm.s32 @!p0 $0x0  }
0x12: {  	s1 =	sld [smem:$0x3F9C];
	s0 =	simm.s32 @p0 $0x1  }
0x13: {  	[smem:$0x3FB7] =	sst s0;
	s0 =	simm.s32 @!p1 $0x0  }
0x14: {  	s2 =	sld [smem:$0x3F9B];
	s0 =	simm.s32 @p1 $0x1  }
0x15: {  	[smem:$0x3FB8] =	sst s0;
	s0 =	simm.s32 @!p2 $0x0  }
0x16: {  	s3 =	sld [smem:$0x3FDB];
	s0 =	simm.s32 @p2 $0x1  }
0x17: {  	s4 =	simm.s32 $0x1BF5;
	[smem:$0x3FBA] =	sst s0  }
0x18: {  	s0 =	sld [smem:$0x3F9D];
	_ =	swait.ge [sflag:s4], $0x0  }
0x19: {  	s7 =	sld [smem:$0x3F9E]  }
0x1a: {  	s8 =	sadd.s32 $0xFFFFE003, lr  }
0x1b: {  	s9 =	sadd.s32 $0xFFFFFEF7, lr;
	s5 =	simm.s32 $0xFFFFFFFF;
	p2 =	slt.u32 s8, $0xFFFFF086  }
0x1c: {  	p1 =	slt.u32 s9, $0xF7A;
	s5 =	simm.s32 @!p2 $0x0  }
0x1d: {  	s5 =	simm.s32 @p1 $0x1;
	p0 =	seq.s32 s7, s2  }
0x1e: {  	s7 =	smul.u32 @!p0 $0xF7A, s2;
	p2 =	seq.s32 @!p0 s5, $0x0  }
0x1f: {  	s9 =	smul.u32 $0xF7A, s1;
	s8 =	simm.s32 @!p0 $0x1BF5;
	p2 =	por !p2, p0  }
0x20: {  	[sflag:s8] =	ssyncset.s32 @!p0 $0xFFFFF086;
	s6 =	sadd.s32 @!p0 s3, s7;
	s7 =	simm.s32 @!p0 $0x108  }
0x21: {  	s3 =	sadd.s32 s3, s9;
	s6 =	sadd.s32 @!p0 $0x88, s6;
	s7 =	simm.s32 @p2 $0x1082  }
0x22: {  	[simem:s7], [sflag:s8] =	dma.local @!p0 [hbm:s6], $0xF7A  }
0x23: {  	s9 =	sor.u32 $0xD0000000, s2;
	s6 =	simm.s32 $0x108;
	_ =	swait.ge @!p0 [sflag:s8], $0x0  }
0x24: {  	s3 =	sadd.s32 $0x88, s3;
	s6 =	simm.s32 @!p1 $0x1082;
	[sflag:s4] =	ssyncset.s32 $0xFFFFF086  }
0x25: {  	[simem:s6], [sflag:s4] =	dma.local [hbm:s3], $0xF7A  }
0x26: {  	[smem:$0x3F9E] =	sst s1;
	(tag) =	ssettag s2;
	_ =	strace s9  }
0x27: {  	s1 =	sld [smem:$0x3FAE]  }
0x28: {  	s2 =	sld [smem:$0x3FAF]  }
0x29: {  	s4 =	sld [smem:$0x3FB1]  }
0x2a: {  	p0 =	seq.s32 s5, $0x0;
	s5 =	sld [smem:$0x3FB2]  }
0x2b: {  	s6 =	sld [smem:$0x3FB3]  }
0x2c: {  	s7 =	sld [smem:$0x3FB4]  }
0x2d: {  	s3 =	simm.s32 $0x108;
	s8 =	sld [smem:$0x3FB5]  }
0x2e: {  	s3 =	simm.s32 @!p0 $0x1082;
	s9 =	sld [smem:$0x3FB6]  }
0x2f: {  	lr =	sadd.s32 s0, s3;
	s0 =	sld [smem:$0x3FAD]  }
0x30: {  	s3 =	sld [smem:$0x3FB0]  }
0x31: {  	[smem:$0x3FB9] =	sst s10  }
0x32: {  	s10 =	sld [smem:$0x3FB7];
	_ =	sdelay $0x3  }
0x33: {  	p0 =	seq.s32 s10, $0x1;
	s10 =	sld [smem:$0x3FB9];
	_ =	sdelay $0x3  }
0x34: {  	[smem:$0x3FB9] =	sst s10  }
0x35: {  	s10 =	sld [smem:$0x3FB8];
	_ =	sdelay $0x3  }
0x36: {  	p1 =	seq.s32 s10, $0x1;
	s10 =	sld [smem:$0x3FB9];
	_ =	sdelay $0x3  }
0x37: {  	[smem:$0x3FB9] =	sst s10  }
0x38: {  	s10 =	sld [smem:$0x3FBA]  }
0x39: {  	_ = 	snop;
	(pc) =	sbr.ind lr, $3  }
0x3a: {  	_ = 	snop  }
0x3b: {  	_ = 	snop  }
0x3c: {  	p2 =	seq.s32 s10, $0x1;
	s10 =	sld [smem:$0x3FB9]  }
0x3d: {  	_ =	shalt  }
0x3e: {  	_ =	shalt  }
0x3f: {  	_ =	shalt  }
0x40: {  	_ =	shalt  }
0x41: {  	_ =	shalt  }
0x42: {  	_ =	shalt  }
0x43: {  	_ =	shalt  }
0x44: {  	_ =	shalt  }
0x45: {  	_ =	shalt  }
0x46: {  	_ =	shalt  }
0x47: {  	_ =	shalt  }
0x48: {  	_ =	shalt  }
0x49: {  	_ =	shalt  }
0x4a: {  	_ =	shalt  }
0x4b: {  	_ =	shalt  }
0x4c: {  	_ =	shalt  }
0x4d: {  	_ =	shalt  }
0x4e: {  	_ =	shalt  }
0x4f: {  	_ =	shalt  }
0x50: {  	_ =	shalt  }
0x51: {  	_ =	shalt  }
0x52: {  	_ =	shalt  }
0x53: {  	_ =	shalt  }
0x54: {  	_ =	shalt  }
0x55: {  	_ =	shalt  }
0x56: {  	_ =	shalt  }
0x57: {  	_ =	shalt  }
0x58: {  	_ =	shalt  }
0x59: {  	_ =	shalt  }
0x5a: {  	_ =	shalt  }
0x5b: {  	_ =	shalt  }
0x5c: {  	_ =	shalt  }
0x5d: {  	_ =	shalt  }
0x5e: {  	_ =	shalt  }
0x5f: {  	_ =	shalt  }
0x60: {  	_ =	shalt  }
0x61: {  	_ =	shalt  }
0x62: {  	_ =	shalt  }
0x63: {  	_ =	shalt  }
0x64: {  	_ =	shalt  }
0x65: {  	_ =	shalt  }
0x66: {  	_ =	shalt  }
0x67: {  	_ =	shalt  }
0x68: {  	_ =	shalt  }
0x69: {  	_ =	shalt  }
0x6a: {  	_ =	shalt  }
0x6b: {  	_ =	shalt  }
0x6c: {  	_ =	shalt  }
0x6d: {  	_ =	shalt  }
0x6e: {  	_ =	shalt  }
0x6f: {  	_ =	shalt  }
0x70: {  	_ =	shalt  }
0x71: {  	_ =	shalt  }
0x72: {  	_ =	shalt  }
0x73: {  	_ =	shalt  }
0x74: {  	_ =	shalt  }
0x75: {  	_ =	shalt  }
0x76: {  	_ =	shalt  }
0x77: {  	_ =	shalt  }
0x78: {  	_ =	shalt  }
0x79: {  	_ =	shalt  }
0x7a: {  	_ =	shalt  }
0x7b: {  	_ =	shalt  }
0x7c: {  	_ =	shalt  }
0x7d: {  	_ =	shalt  }
0x7e: {  	_ =	shalt  }
0x7f: {  	_ =	shalt  }
0x80: {  	_ =	shalt  }
0x81: {  	_ =	shalt  }
0x82: {  	_ =	shalt  }
0x83: {  	_ =	shalt  }
0x84: {  	_ =	shalt  }
0x85: {  	_ =	shalt  }
0x86: {  	_ =	shalt  }
0x87: {  	_ =	shalt  }
.Lfunc_end0:
.L_simem_size_0:
called_computation_lowered:
.L_overlay_start_0:
0x88: {  	s2 =	sld [smem:$0x3FD9]  }
0x89: {  	s3 =	sld [smem:$0x3FFE];
	_ =	sdelay $0x1  }
0x8a: {  	s1 =	srdreg.scid  }
0x8b: {  	s0 =	sand.u32 $0x1, s1  }
0x8c: {  	s17 =	sshll.u32 s0, $0xA;
	s2 =	sadd.s32 s3, s2  }
0x8d: {  	s2 =	sadd.s32 s2, s17  }
0x8e: {  	[smem:$0x3FC5] =	sst s2  }
0x8f: {  	_ = 	snop  }
0x90: {  	s2 =	sld [smem:$0x3FC9]  }
0x91: {  	s18 =	sld [smem:$0x3FC7]  }
0x92: {  	s4 =	sld [smem:$0x3FD0];
	(tm) =	ssettm $0x1  }
0x93: {  	s5 =	sld [smem:$0x3FFB];
	_ =	sdelay $0x3  }
0x94: {  	_ =	strace s5  }
0x95: {  	s5 =	sld [smem:$0x3FFC];
	_ =	sdelay $0x3  }
0x96: {  	_ =	strace s5  }
0x97: {  	s5 =	sld [smem:$0x3FFD];
	_ =	sdelay $0x3  }
0x98: {  	_ =	strace s5  }
0x99: {  	_ =	strace $0x8FFFFFFF  }
0x9a: {  	s19 =	sld [smem:$0x3FDB];
	_ =	sdelay $0x1  }
0x9b: {  	s6 =	simm.s32 $_scs_section_size  }
0x9c: {  	s7 =	simm.s32 $_size__tile_overlayer_lowered;
	s8 =	simm.s32 $_tile_overlayer_lowered  }
0x9d: {  	s22 =	simm.s32 $0x1BFF;
	s21 =	sshll.u32 s8, $0x1;
	s5 =	sadd.s32 s6, s19  }
0x9e: {  	s9 =	simm.s32 $0x0;
	s20 =	sshll.u32 s7, $0x1;
	s7 =	sadd.s32 s21, s5  }
0x9f: {  	[timem:s9], [sflag:s22] =	dma.local [hbm:s7], s20  }
0xa0: {  	_ =	swait.ge [sflag:s22], s20  }
0xa1: {  	s6 =	ssub.s32 $0x0, s20;
	[sflag:s22] =	ssyncset.done $0x0  }
0xa2: {  	[sflag:s22] =	ssyncadd.s32 s6;
	_ =	sdelay $0x1  }
0xa3: {  	s23 =	simm.s32 $0x1B8B  }
0xa4: {  	_ =	swait.ge [sflag:s23], $0x1  }
0xa5: {  	[sflag:s23] =	ssyncset.done $0x0  }
0xa6: {  	s25 =	simm.s32 $0x1B8E;
	s24 =	sld [smem:$0x3FFE];
	[sflag:s23] =	ssyncadd.s32 $0xFFFFFFFF  }
0xa7: {  	s26 =	simm.s32 $execute0_lowered;
	[smem:$0x3FD2] =	sst s25  }
0xa8: {  	s7 =	sshll.u32 s26, $0x1;
	_ =	strace $0x80000046;
	[dreg:$0x1] =	wrdreg $0xFFFFFFFF  }
0xa9: {  	s28 =	simm.s32 $_size_execute0_lowered;
	s5 =	sadd.s32 s5, s7;
	[dreg:$0x0] =	wrdreg $0x0  }
0xaa: {  	s7 =	sshll.u32 s28, $0x1;
	[dreg:$0x2] =	wrdreg s5  }
0xab: {  	[dreg:$0x3] =	wrdreg s7  }
0xac: {  	[dreg:$0x4] =	wrdreg $0xC0  }
0xad: {  	_ =	task [dreg:s9], $0x5FFFF  }
0xae: {  	[dreg:$0x1] =	wrdreg $0xFFFFFFFF  }
0xaf: {  	[dreg:$0x0] =	wrdreg $0x60  }
0xb0: {  	[dreg:$0x2] =	wrdreg s2  }
0xb1: {  	[dreg:$0x3] =	wrdreg s24  }
0xb2: {  	[dreg:$0x4] =	wrdreg s18  }
0xb3: {  	[dreg:$0x5] =	wrdreg s4  }
0xb4: {  	[dreg:$0x6] =	wrdreg $0x9  }
0xb5: {  	_ =	task.clear_ibuf [dreg:s9], $0x7FFFF;
	_ =	strace $0x90000046  }
0xb6: {  	s29 =	simm.s32 $0x9;
	_ =	strace $0x80000048  }
0xb7: {  	_ =	swait.ge [sflag:s29], $0x1  }
0xb8: {  	[sflag:s29] =	ssyncadd.s32 $0xFFFFFFFF  }
0xb9: {  	_ =	strace $0x90000048  }
0xba: {  	_ =	sfence  }
0xbb: {  	s30 =	sld [smem:$0x0];
	_ =	sdelay $0x2  }
0xbc: {  	s31 =	sshll.u32 s1, $0xD;
	s1 =	sshrl.u32 s1, $0x2  }
0xbd: {  	s3 =	sand.u32 $0x4000, s31;
	s1 =	sadd.s32 s1, s30  }
0xbe: {  	s0 =	sor.u32 s3, s0;
	s1 =	sshll.u32 s1, $0x11  }
0xbf: {  	s0 =	sor.u32 s1, s0  }
0xc0: {  	s0 =	sadd.s32 $0x8F2B, s0  }
0xc1: {  	[sflag:s0] =	ssyncadd.remote.s32 $0x1  }
0xc2: {  	_ =	sfence.sel $0xFFFF  }
0xc3: {  	[dreg:$0x0] =	wrdreg $0xFFFFFFFF;
	(pc) =	sbr.abs _section_cstart, $3  }
0xc4: {  	[dreg:$0x1] =	wrdreg $0xFFFFFFFF  }
0xc5: {  	_ =	task.clear_ibuf [dreg:s9], $0x2FFFF;
	_ =	strace $0x9FFFFFFF  }
0xc6: {  	(tm) =	ssettm $0x7FFFFFFF  }
0xc7: {  	_ =	shalt  }
tec
execute0_lowered:
.L_overlay_start_1:
0x0: {  	(tag) =	ssettag $0x1  }
0x1: {  	s1 =	rddreg [dreg:$0x0]  }
0x2: {  	s0 =	rddreg [dreg:$0x1]  }
0x3: {  	s3 =	rddreg [dreg:$0x2];
	s2 =	srdreg.scid  }
0x4: {  	s8 =	stileid.u32;
	s4 =	rddreg [dreg:$0x3];
	s5 =	simm.s32 $0x0  }
0x5: {  	s30 =	simm.s32 $0xD880;
	s31 =	simm.s32 $0xE080;
	s17 =	simm.s32 $0xF880  }
0x6: {  	s18 =	simm.s32 $0x4080;
	s19 =	simm.s32 $0x1;
	s20 =	simm.s32 $0x3  }
0x7: {  	s21 =	simm.s32 $0x10080;
	s13 =	simm.s32 $0x0;
	s2 =	sand.u32 $0x1, s2  }
0x8: {  	s6 =	sshll.u32 s8, $0x1;
	[smem:$0x7FF] =	sst s5;
	s23 =	sshll.u32 s8, $0x14  }
0x9: {  	s10 =	sadd.s32 $0x200, s3;
	s12 =	sadd.s32 $0x300, s3;
	s6 =	sor.u32 s2, s6  }
0xa: {  	_ =	strace $0x80000047;
	s2 =	ssub.s32 $0x2, s2;
	s7 =	sshll.u32 s6, $0x4  }
0xb: {  	s22 =	sand.u32 $0x7, s6;
	s24 =	sshrl.u32 s2, $0x1;
	s6 =	sand.u32 $0xC00000, s23  }
0xc: {  	s23 =	simm.s32 $0x4;
	s0 =	sadd.s32 s7, s0;
	s9 =	sshll.u32 s22, $0x13  }
0xd: {  	s2 =	ssub.s32 s2, s24;
	s7 =	sshll.u32 s22, $0x9;
	s14 =	sor.u32 $0x8000, s6  }
0xe: {  	s22 =	simm.s32 $0x2;
	s24 =	simm.s32 $0x14080;
	s25 =	sor.u32 s6, s9  }
.Ltmp0:
0xf: {  	v0 =	vlaneseq.u32;
	s0 =	sadd.s32 $0x400, s0;
	s11 =	sor.u32 $0x1, s7;
	(pc) =	sbr.rel .LBB2_1-.Ltmp0, $4  }
0x10: {  	v63 =	vand.u32 $0x7, v0;
	s29 =	smax.u32 s2, $0x1;
	[dreg:$0x5] =	wrdreg s0;
	s26 =	sshrl.u32 s25, $0x3  }
0x11: {  	[tilespmem:$0x1FFF0] =	vst v63;
	s28 =	sor.u32 $0x11, s7;
	[dreg:$0x8] =	wrdreg s29;
	v1 =	vadd.s32 s11, v0;
	s0 =	sadd.s32 s1, s26  }
0x12: {  	v4 =	vshrl.u32 v0, $0x3;
	s9 =	sadd.s32 $0x100, s3;
	v62 =	vadd.s32 s28, v0;
	[tilespmem:$0x1FFD0] =	vst v1;
	[dreg:$0x6] =	wrdreg s0;
	s0 =	sadd.s32 $0x800, s0  }
0x13: {  	vm0 =	vmmov $0xffff;
	v5 =	vor.u32 $0x8, v0;
	v4 =	vmul.u32 $0x8, v4;
	s2 =	simm.s32 $0xE880;
	[tilespmem:$0x1FFE0] =	vst v62;
	[dreg:$0x7] =	wrdreg s0;
	s0 =	simm.s32 $0xF080  }
.LBB2_8:
0x14: {  	s8 =	simm.s32 $0x5  }
0x15: {  	_ =	swait.ge [sflag:s8], $0x4000  }
0x16: {  	[sflag:s8] =	ssyncset.done $0x0  }
0x17: {  	s11 =	simm.s32 $0x6;
	[sflag:s8] =	ssyncadd.s32 $0xFFFFC000  }
0x18: {  	_ =	swait.ge [sflag:s11], $0x4000  }
0x19: {  	s13 =	rddreg [dreg:$0x9]  }
0x1a: {  	s29 =	rddreg [dreg:$0x8];
	s13 =	sadd.s32 $0x1, s13  }
0x1b: {  	p0 =	sne.s32 s13, s29  }
.Ltmp1:
0x1c: {  	_ = 	snop;
	(pc) =	sbr.rel @!p0 .LBB2_9-.Ltmp1, $3  }
0x1d: {  	_ =	sdelay $0x1  }
0x1e: {  	[sflag:s11] =	ssyncset.done $0x0  }
0x1f: {  	[sflag:s11] =	ssyncadd.s32 $0xFFFFC000  }
.LBB2_1:
0x20: {  	[dreg:$0x9] =	wrdreg s13  }
0x21: {  	s8 =	rddreg [dreg:$0x5];
	s15 =	simm.s32 $0x7  }
0x22: {  	[tilespmem:s5], [sflag:$0x7] =	stream.linear.gather [hbm4b:s8+s5], $0x80, $0x38;
	[tilespmem:$0x18080] =	vst v63  }
0x23: {  	_ =	swait.ge [sflag:s15], $0x80  }
0x24: {  	[sflag:s15] =	ssyncset.done $0x0  }
0x25: {  	v0 =	vld [tilespmem:$0x1FFD0];
	[sflag:s15] =	ssyncadd.s32 $0xFFFFFF80  }
0x26: {  	v6 =	vld [tilespmem:$0x0];
	_ =	sdelay $0x4  }
0x27: {  	v7 =	vsub.s32 v0, v6  }
0x28: {  	v1 =	vld [tilespmem:$0x1FFF0];
	vm1 =	vgt.s32 v7, $0x0  }
0x29: {  	v7 =	vnsel vm1, $0x0, v7  }
0x2a: {  	v8 =	vshll.u32 v7, $0x3  }
0x2b: {  	v7 =	vand.u32 $0x7, v7;
	v8 =	vand.u32 $0xFFFFFFC0, v8  }
0x2c: {  	v7 =	vor.u32 v7, v8  }
0x2d: {  	v8 =	vperm.xlane v7, v1;
	_ =	sdelay $0x1  }
0x2e: {  	v8 =	vadd.s32 v4, v8;
	_ =	sdelay $0x3  }
0x2f: {  	s16 =	simm.s32 $0x8080  }
0x30: {  	v62 =	vld [tilespmem:$0x1FFE0];
	[tilespmem:s16], [sflag:$0x3] =	stream.indirect_vreg.gather [hbm4b:s3+s5], $0x80, v8, vm0, $0xb8  }
0x31: {  	s25 =	simm.s32 $0x8880;
	v7 =	vperm.xlane v7, v5  }
0x32: {  	[tilespmem:s25], [sflag:$0x3] =	stream.indirect_vreg.gather [hbm4b:s9+s5], $0x80, v8, vm0, $0xb8;
	[tilespmem:$0x18080] =	vst v63  }
0x33: {  	s26 =	simm.s32 $0x9080;
	v7 =	vadd.s32 v4, v7  }
0x34: {  	[tilespmem:s26], [sflag:$0x3] =	stream.indirect_vreg.gather [hbm4b:s10+s5], $0x80, v8, vm0, $0xb8;
	[tilespmem:$0x18080] =	vst v63  }
0x35: {  	s28 =	simm.s32 $0x9880;
	v9 =	vsub.s32 v62, v6  }
0x36: {  	vm1 =	vgt.s32 v9, $0x0;
	[tilespmem:s28], [sflag:$0x3] =	stream.indirect_vreg.gather [hbm4b:s12+s5], $0x80, v8, vm0, $0xb8;
	[tilespmem:$0x18080] =	vst v63  }
0x37: {  	s29 =	simm.s32 $0xA080;
	v8 =	vnsel vm1, $0x0, v9  }
0x38: {  	v9 =	vshll.u32 v8, $0x3;
	[tilespmem:s29], [sflag:$0x3] =	stream.indirect_vreg.gather [hbm4b:s3+s5], $0x80, v7, vm0, $0xb8;
	[tilespmem:$0x18080] =	vst v63  }
0x39: {  	s11 =	simm.s32 $0xA880;
	v8 =	vand.u32 $0x7, v8;
	v9 =	vand.u32 $0xFFFFFFC0, v9  }
0x3a: {  	v8 =	vor.u32 v8, v9;
	[tilespmem:s11], [sflag:$0x3] =	stream.indirect_vreg.gather [hbm4b:s9+s5], $0x80, v7, vm0, $0xb8;
	[tilespmem:$0x18080] =	vst v63  }
0x3b: {  	s13 =	simm.s32 $0xB080;
	v9 =	vperm.xlane v8, v1  }
0x3c: {  	[tilespmem:s13], [sflag:$0x3] =	stream.indirect_vreg.gather [hbm4b:s10+s5], $0x80, v7, vm0, $0xb8;
	[tilespmem:$0x18080] =	vst v63  }
0x3d: {  	s15 =	simm.s32 $0xB880;
	v9 =	vadd.s32 v4, v9  }
0x3e: {  	[tilespmem:s15], [sflag:$0x3] =	stream.indirect_vreg.gather [hbm4b:s12+s5], $0x80, v7, vm0, $0xb8;
	[tilespmem:$0x18080] =	vst v63  }
0x3f: {  	s16 =	rddreg [dreg:$0x6];
	s11 =	simm.s32 $0x80  }
0x40: {  	[tilespmem:s11], [sflag:$0x1] =	stream.linear.gather [hbm4b:s16+s5], $0x4000, $0x38;
	[tilespmem:$0x18080] =	vst v63  }
0x41: {  	s25 =	simm.s32 $0xC080  }
0x42: {  	[tilespmem:s25], [sflag:$0x4] =	stream.indirect_vreg.gather [hbm4b:s3+s5], $0x80, v9, vm0, $0xb8;
	[tilespmem:$0x18080] =	vst v63  }
0x43: {  	s26 =	simm.s32 $0xC880;
	v7 =	vperm.xlane v8, v5  }
0x44: {  	[tilespmem:s26], [sflag:$0x4] =	stream.indirect_vreg.gather [hbm4b:s9+s5], $0x80, v9, vm0, $0xb8;
	[tilespmem:$0x18080] =	vst v63  }
0x45: {  	s28 =	simm.s32 $0xD080;
	v7 =	vadd.s32 v4, v7  }
0x46: {  	[tilespmem:s28], [sflag:$0x4] =	stream.indirect_vreg.gather [hbm4b:s10+s5], $0x80, v9, vm0, $0xb8;
	[tilespmem:$0x18080] =	vst v63  }
0x47: {  	_ = 	snop  }
0x48: {  	[tilespmem:s30], [sflag:$0x4] =	stream.indirect_vreg.gather [hbm4b:s12+s5], $0x80, v9, vm0, $0xb8;
	[tilespmem:$0x18080] =	vst v63  }
0x49: {  	_ = 	snop  }
0x4a: {  	[tilespmem:s31], [sflag:$0x4] =	stream.indirect_vreg.gather [hbm4b:s3+s5], $0x80, v7, vm0, $0xb8;
	[tilespmem:$0x18080] =	vst v63  }
0x4b: {  	_ = 	snop  }
0x4c: {  	[tilespmem:s2], [sflag:$0x4] =	stream.indirect_vreg.gather [hbm4b:s9+s5], $0x80, v7, vm0, $0xb8;
	[tilespmem:$0x18080] =	vst v63  }
0x4d: {  	_ = 	snop  }
0x4e: {  	[tilespmem:s0], [sflag:$0x4] =	stream.indirect_vreg.gather [hbm4b:s10+s5], $0x80, v7, vm0, $0xb8;
	[tilespmem:$0x18080] =	vst v63  }
0x4f: {  	_ = 	snop  }
0x50: {  	[tilespmem:s17], [sflag:$0x4] =	stream.indirect_vreg.gather [hbm4b:s12+s5], $0x80, v7, vm0, $0xb8;
	[tilespmem:$0x18080] =	vst v63  }
0x51: {  	v63 =	vlaneseq.u32;
	s29 =	rddreg [dreg:$0x7];
	s15 =	simm.s32 $0x0  }
0x52: {  	v6 =	vsub.s32 v63, v6;
	[tilespmem:s18], [sflag:$0x2] =	stream.linear.gather [hbm4b:s29+s5], $0x4000, $0x38;
	[tilespmem:$0x18080] =	vst v63  }
.LBB2_2:
0x53: {  	_ =	swait.ge [sflag:s19], $0x4000  }
0x54: {  	[sflag:s19] =	ssyncset.done $0x0  }
0x55: {  	[sflag:s19] =	ssyncadd.s32 $0xFFFFC000  }
0x56: {  	_ =	swait.ge [sflag:s20], $0x4000  }
0x57: {  	p0 =	seq.s32 s15, $0x0;
	[sflag:s20] =	ssyncset.done $0x0  }
0x58: {  	s8 =	simm.s32 @!p0 $0x5;
	[sflag:s20] =	ssyncadd.s32 $0xFFFFC000  }
0x59: {  	s11 =	sshll.u32 s15, $0x5;
	s16 =	simm.s32 $0x0;
	_ =	swait.ge @!p0 [sflag:s8], $0x4000  }
0x5a: {  	s25 =	simm.s32 $0xFFFFC000;
	s13 =	simm.s32 $0x0;
	[sflag:s8] =	ssyncset.done @!p0 $0x0  }
0x5b: {  	s11 =	sor.u32 s7, s11;
	[sflag:s8] =	ssyncadd.s32 @!p0 $0xFFFFC000;
	s8 =	simm.s32 $0x0  }
.LBB2_3:
0x5c: {  	s26 =	sadd.s32 $0x4000, s25  }
0x5d: {  	s28 =	sand.u32 $0x380, s13;
	s26 =	sand.u32 $0x2000, s26  }
0x5e: {  	s26 =	sor.u32 s28, s26  }
0x5f: {  	v7 =	vld [tilespmem:s26+$0x80]  }
0x60: {  	v8 =	vld [tilespmem:s26+$0x8080]  }
0x61: {  	v9 =	vld [tilespmem:s26+$0x90]  }
0x62: {  	v10 =	vld [tilespmem:s26+$0x8090]  }
0x63: {  	v11 =	vld [tilespmem:s26+$0xA0]  }
0x64: {  	v12 =	vld [tilespmem:s26+$0x80A0]  }
0x65: {  	v13 =	vld [tilespmem:s26+$0xB0]  }
0x66: {  	v14 =	vld [tilespmem:s26+$0x80B0]  }
0x67: {  	v15 =	vld [tilespmem:s26+$0xC0]  }
0x68: {  	v16 =	vld [tilespmem:s26+$0x80C0]  }
0x69: {  	v17 =	vld [tilespmem:s26+$0xD0]  }
0x6a: {  	v18 =	vld [tilespmem:s26+$0x80D0]  }
0x6b: {  	v19 =	vld [tilespmem:s26+$0xE0]  }
0x6c: {  	v20 =	vld [tilespmem:s26+$0x80E0]  }
0x6d: {  	v21 =	vld [tilespmem:s26+$0xF0]  }
0x6e: {  	v22 =	vld [tilespmem:s26+$0x80F0]  }
0x6f: {  	v23 =	vld [tilespmem:s26+$0x480]  }
0x70: {  	v24 =	vld [tilespmem:s26+$0x8480]  }
0x71: {  	v25 =	vld [tilespmem:s26+$0x490]  }
0x72: {  	v26 =	vld [tilespmem:s26+$0x8490]  }
0x73: {  	v27 =	vld [tilespmem:s26+$0x4A0]  }
0x74: {  	v28 =	vld [tilespmem:s26+$0x84A0]  }
0x75: {  	v29 =	vld [tilespmem:s26+$0x4B0]  }
0x76: {  	v30 =	vld [tilespmem:s26+$0x84B0]  }
0x77: {  	v31 =	vld [tilespmem:s26+$0x4C0]  }
0x78: {  	v32 =	vld [tilespmem:s26+$0x84C0]  }
0x79: {  	v33 =	vld [tilespmem:s26+$0x4D0]  }
0x7a: {  	v34 =	vld [tilespmem:s26+$0x84D0]  }
0x7b: {  	v35 =	vld [tilespmem:s26+$0x4E0]  }
0x7c: {  	v36 =	vld [tilespmem:s26+$0x84E0]  }
0x7d: {  	v37 =	vld [tilespmem:s26+$0x4F0]  }
0x7e: {  	v38 =	vld [tilespmem:s26+$0x84F0]  }
0x7f: {  	v39 =	vld [tilespmem:s26+$0x880]  }
0x80: {  	v40 =	vld [tilespmem:s26+$0x8880]  }
0x81: {  	v41 =	vld [tilespmem:s26+$0x890]  }
0x82: {  	v42 =	vld [tilespmem:s26+$0x8890]  }
0x83: {  	v43 =	vld [tilespmem:s26+$0x8A0]  }
0x84: {  	v44 =	vld [tilespmem:s26+$0x88A0]  }
0x85: {  	v45 =	vld [tilespmem:s26+$0x8B0]  }
0x86: {  	v46 =	vld [tilespmem:s26+$0x88B0]  }
0x87: {  	v47 =	vld [tilespmem:s26+$0x8C0]  }
0x88: {  	v48 =	vld [tilespmem:s26+$0x88C0]  }
0x89: {  	v49 =	vld [tilespmem:s26+$0x8D0]  }
0x8a: {  	v50 =	vld [tilespmem:s26+$0x88D0]  }
0x8b: {  	v51 =	vld [tilespmem:s26+$0x8E0]  }
0x8c: {  	v52 =	vld [tilespmem:s26+$0x88E0]  }
0x8d: {  	v53 =	vld [tilespmem:s26+$0x8F0]  }
0x8e: {  	v54 =	vld [tilespmem:s26+$0x88F0]  }
0x8f: {  	v55 =	vld [tilespmem:s26+$0xC80]  }
0x90: {  	v56 =	vld [tilespmem:s26+$0x8C80]  }
0x91: {  	v57 =	vld [tilespmem:s26+$0xC90]  }
0x92: {  	v58 =	vld [tilespmem:s26+$0x8C90]  }
0x93: {  	v59 =	vld [tilespmem:s26+$0xCA0]  }
0x94: {  	v60 =	vld [tilespmem:s26+$0x8CA0]  }
0x95: {  	v61 =	vld [tilespmem:s26+$0xCB0]  }
0x96: {  	v62 =	vld [tilespmem:s26+$0x8CB0]  }
0x97: {  	v63 =	vld [tilespmem:s26+$0xCC0]  }
0x98: {  	v0 =	vld [tilespmem:s26+$0x8CC0]  }
0x99: {  	v1 =	vld [tilespmem:s26+$0xCD0]  }
0x9a: {  	v2 =	vld [tilespmem:s26+$0x8CD0]  }
0x9b: {  	v3 =	vld [tilespmem:s26+$0xCE0]  }
0x9c: {  	v7 =	vadd.f32 v8, v7;
	v8 =	vld [tilespmem:s26+$0x8CE0]  }
0x9d: {  	v9 =	vadd.f32 v10, v9;
	v10 =	vld [tilespmem:s26+$0xCF0]  }
0x9e: {  	v18 =	vadd.f32 v18, v17;
	v17 =	vld [tilespmem:s26+$0x90A0];
	[tilespmem:s26+$0x10080] =	vst v7  }
0x9f: {  	v22 =	vadd.f32 v22, v21;
	v21 =	vld [tilespmem:s26+$0x90C0];
	[tilespmem:s26+$0x10090] =	vst v9  }
0xa0: {  	v26 =	vadd.f32 v26, v25;
	v25 =	vld [tilespmem:s26+$0x90E0];
	[tilespmem:s26+$0x100D0] =	vst v18  }
0xa1: {  	v30 =	vadd.f32 v30, v29;
	v29 =	vld [tilespmem:s26+$0x9480];
	v7 =	vadd.f32 v12, v11;
	[tilespmem:s26+$0x100F0] =	vst v22  }
0xa2: {  	v0 =	vadd.f32 v0, v63;
	v63 =	vld [tilespmem:s26+$0x1890];
	[tilespmem:s26+$0x10490] =	vst v26  }
0xa3: {  	v11 =	vld [tilespmem:s26+$0x8CF0];
	[tilespmem:s26+$0x100A0] =	vst v7;
	v7 =	vadd.f32 v16, v15  }
0xa4: {  	v34 =	vadd.f32 v34, v33;
	v12 =	vld [tilespmem:s26+$0x1080];
	[tilespmem:s26+$0x104B0] =	vst v30  }
0xa5: {  	v9 =	vadd.f32 v14, v13;
	v13 =	vld [tilespmem:s26+$0x9080];
	[tilespmem:s26+$0x100C0] =	vst v7;
	v7 =	vadd.f32 v20, v19  }
0xa6: {  	v14 =	vld [tilespmem:s26+$0x1090];
	[tilespmem:s26+$0x104D0] =	vst v34  }
0xa7: {  	[tilespmem:s26+$0x100E0] =	vst v7;
	v7 =	vadd.f32 v24, v23;
	v24 =	vld [tilespmem:s26+$0x10E0]  }
0xa8: {  	v1 =	vadd.f32 v2, v1;
	v18 =	vld [tilespmem:s26+$0x10B0];
	[tilespmem:s26+$0x10CC0] =	vst v0  }
0xa9: {  	v22 =	vld [tilespmem:s26+$0x10D0];
	[tilespmem:s26+$0x10480] =	vst v7;
	v7 =	vadd.f32 v28, v27  }
0xaa: {  	v26 =	vld [tilespmem:s26+$0x10F0];
	[tilespmem:s26+$0x10CD0] =	vst v1  }
0xab: {  	v30 =	vld [tilespmem:s26+$0x1490];
	[tilespmem:s26+$0x104A0] =	vst v7;
	v7 =	vadd.f32 v32, v31  }
0xac: {  	[tilespmem:s26+$0x100B0] =	vst v9;
	v15 =	vld [tilespmem:s26+$0x9090];
	v24 =	vadd.f32 v25, v24  }
0xad: {  	v16 =	vld [tilespmem:s26+$0x10A0];
	[tilespmem:s26+$0x104C0] =	vst v7;
	v7 =	vadd.f32 v36, v35  }
0xae: {  	v27 =	vld [tilespmem:s26+$0x90F0];
	v36 =	vadd.f32 v38, v37;
	[tilespmem:s26+$0x110E0] =	vst v24  }
0xaf: {  	v28 =	vld [tilespmem:s26+$0x1480];
	v37 =	vadd.f32 v42, v41;
	[tilespmem:s26+$0x104E0] =	vst v7  }
0xb0: {  	v19 =	vld [tilespmem:s26+$0x90B0];
	v38 =	vadd.f32 v46, v45;
	[tilespmem:s26+$0x104F0] =	vst v36  }
0xb1: {  	v20 =	vld [tilespmem:s26+$0x10C0];
	v41 =	vadd.f32 v54, v53;
	[tilespmem:s26+$0x10890] =	vst v37  }
0xb2: {  	v23 =	vld [tilespmem:s26+$0x90D0];
	v54 =	vadd.f32 v15, v14;
	[tilespmem:s26+$0x108B0] =	vst v38  }
0xb3: {  	v31 =	vld [tilespmem:s26+$0x18B0];
	v26 =	vadd.f32 v27, v26;
	[tilespmem:s26+$0x108F0] =	vst v41  }
0xb4: {  	v42 =	vld [tilespmem:s26+$0x14A0];
	v28 =	vadd.f32 v29, v28;
	[tilespmem:s26+$0x11090] =	vst v54  }
0xb5: {  	v45 =	vld [tilespmem:s26+$0x14B0];
	v7 =	vadd.f32 v40, v39;
	[tilespmem:s26+$0x110F0] =	vst v26  }
0xb6: {  	v46 =	vld [tilespmem:s26+$0x94B0];
	v39 =	vadd.f32 v50, v49;
	[tilespmem:s26+$0x11480] =	vst v28  }
0xb7: {  	v53 =	vld [tilespmem:s26+$0x94E0];
	v50 =	vadd.f32 v8, v3;
	[tilespmem:s26+$0x10880] =	vst v7  }
0xb8: {  	v27 =	vld [tilespmem:s26+$0x18A0];
	v7 =	vadd.f32 v44, v43;
	[tilespmem:s26+$0x108D0] =	vst v39  }
0xb9: {  	v29 =	vld [tilespmem:s26+$0x98A0];
	v44 =	vadd.f32 v58, v57;
	[tilespmem:s26+$0x10CE0] =	vst v50  }
0xba: {  	v40 =	vld [tilespmem:s26+$0x9490];
	v58 =	vadd.f32 v19, v18;
	[tilespmem:s26+$0x108A0] =	vst v7  }
0xbb: {  	v49 =	vld [tilespmem:s26+$0x14D0];
	v39 =	vadd.f32 v46, v45;
	[tilespmem:s26+$0x10C90] =	vst v44  }
0xbc: {  	v8 =	vld [tilespmem:s26+$0x14E0];
	v7 =	vadd.f32 v48, v47;
	[tilespmem:s26+$0x110B0] =	vst v58  }
0xbd: {  	v3 =	vld [tilespmem:s26+$0x94D0];
	v47 =	vadd.f32 v62, v61;
	[tilespmem:s26+$0x114B0] =	vst v39  }
0xbe: {  	v38 =	vld [tilespmem:s26+$0x98B0];
	v62 =	vadd.f32 v23, v22;
	[tilespmem:s26+$0x108C0] =	vst v7  }
0xbf: {  	v43 =	vld [tilespmem:s26+$0x94A0];
	v50 =	vadd.f32 v29, v27;
	[tilespmem:s26+$0x10CB0] =	vst v47  }
0xc0: {  	v57 =	vld [tilespmem:s26+$0x94F0];
	v30 =	vadd.f32 v40, v30;
	[tilespmem:s26+$0x110D0] =	vst v62  }
0xc1: {  	v48 =	vld [tilespmem:s26+$0x14C0];
	v44 =	vadd.f32 v53, v8;
	[tilespmem:s26+$0x118A0] =	vst v50  }
0xc2: {  	v61 =	vld [tilespmem:s26+$0x9880];
	v7 =	vadd.f32 v52, v51;
	[tilespmem:s26+$0x11490] =	vst v30  }
0xc3: {  	v8 =	vld [tilespmem:s26+$0x18E0];
	v51 =	vadd.f32 v11, v10;
	[tilespmem:s26+$0x114E0] =	vst v44  }
0xc4: {  	v52 =	vadd.f32 v13, v12;
	v47 =	vld [tilespmem:s26+$0x98E0];
	[tilespmem:s26+$0x108E0] =	vst v7  }
0xc5: {  	v37 =	vadd.f32 v43, v42;
	v43 =	vld [tilespmem:s26+$0x18D0];
	v7 =	vadd.f32 v56, v55;
	[tilespmem:s26+$0x10CF0] =	vst v51  }
0xc6: {  	v42 =	vadd.f32 v3, v49;
	v3 =	vld [tilespmem:s26+$0x98D0];
	[tilespmem:s26+$0x11080] =	vst v52  }
0xc7: {  	v49 =	vld [tilespmem:s26+$0x18F0];
	[tilespmem:s26+$0x10C80] =	vst v7;
	v7 =	vadd.f32 v60, v59  }
0xc8: {  	v55 =	vld [tilespmem:s26+$0x14F0];
	[tilespmem:s26+$0x114A0] =	vst v37  }
0xc9: {  	v56 =	vadd.f32 v17, v16;
	[tilespmem:s26+$0x10CA0] =	vst v7;
	v7 =	vld [tilespmem:s26+$0x94C0]  }
0xca: {  	v51 =	vld [tilespmem:s26+$0x98F0];
	v52 =	vadd.f32 v38, v31;
	[tilespmem:s26+$0x114D0] =	vst v42  }
0xcb: {  	v59 =	vld [tilespmem:s26+$0x1880];
	[tilespmem:s26+$0x110A0] =	vst v56;
	v60 =	vadd.f32 v21, v20  }
0xcc: {  	v25 =	vld [tilespmem:s26+$0x9890];
	[tilespmem:s26+$0x118B0] =	vst v52;
	v54 =	vadd.f32 v3, v43  }
0xcd: {  	v40 =	vld [tilespmem:s26+$0x18C0];
	[tilespmem:s26+$0x110C0] =	vst v60;
	v45 =	vadd.f32 v57, v55  }
0xce: {  	v55 =	vadd.f32 v47, v8;
	[tilespmem:s26+$0x118D0] =	vst v54;
	v41 =	vadd.f32 v7, v48;
	v7 =	vld [tilespmem:s26+$0x98C0]  }
0xcf: {  	v56 =	vadd.f32 v51, v49;
	[tilespmem:s26+$0x114F0] =	vst v45  }
0xd0: {  	v46 =	vadd.f32 v61, v59;
	[tilespmem:s26+$0x118E0] =	vst v55  }
0xd1: {  	[tilespmem:s26+$0x118F0] =	vst v56  }
0xd2: {  	s29 =	sand.u32 $0x7, s16;
	v48 =	vadd.f32 v25, v63;
	[tilespmem:s26+$0x11880] =	vst v46  }
0xd3: {  	s28 =	sshll.u32 s29, $0x7;
	[tilespmem:s26+$0x114C0] =	vst v41;
	v53 =	vadd.f32 v7, v40  }
0xd4: {  	s28 =	sadd.s32 s28, s8;
	[tilespmem:s26+$0x11890] =	vst v48  }
0xd5: {  	s29 =	sor.u32 $0x1C00, s28;
	[tilespmem:s26+$0x118C0] =	vst v53  }
0xd6: {  	v0 =	vld [tilespmem:s29+$0x80]  }
0xd7: {  	v1 =	vld [tilespmem:s29+$0x8080];
	_ =	sdelay $0x4  }
0xd8: {  	v0 =	vadd.f32 v1, v0;
	_ =	sdelay $0x1  }
0xd9: {  	[tilespmem:s29+$0x10080] =	vst v0;
	s29 =	sor.u32 $0x1C10, s28  }
0xda: {  	v0 =	vld [tilespmem:s29+$0x80]  }
0xdb: {  	v57 =	vld [tilespmem:s29+$0x8080];
	_ =	sdelay $0x4  }
0xdc: {  	v0 =	vadd.f32 v57, v0;
	_ =	sdelay $0x1  }
0xdd: {  	[tilespmem:s29+$0x10080] =	vst v0;
	s29 =	sor.u32 $0x1C20, s28  }
0xde: {  	v0 =	vld [tilespmem:s29+$0x80]  }
0xdf: {  	v58 =	vld [tilespmem:s29+$0x8080];
	_ =	sdelay $0x4  }
0xe0: {  	v0 =	vadd.f32 v58, v0;
	_ =	sdelay $0x1  }
0xe1: {  	[tilespmem:s29+$0x10080] =	vst v0;
	s29 =	sor.u32 $0x1C30, s28  }
0xe2: {  	v0 =	vld [tilespmem:s29+$0x80]  }
0xe3: {  	v59 =	vld [tilespmem:s29+$0x8080];
	_ =	sdelay $0x4  }
0xe4: {  	v0 =	vadd.f32 v59, v0;
	_ =	sdelay $0x1  }
0xe5: {  	[tilespmem:s29+$0x10080] =	vst v0;
	s29 =	sor.u32 $0x1C40, s28  }
0xe6: {  	v0 =	vld [tilespmem:s29+$0x80]  }
0xe7: {  	v60 =	vld [tilespmem:s29+$0x8080];
	_ =	sdelay $0x4  }
0xe8: {  	v0 =	vadd.f32 v60, v0;
	_ =	sdelay $0x1  }
0xe9: {  	[tilespmem:s29+$0x10080] =	vst v0;
	s29 =	sor.u32 $0x1C50, s28  }
0xea: {  	v0 =	vld [tilespmem:s29+$0x80]  }
0xeb: {  	v61 =	vld [tilespmem:s29+$0x8080];
	_ =	sdelay $0x4  }
0xec: {  	v0 =	vadd.f32 v61, v0;
	_ =	sdelay $0x1  }
0xed: {  	[tilespmem:s29+$0x10080] =	vst v0;
	s29 =	sor.u32 $0x1C60, s28  }
0xee: {  	v0 =	vld [tilespmem:s29+$0x80]  }
0xef: {  	v62 =	vld [tilespmem:s29+$0x8080];
	_ =	sdelay $0x4  }
0xf0: {  	v0 =	vadd.f32 v62, v0;
	_ =	sdelay $0x1  }
0xf1: {  	[tilespmem:s29+$0x10080] =	vst v0;
	s29 =	sor.u32 $0x1C70, s28  }
0xf2: {  	v0 =	vld [tilespmem:s29+$0x80]  }
0xf3: {  	v63 =	vld [tilespmem:s29+$0x8080];
	_ =	sdelay $0x1  }
0xf4: {  	p1 =	sne.s32 s13, $0x780  }
.Ltmp2:
0xf5: {  	_ = 	snop;
	(pc) =	sbr.rel @p1 .LBB2_3-.Ltmp2, $4  }
0xf6: {  	_ = 	snop  }
0xf7: {  	v0 =	vadd.f32 v63, v0  }
0xf8: {  	s16 =	sadd.s32 $0x1, s16  }
0xf9: {  	s25 =	sadd.s32 $0x400, s25;
	s13 =	sadd.s32 $0x80, s13;
	s8 =	sadd.s32 $0x400, s8;
	[tilespmem:s29+$0x10080] =	vst v0  }
0xfa: {  	p1 =	seq.s32 s15, $0xF  }
0xfb: {  	s8 =	sadd.s32 @!p1 $0x21, s11  }
0xfc: {  	v0 =	vadd.s32 @!p1 s8, v6  }
0xfd: {  	vm1 =	vgt.s32 @!p1 v0, $0x0  }
0xfe: {  	v0 =	vnsel @!p1 vm1, $0x0, v0  }
0xff: {  	v1 =	vshll.u32 @!p1 v0, $0x3  }
0x100: {  	v2 =	vlaneseq.u32 @!p1;
	v0 =	vand.u32 @!p1 $0x7, v0;
	v1 =	vand.u32 @!p1 $0xFFFFFFC0, v1  }
0x101: {  	v3 =	vshrl.u32 @!p1 v2, $0x3;
	v0 =	vor.u32 @!p1 v0, v1;
	v1 =	vand.u32 @!p1 $0x7, v2  }
0x102: {  	v3 =	vmul.u32 @!p1 $0x8, v3;
	v1 =	vperm.xlane @!p1 v0, v1  }
0x103: {  	s16 =	sshll.u32 s11, $0xA  }
0x104: {  	s29 =	sor.u32 s6, s16;
	v1 =	vadd.s32 @!p1 v3, v1  }
0x105: {  	s8 =	sshrl.u32 s29, $0x3  }
0x106: {  	s8 =	sadd.s32 s4, s8  }
0x107: {  	[hbm4b:s8+s5] =	stream.linear.scatter [tilespmem:s21], [sflag:$0x5], $0x4000, $0x38;
	[tilespmem:$0x18080] =	vst v63  }
0x108: {  	s13 =	simm.s32 @!p1 $0x8080;
	vm1 =	vmmov @!p1 $0xffff;
	s8 =	simm.s32 @!p1 $0x0  }
0x109: {  	v2 =	vor.u32 @!p1 $0x8, v2;
	[tilespmem:s13], [sflag:$0x3] =	stream.indirect_vreg.gather @!p1 [hbm4b:s3+s8], $0x80, v1, vm1, $0xb8;
	[tilespmem:$0x18080] =	vst v63  }
0x10a: {  	v0 =	vperm.xlane @!p1 v0, v2;
	s13 =	simm.s32 @!p1 $0x8880  }
0x10b: {  	[tilespmem:s13], [sflag:$0x3] =	stream.indirect_vreg.gather @!p1 [hbm4b:s9+s8], $0x80, v1, vm1, $0xb8;
	[tilespmem:$0x18080] =	vst v63  }
0x10c: {  	v0 =	vadd.s32 @!p1 v3, v0;
	s13 =	simm.s32 @!p1 $0x9080  }
0x10d: {  	[tilespmem:s13], [sflag:$0x3] =	stream.indirect_vreg.gather @!p1 [hbm4b:s10+s8], $0x80, v1, vm1, $0xb8;
	[tilespmem:$0x18080] =	vst v63  }
0x10e: {  	s13 =	simm.s32 @!p1 $0x9880  }
0x10f: {  	[tilespmem:s13], [sflag:$0x3] =	stream.indirect_vreg.gather @!p1 [hbm4b:s12+s8], $0x80, v1, vm1, $0xb8;
	[tilespmem:$0x18080] =	vst v63  }
0x110: {  	s13 =	simm.s32 @!p1 $0xA080  }
0x111: {  	[tilespmem:s13], [sflag:$0x3] =	stream.indirect_vreg.gather @!p1 [hbm4b:s3+s8], $0x80, v0, vm1, $0xb8;
	[tilespmem:$0x18080] =	vst v63  }
0x112: {  	s13 =	simm.s32 @!p1 $0xA880  }
0x113: {  	[tilespmem:s13], [sflag:$0x3] =	stream.indirect_vreg.gather @!p1 [hbm4b:s9+s8], $0x80, v0, vm1, $0xb8;
	[tilespmem:$0x18080] =	vst v63  }
0x114: {  	s13 =	simm.s32 @!p1 $0xB080  }
0x115: {  	[tilespmem:s13], [sflag:$0x3] =	stream.indirect_vreg.gather @!p1 [hbm4b:s10+s8], $0x80, v0, vm1, $0xb8;
	[tilespmem:$0x18080] =	vst v63  }
0x116: {  	s13 =	simm.s32 @!p1 $0xB880  }
0x117: {  	[tilespmem:s13], [sflag:$0x3] =	stream.indirect_vreg.gather @!p1 [hbm4b:s12+s8], $0x80, v0, vm1, $0xb8;
	[tilespmem:$0x18080] =	vst v63  }
0x118: {  	s13 =	sadd.s32 @!p1 s16, s14  }
0x119: {  	s13 =	sshrl.u32 @!p1 s13, $0x3  }
0x11a: {  	s25 =	simm.s32 @!p1 $0x80;
	s13 =	sadd.s32 @!p1 s1, s13  }
0x11b: {  	[tilespmem:s25], [sflag:$0x1] =	stream.linear.gather @!p1 [hbm4b:s13+s8], $0x4000, $0x38;
	[tilespmem:$0x18080] =	vst v63  }
0x11c: {  	_ =	swait.ge [sflag:s22], $0x4000  }
0x11d: {  	[sflag:s22] =	ssyncset.done $0x0  }
0x11e: {  	[sflag:s22] =	ssyncadd.s32 $0xFFFFC000  }
0x11f: {  	_ =	swait.ge [sflag:s23], $0x4000  }
0x120: {  	[sflag:s23] =	ssyncset.done $0x0  }
0x121: {  	s8 =	simm.s32 @!p0 $0x6;
	[sflag:s23] =	ssyncadd.s32 $0xFFFFC000  }
0x122: {  	_ =	swait.ge @!p0 [sflag:s8], $0x4000  }
0x123: {  	s26 =	simm.s32 $0x0;
	s25 =	simm.s32 $0x0;
	[sflag:s8] =	ssyncset.done @!p0 $0x0  }
0x124: {  	s13 =	simm.s32 $0x0;
	[sflag:s8] =	ssyncadd.s32 @!p0 $0xFFFFC000;
	s8 =	simm.s32 $0xFFFFC000  }
.LBB2_5:
0x125: {  	s28 =	sadd.s32 $0x4000, s8  }
0x126: {  	s29 =	sand.u32 $0x380, s26;
	s28 =	sand.u32 $0x2000, s28  }
0x127: {  	s28 =	sor.u32 s29, s28  }
0x128: {  	v0 =	vld [tilespmem:s28+$0x4080]  }
0x129: {  	v1 =	vld [tilespmem:s28+$0xC080]  }
0x12a: {  	v2 =	vld [tilespmem:s28+$0x4090]  }
0x12b: {  	v3 =	vld [tilespmem:s28+$0xC090]  }
0x12c: {  	v7 =	vld [tilespmem:s28+$0x40A0]  }
0x12d: {  	v8 =	vld [tilespmem:s28+$0xC0A0]  }
0x12e: {  	v9 =	vld [tilespmem:s28+$0x40B0]  }
0x12f: {  	v10 =	vld [tilespmem:s28+$0xC0B0]  }
0x130: {  	v11 =	vld [tilespmem:s28+$0x40C0]  }
0x131: {  	v12 =	vld [tilespmem:s28+$0xC0C0]  }
0x132: {  	v13 =	vld [tilespmem:s28+$0x40D0]  }
0x133: {  	v14 =	vld [tilespmem:s28+$0xC0D0]  }
0x134: {  	v15 =	vld [tilespmem:s28+$0x40E0]  }
0x135: {  	v16 =	vld [tilespmem:s28+$0xC0E0]  }
0x136: {  	v17 =	vld [tilespmem:s28+$0x40F0]  }
0x137: {  	v18 =	vld [tilespmem:s28+$0xC0F0]  }
0x138: {  	v19 =	vld [tilespmem:s28+$0x4480]  }
0x139: {  	v20 =	vld [tilespmem:s28+$0xC480]  }
0x13a: {  	v21 =	vld [tilespmem:s28+$0x4490]  }
0x13b: {  	v22 =	vld [tilespmem:s28+$0xC490]  }
0x13c: {  	v23 =	vld [tilespmem:s28+$0x44A0]  }
0x13d: {  	v24 =	vld [tilespmem:s28+$0xC4A0]  }
0x13e: {  	v25 =	vld [tilespmem:s28+$0x44B0]  }
0x13f: {  	v26 =	vld [tilespmem:s28+$0xC4B0]  }
0x140: {  	v27 =	vld [tilespmem:s28+$0x44C0]  }
0x141: {  	v28 =	vld [tilespmem:s28+$0xC4C0]  }
0x142: {  	v29 =	vld [tilespmem:s28+$0x44D0]  }
0x143: {  	v30 =	vld [tilespmem:s28+$0xC4D0]  }
0x144: {  	v31 =	vld [tilespmem:s28+$0x44E0]  }
0x145: {  	v32 =	vld [tilespmem:s28+$0xC4E0]  }
0x146: {  	v33 =	vld [tilespmem:s28+$0x44F0]  }
0x147: {  	v34 =	vld [tilespmem:s28+$0xC4F0]  }
0x148: {  	v35 =	vld [tilespmem:s28+$0x4880]  }
0x149: {  	v36 =	vld [tilespmem:s28+$0xC880]  }
0x14a: {  	v37 =	vld [tilespmem:s28+$0x4890]  }
0x14b: {  	v38 =	vld [tilespmem:s28+$0xC890]  }
0x14c: {  	v39 =	vld [tilespmem:s28+$0x48A0]  }
0x14d: {  	v40 =	vld [tilespmem:s28+$0xC8A0]  }
0x14e: {  	v41 =	vld [tilespmem:s28+$0x48B0]  }
0x14f: {  	v42 =	vld [tilespmem:s28+$0xC8B0]  }
0x150: {  	v43 =	vld [tilespmem:s28+$0x48C0]  }
0x151: {  	v44 =	vld [tilespmem:s28+$0xC8C0]  }
0x152: {  	v45 =	vld [tilespmem:s28+$0x48D0]  }
0x153: {  	v46 =	vld [tilespmem:s28+$0xC8D0]  }
0x154: {  	v47 =	vld [tilespmem:s28+$0x48E0]  }
0x155: {  	v48 =	vld [tilespmem:s28+$0xC8E0]  }
0x156: {  	v49 =	vld [tilespmem:s28+$0x48F0]  }
0x157: {  	v50 =	vld [tilespmem:s28+$0xC8F0]  }
0x158: {  	v51 =	vld [tilespmem:s28+$0x4C80]  }
0x159: {  	v52 =	vld [tilespmem:s28+$0xCC80]  }
0x15a: {  	v53 =	vld [tilespmem:s28+$0x4C90]  }
0x15b: {  	v54 =	vld [tilespmem:s28+$0xCC90]  }
0x15c: {  	v55 =	vld [tilespmem:s28+$0x4CA0]  }
0x15d: {  	v56 =	vld [tilespmem:s28+$0xCCA0]  }
0x15e: {  	v57 =	vld [tilespmem:s28+$0x4CB0]  }
0x15f: {  	v58 =	vld [tilespmem:s28+$0xCCB0]  }
0x160: {  	v59 =	vld [tilespmem:s28+$0x4CC0]  }
0x161: {  	v60 =	vld [tilespmem:s28+$0xCCC0]  }
0x162: {  	v61 =	vld [tilespmem:s28+$0x4CD0]  }
0x163: {  	v62 =	vld [tilespmem:s28+$0xCCD0]  }
0x164: {  	v63 =	vld [tilespmem:s28+$0x4CE0]  }
0x165: {  	v0 =	vadd.f32 v1, v0;
	v1 =	vld [tilespmem:s28+$0xCCE0]  }
0x166: {  	v2 =	vadd.f32 v3, v2;
	v3 =	vld [tilespmem:s28+$0x4CF0]  }
0x167: {  	v12 =	vadd.f32 v12, v11;
	v11 =	vld [tilespmem:s28+$0xD090];
	[tilespmem:s28+$0x14080] =	vst v0  }
0x168: {  	v14 =	vadd.f32 v14, v13;
	v13 =	vld [tilespmem:s28+$0xD0A0];
	[tilespmem:s28+$0x14090] =	vst v2  }
0x169: {  	v16 =	vadd.f32 v16, v15;
	v15 =	vld [tilespmem:s28+$0xD0B0];
	[tilespmem:s28+$0x140C0] =	vst v12  }
0x16a: {  	v18 =	vadd.f32 v18, v17;
	v17 =	vld [tilespmem:s28+$0xD0C0];
	[tilespmem:s28+$0x140D0] =	vst v14  }
0x16b: {  	v20 =	vadd.f32 v20, v19;
	v22 =	vadd.f32 v22, v21;
	v19 =	vld [tilespmem:s28+$0xD0D0];
	[tilespmem:s28+$0x140E0] =	vst v16  }
0x16c: {  	v23 =	vadd.f32 v24, v23;
	v24 =	vadd.f32 v26, v25;
	v21 =	vld [tilespmem:s28+$0xD0E0];
	[tilespmem:s28+$0x140F0] =	vst v18  }
0x16d: {  	v26 =	vadd.f32 v30, v29;
	v29 =	vadd.f32 v36, v35;
	v36 =	vld [tilespmem:s28+$0xD490];
	[tilespmem:s28+$0x14480] =	vst v20  }
0x16e: {  	v25 =	vadd.f32 v28, v27;
	v30 =	vadd.f32 v38, v37;
	v38 =	vld [tilespmem:s28+$0x54A0];
	[tilespmem:s28+$0x14490] =	vst v22  }
0x16f: {  	v27 =	vadd.f32 v32, v31;
	v31 =	vadd.f32 v40, v39;
	v40 =	vld [tilespmem:s28+$0xD4A0];
	[tilespmem:s28+$0x144A0] =	vst v23  }
0x170: {  	v32 =	vadd.f32 v42, v41;
	v42 =	vld [tilespmem:s28+$0x54B0];
	[tilespmem:s28+$0x144B0] =	vst v24  }
0x171: {  	v28 =	vadd.f32 v34, v33;
	v33 =	vadd.f32 v44, v43;
	v44 =	vld [tilespmem:s28+$0xD4B0];
	[tilespmem:s28+$0x144C0] =	vst v25  }
0x172: {  	v34 =	vadd.f32 v46, v45;
	v46 =	vld [tilespmem:s28+$0x54C0];
	[tilespmem:s28+$0x144D0] =	vst v26  }
0x173: {  	v35 =	vadd.f32 v48, v47;
	v48 =	vld [tilespmem:s28+$0xD4C0];
	[tilespmem:s28+$0x144E0] =	vst v27  }
0x174: {  	v37 =	vadd.f32 v50, v49;
	v50 =	vld [tilespmem:s28+$0x54D0];
	[tilespmem:s28+$0x144F0] =	vst v28  }
0x175: {  	v39 =	vadd.f32 v52, v51;
	v52 =	vld [tilespmem:s28+$0xD4D0];
	[tilespmem:s28+$0x14880] =	vst v29  }
0x176: {  	v45 =	vadd.f32 v58, v57;
	v57 =	vld [tilespmem:s28+$0xD4F0];
	[tilespmem:s28+$0x14890] =	vst v30  }
0x177: {  	v47 =	vadd.f32 v60, v59;
	v59 =	vld [tilespmem:s28+$0x5880];
	[tilespmem:s28+$0x148A0] =	vst v31  }
0x178: {  	v49 =	vadd.f32 v62, v61;
	v61 =	vld [tilespmem:s28+$0xD880];
	[tilespmem:s28+$0x148B0] =	vst v32  }
0x179: {  	v0 =	vadd.f32 v8, v7;
	v7 =	vld [tilespmem:s28+$0xCCF0];
	[tilespmem:s28+$0x148C0] =	vst v33  }
0x17a: {  	v8 =	vld [tilespmem:s28+$0x5080];
	[tilespmem:s28+$0x148D0] =	vst v34  }
0x17b: {  	v2 =	vadd.f32 v10, v9;
	v9 =	vld [tilespmem:s28+$0xD080];
	[tilespmem:s28+$0x148E0] =	vst v35  }
0x17c: {  	v41 =	vadd.f32 v54, v53;
	v10 =	vld [tilespmem:s28+$0x5090];
	[tilespmem:s28+$0x148F0] =	vst v37  }
0x17d: {  	v43 =	vadd.f32 v56, v55;
	v12 =	vld [tilespmem:s28+$0x50A0];
	[tilespmem:s28+$0x14C80] =	vst v39  }
0x17e: {  	v14 =	vld [tilespmem:s28+$0x50B0];
	[tilespmem:s28+$0x14C90] =	vst v41  }
0x17f: {  	v16 =	vld [tilespmem:s28+$0x50C0];
	[tilespmem:s28+$0x14CA0] =	vst v43  }
0x180: {  	v18 =	vld [tilespmem:s28+$0x50D0];
	[tilespmem:s28+$0x14CB0] =	vst v45  }
0x181: {  	v20 =	vld [tilespmem:s28+$0x50E0];
	[tilespmem:s28+$0x14CC0] =	vst v47  }
0x182: {  	v22 =	vld [tilespmem:s28+$0x50F0];
	[tilespmem:s28+$0x14CD0] =	vst v49  }
0x183: {  	v23 =	vld [tilespmem:s28+$0xD0F0];
	[tilespmem:s28+$0x140A0] =	vst v0;
	v51 =	vadd.f32 v1, v63  }
0x184: {  	v24 =	vld [tilespmem:s28+$0x5480];
	[tilespmem:s28+$0x140B0] =	vst v2;
	v38 =	vadd.f32 v40, v38  }
0x185: {  	v25 =	vld [tilespmem:s28+$0xD480];
	v40 =	vadd.f32 v44, v42;
	[tilespmem:s28+$0x14CE0] =	vst v51  }
0x186: {  	v26 =	vld [tilespmem:s28+$0x5490];
	v42 =	vadd.f32 v48, v46;
	[tilespmem:s28+$0x154A0] =	vst v38  }
0x187: {  	v35 =	vld [tilespmem:s28+$0xD8A0];
	v1 =	vadd.f32 v52, v50;
	[tilespmem:s28+$0x154B0] =	vst v40  }
0x188: {  	v37 =	vld [tilespmem:s28+$0x58B0];
	v47 =	vadd.f32 v61, v59;
	[tilespmem:s28+$0x154C0] =	vst v42  }
0x189: {  	v39 =	vld [tilespmem:s28+$0xD8B0];
	v53 =	vadd.f32 v7, v3;
	[tilespmem:s28+$0x154D0] =	vst v1  }
0x18a: {  	v41 =	vld [tilespmem:s28+$0x58C0];
	v54 =	vadd.f32 v9, v8;
	[tilespmem:s28+$0x15880] =	vst v47  }
0x18b: {  	v43 =	vld [tilespmem:s28+$0xD8C0];
	v55 =	vadd.f32 v11, v10;
	[tilespmem:s28+$0x14CF0] =	vst v53  }
0x18c: {  	v49 =	vld [tilespmem:s28+$0x58F0];
	v56 =	vadd.f32 v13, v12;
	[tilespmem:s28+$0x15080] =	vst v54  }
0x18d: {  	v63 =	vld [tilespmem:s28+$0x5890];
	v58 =	vadd.f32 v15, v14;
	[tilespmem:s28+$0x15090] =	vst v55  }
0x18e: {  	v44 =	vld [tilespmem:s28+$0x58D0];
	v60 =	vadd.f32 v17, v16;
	[tilespmem:s28+$0x150A0] =	vst v56  }
0x18f: {  	v3 =	vld [tilespmem:s28+$0x54E0];
	v62 =	vadd.f32 v19, v18;
	[tilespmem:s28+$0x150B0] =	vst v58  }
0x190: {  	v7 =	vld [tilespmem:s28+$0xD4E0];
	v20 =	vadd.f32 v21, v20;
	[tilespmem:s28+$0x150C0] =	vst v60  }
0x191: {  	v8 =	vld [tilespmem:s28+$0x54F0];
	v22 =	vadd.f32 v23, v22;
	[tilespmem:s28+$0x150D0] =	vst v62  }
0x192: {  	v21 =	vld [tilespmem:s28+$0xD890];
	v25 =	vadd.f32 v25, v24;
	[tilespmem:s28+$0x150E0] =	vst v20  }
0x193: {  	v23 =	vld [tilespmem:s28+$0x58A0];
	v36 =	vadd.f32 v36, v26;
	[tilespmem:s28+$0x150F0] =	vst v22  }
0x194: {  	v51 =	vld [tilespmem:s28+$0xD8F0];
	v52 =	vadd.f32 v39, v37;
	[tilespmem:s28+$0x15480] =	vst v25  }
0x195: {  	[tilespmem:s28+$0x15490] =	vst v36;
	v53 =	vadd.f32 v43, v41;
	v45 =	vadd.f32 v7, v3;
	v3 =	vld [tilespmem:s28+$0xD8D0]  }
0x196: {  	[tilespmem:s28+$0x158B0] =	vst v52;
	v7 =	vld [tilespmem:s28+$0x58E0]  }
0x197: {  	[tilespmem:s28+$0x158C0] =	vst v53;
	v46 =	vadd.f32 v57, v8;
	v8 =	vld [tilespmem:s28+$0xD8E0]  }
0x198: {  	v48 =	vadd.f32 v21, v63;
	[tilespmem:s28+$0x154E0] =	vst v45  }
0x199: {  	v50 =	vadd.f32 v35, v23;
	[tilespmem:s28+$0x154F0] =	vst v46  }
0x19a: {  	v56 =	vadd.f32 v51, v49;
	[tilespmem:s28+$0x15890] =	vst v48  }
0x19b: {  	s29 =	sand.u32 $0x7, s25;
	[tilespmem:s28+$0x158A0] =	vst v50;
	v54 =	vadd.f32 v3, v44  }
0x19c: {  	s29 =	sshll.u32 s29, $0x7;
	[tilespmem:s28+$0x158F0] =	vst v56;
	v55 =	vadd.f32 v8, v7  }
0x19d: {  	s29 =	sadd.s32 s29, s13;
	[tilespmem:s28+$0x158D0] =	vst v54  }
0x19e: {  	[tilespmem:s28+$0x158E0] =	vst v55;
	s28 =	sor.u32 $0x1C00, s29  }
0x19f: {  	v0 =	vld [tilespmem:s28+$0x4080]  }
0x1a0: {  	v1 =	vld [tilespmem:s28+$0xC080];
	_ =	sdelay $0x4  }
0x1a1: {  	v0 =	vadd.f32 v1, v0;
	_ =	sdelay $0x1  }
0x1a2: {  	[tilespmem:s28+$0x14080] =	vst v0;
	s28 =	sor.u32 $0x1C10, s29  }
0x1a3: {  	v0 =	vld [tilespmem:s28+$0x4080]  }
0x1a4: {  	v57 =	vld [tilespmem:s28+$0xC080];
	_ =	sdelay $0x4  }
0x1a5: {  	v0 =	vadd.f32 v57, v0;
	_ =	sdelay $0x1  }
0x1a6: {  	[tilespmem:s28+$0x14080] =	vst v0;
	s28 =	sor.u32 $0x1C20, s29  }
0x1a7: {  	v0 =	vld [tilespmem:s28+$0x4080]  }
0x1a8: {  	v58 =	vld [tilespmem:s28+$0xC080];
	_ =	sdelay $0x4  }
0x1a9: {  	v0 =	vadd.f32 v58, v0;
	_ =	sdelay $0x1  }
0x1aa: {  	[tilespmem:s28+$0x14080] =	vst v0;
	s28 =	sor.u32 $0x1C30, s29  }
0x1ab: {  	v0 =	vld [tilespmem:s28+$0x4080]  }
0x1ac: {  	v59 =	vld [tilespmem:s28+$0xC080];
	_ =	sdelay $0x4  }
0x1ad: {  	v0 =	vadd.f32 v59, v0;
	_ =	sdelay $0x1  }
0x1ae: {  	[tilespmem:s28+$0x14080] =	vst v0;
	s28 =	sor.u32 $0x1C40, s29  }
0x1af: {  	v0 =	vld [tilespmem:s28+$0x4080]  }
0x1b0: {  	v60 =	vld [tilespmem:s28+$0xC080];
	_ =	sdelay $0x4  }
0x1b1: {  	v0 =	vadd.f32 v60, v0;
	_ =	sdelay $0x1  }
0x1b2: {  	[tilespmem:s28+$0x14080] =	vst v0;
	s28 =	sor.u32 $0x1C50, s29  }
0x1b3: {  	v0 =	vld [tilespmem:s28+$0x4080]  }
0x1b4: {  	v61 =	vld [tilespmem:s28+$0xC080];
	_ =	sdelay $0x4  }
0x1b5: {  	v0 =	vadd.f32 v61, v0;
	_ =	sdelay $0x1  }
0x1b6: {  	[tilespmem:s28+$0x14080] =	vst v0;
	s28 =	sor.u32 $0x1C60, s29  }
0x1b7: {  	v0 =	vld [tilespmem:s28+$0x4080]  }
0x1b8: {  	v62 =	vld [tilespmem:s28+$0xC080];
	_ =	sdelay $0x4  }
0x1b9: {  	v0 =	vadd.f32 v62, v0;
	_ =	sdelay $0x1  }
0x1ba: {  	s29 =	sor.u32 $0x1C70, s29;
	[tilespmem:s28+$0x14080] =	vst v0  }
0x1bb: {  	v0 =	vld [tilespmem:s29+$0x4080]  }
0x1bc: {  	v63 =	vld [tilespmem:s29+$0xC080];
	_ =	sdelay $0x1  }
0x1bd: {  	p0 =	sne.s32 s26, $0x780  }
.Ltmp3:
0x1be: {  	_ = 	snop;
	(pc) =	sbr.rel @p0 .LBB2_5-.Ltmp3, $4  }
0x1bf: {  	_ = 	snop  }
0x1c0: {  	v0 =	vadd.f32 v63, v0  }
0x1c1: {  	s8 =	sadd.s32 $0x400, s8  }
0x1c2: {  	s26 =	sadd.s32 $0x80, s26;
	s25 =	sadd.s32 $0x1, s25;
	s13 =	sadd.s32 $0x400, s13;
	[tilespmem:s29+$0x14080] =	vst v0  }
.Ltmp4:
0x1c3: {  	s8 =	sor.u32 $0x4000, s16;
	(pc) =	sbr.rel @p1 .LBB2_8-.Ltmp4, $4  }
0x1c4: {  	s13 =	sor.u32 s6, s8  }
0x1c5: {  	s13 =	sshrl.u32 s13, $0x3  }
0x1c6: {  	s13 =	sadd.s32 s4, s13  }
0x1c7: {  	[hbm4b:s13+s5] =	stream.linear.scatter [tilespmem:s24], [sflag:$0x6], $0x4000, $0x38;
	[tilespmem:$0x18080] =	vst v63  }
0x1c8: {  	s11 =	sadd.s32 $0x31, s11  }
0x1c9: {  	v0 =	vadd.s32 s11, v6  }
0x1ca: {  	v63 =	vld [tilespmem:$0x1FFF0];
	vm1 =	vgt.s32 v0, $0x0  }
0x1cb: {  	v0 =	vnsel vm1, $0x0, v0  }
0x1cc: {  	v1 =	vshll.u32 v0, $0x3  }
0x1cd: {  	v0 =	vand.u32 $0x7, v0;
	v1 =	vand.u32 $0xFFFFFFC0, v1  }
0x1ce: {  	v0 =	vor.u32 v0, v1  }
0x1cf: {  	v1 =	vperm.xlane v0, v63;
	_ =	sdelay $0x1  }
0x1d0: {  	v1 =	vadd.s32 v4, v1;
	_ =	sdelay $0x3  }
0x1d1: {  	s26 =	simm.s32 $0xC080  }
0x1d2: {  	[tilespmem:s26], [sflag:$0x4] =	stream.indirect_vreg.gather [hbm4b:s3+s5], $0x80, v1, vm0, $0xb8;
	[tilespmem:$0x18080] =	vst v63  }
0x1d3: {  	s28 =	simm.s32 $0xC880;
	v0 =	vperm.xlane v0, v5  }
0x1d4: {  	[tilespmem:s28], [sflag:$0x4] =	stream.indirect_vreg.gather [hbm4b:s9+s5], $0x80, v1, vm0, $0xb8;
	[tilespmem:$0x18080] =	vst v63  }
0x1d5: {  	s29 =	simm.s32 $0xD080;
	v0 =	vadd.s32 v4, v0  }
0x1d6: {  	[tilespmem:s29], [sflag:$0x4] =	stream.indirect_vreg.gather [hbm4b:s10+s5], $0x80, v1, vm0, $0xb8;
	[tilespmem:$0x18080] =	vst v63  }
0x1d7: {  	_ = 	snop  }
0x1d8: {  	[tilespmem:s30], [sflag:$0x4] =	stream.indirect_vreg.gather [hbm4b:s12+s5], $0x80, v1, vm0, $0xb8;
	[tilespmem:$0x18080] =	vst v63  }
0x1d9: {  	_ = 	snop  }
0x1da: {  	[tilespmem:s31], [sflag:$0x4] =	stream.indirect_vreg.gather [hbm4b:s3+s5], $0x80, v0, vm0, $0xb8;
	[tilespmem:$0x18080] =	vst v63  }
0x1db: {  	_ = 	snop  }
0x1dc: {  	[tilespmem:s2], [sflag:$0x4] =	stream.indirect_vreg.gather [hbm4b:s9+s5], $0x80, v0, vm0, $0xb8;
	[tilespmem:$0x18080] =	vst v63  }
0x1dd: {  	_ = 	snop  }
0x1de: {  	[tilespmem:s0], [sflag:$0x4] =	stream.indirect_vreg.gather [hbm4b:s10+s5], $0x80, v0, vm0, $0xb8;
	[tilespmem:$0x18080] =	vst v63  }
.Ltmp5:
0x1df: {  	s8 =	sadd.s32 s8, s14;
	(pc) =	sbr.rel .LBB2_2-.Ltmp5, $4  }
0x1e0: {  	s8 =	sshrl.u32 s8, $0x3  }
0x1e1: {  	[tilespmem:s17], [sflag:$0x4] =	stream.indirect_vreg.gather [hbm4b:s12+s5], $0x80, v0, vm0, $0xb8;
	[tilespmem:$0x18080] =	vst v63  }
0x1e2: {  	s15 =	sadd.s32 $0x1, s15;
	s8 =	sadd.s32 s1, s8  }
0x1e3: {  	[tilespmem:s18], [sflag:$0x2] =	stream.linear.gather [hbm4b:s8+s5], $0x4000, $0x38;
	[tilespmem:$0x18080] =	vst v63  }
.LBB2_9:
0x1e4: {  	_ =	sfence.sel $0x180000  }
0x1e5: {  	[bflag:$0x0] =	sbarrier.arrive $0xFFFF  }
0x1e6: {  	_ =	strace $0x90000047  }
0x1e7: {  	s0 =	stileid.u32;
	[bflag:$0x2] =	sbarrier.arrive $0xFFFF  }
0x1e8: {  	p0 =	sne.s32 s0, $0x0;
	s0 =	rddreg [dreg:$0x4]  }
0x1e9: {  	s0 =	sadd.s32 @!p0 $0x100000, s0  }
0x1ea: {  	[sflag:s0] =	ssyncadd.tile.s32 @!p0 $0x1;
	_ =	shalt  }
.Lfunc_end2:
_tile_overlayer_lowered:
.L_overlay_start_2:
0x1eb: {  	(tag) =	ssettag $0x2  }
0x1ec: {  	s0 =	rddreg [dreg:$0x0];
	s2 =	stileid.u32  }
0x1ed: {  	s1 =	rddreg [dreg:$0x1];
	p0 =	sne.s32 s2, $0x0  }
0x1ee: {  	s3 =	rddreg [dreg:$0x2];
	[bflag:$0x3] =	sbarrier.arrive $0xFFFF;
	s2 =	simm.s32 @!p0 $0x1C07  }
0x1ef: {  	[timem:s3], [sflag:s2] =	dma.local @!p0 [hbm:s0], s1  }
0x1f0: {  	s0 =	simm.s32 @!p0 $0x7  }
0x1f1: {  	_ =	swait.ge @!p0 [sflag:s0], s1  }
0x1f2: {  	s1 =	ssub.s32 @!p0 $0x0, s1;
	[sflag:s0] =	ssyncset.done @!p0 $0x0  }
0x1f3: {  	[sflag:s0] =	ssyncadd.s32 @!p0 s1  }
0x1f4: {  	[bflag:$0x3] =	sbarrier.arrive $0xFFFF  }
0x1f5: {  	_ =	shalt  }

</sc_bundles>
